<compile_context>
chip_gen: v7x
topology: tpu7x:2x2x1
jax: 0.10.2.dev20260603
libtpu: 0.0.44.dev20260713+nightly
codegen_flags: <defaults>
</compile_context>

<pallas_src>
import jax
import jax.numpy as jnp
from jax import lax
from jax.experimental import pallas as pl
from jax.experimental.pallas import tpu as pltpu
from jax.experimental.pallas import tpu_sc as plsc

NC = 2
NS = 16
NW = NC * NS

VOCAB = 100000
MAXLEN = 200
D = 32
BATCH = 4096
GROUPS = BATCH // 16
NBUF = 3


def _body(xt_hbm, tokT_hbm, pos_hbm, out_hbm, row_v, idx0, idx1, idx2,
          buf0, buf1, buf2, pos_v, si0, si1, si2, ss0, ss1, ss2):
    d = lax.axis_index("s") * NC + lax.axis_index("c")

    idx = (idx0, idx1, idx2)
    bufs = (buf0, buf1, buf2)
    sem_i = (si0, si1, si2)
    sem_s = (ss0, ss1, ss2)

    pltpu.sync_copy(tokT_hbm.at[d], row_v)
    pltpu.sync_copy(pos_hbm, pos_v)

    zeros = lax.iota(jnp.int32, 16) * 0

    def step(t, r, drain, refire):
        pltpu.make_async_copy(xt_hbm.at[t], idx[r], sem_i[r]).wait()

        pb = plsc.load_gather(pos_v, [zeros + t, zeros + d])

        if drain:
            pltpu.make_async_copy(bufs[r], out_hbm.at[t - NBUF, d],
                                  sem_s[r]).wait()

        src = idx[r]
        dst = bufs[r]

        @plsc.parallel_loop(0, GROUPS, unroll=32)
        def _(g):
            iv = src[pl.ds(g * 16, 16)]
            v = plsc.load_gather(row_v, [iv])
            dst[pl.ds(g * 16, 16)] = v + pb

        pltpu.async_copy(bufs[r], out_hbm.at[t, d], sem_s[r])

        if refire:
            pltpu.async_copy(xt_hbm.at[t + NBUF], idx[r], sem_i[r])

    for r in range(NBUF):
        pltpu.async_copy(xt_hbm.at[r], idx[r], sem_i[r])

    for t in range(NBUF):
        step(t, t, drain=False, refire=True)

    def ring_body(j, _):
        t = NBUF * j
        for r in range(NBUF):
            step(t + r, r, drain=True, refire=True)
        return 0

    lax.fori_loop(1, 65, ring_body, 0)

    step(195, 0, drain=True, refire=True)
    step(196, 1, drain=True, refire=True)
    step(197, 2, drain=True, refire=False)
    step(198, 0, drain=True, refire=False)
    step(199, 1, drain=True, refire=False)

    for t in range(MAXLEN - NBUF, MAXLEN):
        pltpu.make_async_copy(bufs[t % NBUF], out_hbm.at[t, d],
                              sem_s[t % NBUF]).wait()


@jax.jit
def _embed(xt, tokT, pos_table):
    mesh = plsc.VectorSubcoreMesh(core_axis_name="c", subcore_axis_name="s")
    return pl.kernel(
        _body,
        out_type=jax.ShapeDtypeStruct((MAXLEN, D, BATCH), jnp.float32),
        mesh=mesh,
        scratch_types=[
            pltpu.VMEM((VOCAB,), jnp.float32),
            pltpu.VMEM((BATCH,), jnp.int32),
            pltpu.VMEM((BATCH,), jnp.int32),
            pltpu.VMEM((BATCH,), jnp.int32),
            pltpu.VMEM((BATCH,), jnp.float32),
            pltpu.VMEM((BATCH,), jnp.float32),
            pltpu.VMEM((BATCH,), jnp.float32),
            pltpu.VMEM((MAXLEN, D), jnp.float32),
            pltpu.SemaphoreType.DMA,
            pltpu.SemaphoreType.DMA,
            pltpu.SemaphoreType.DMA,
            pltpu.SemaphoreType.DMA,
            pltpu.SemaphoreType.DMA,
            pltpu.SemaphoreType.DMA,
        ],
        compiler_params=pltpu.CompilerParams(use_tc_tiling_on_sc=False,
                                             needs_layout_passes=False),
    )(xt, tokT, pos_table)


def kernel(x, token_table, pos_table):
    xt = jnp.swapaxes(x, 0, 1).astype(jnp.int32)
    tokT = jnp.swapaxes(token_table, 0, 1)
    out_tdb = _embed(xt, tokT, pos_table)
    return jnp.transpose(out_tdb, (2, 0, 1))

# --- scband reference (transcript-rebuilt; emitter-appended) ---
"""Pipeline reference for scband-token-and-position-embedding-17222818857572 (READ-ONLY COPY).

The authoritative reference and input builder live on the scoring server;
editing this copy changes nothing except your own understanding.
"""

import jax, jax.numpy as jnp
import numpy as np

VOCAB_SIZE = 100000
MAXLEN = 200
EMBED_DIM = 32
BATCH = 4096


def setup_inputs(seed: int = 0) -> dict:
    key = jax.random.key(seed)
    k_x, k_tok, k_pos = jax.random.split(key, 3)
    x = jax.random.randint(k_x, (BATCH, MAXLEN), 0, VOCAB_SIZE, dtype=jnp.int64 if jax.config.jax_enable_x64 else jnp.int32)
    token_table = jax.random.normal(k_tok, (VOCAB_SIZE, EMBED_DIM), dtype=jnp.float32) * 0.05
    pos_table = jax.random.normal(k_pos, (MAXLEN, EMBED_DIM), dtype=jnp.float32) * 0.05
    return {"x": x, "token_table": token_table, "pos_table": pos_table}


def reference(x, token_table, pos_table):
    # maxlen = shape(x)[-1]
    maxlen = x.shape[-1]
    positions = jnp.arange(0, maxlen, 1)
    pos_embed = jnp.take(pos_table, positions, axis=0)          # [maxlen, d]
    tok_embed = jnp.take(token_table, x, axis=0)                # [B, maxlen, d]
    return tok_embed + pos_embed[None, :, :]

if __name__ == "__main__":
    import jax
    _d = setup_inputs()
    print(jax.jit(kernel)(*tuple(_d.values())))

</pallas_src>

<mosaic_0001>
#map = affine_map<(d0, d1) -> (0, 0)>
#map1 = affine_map<(d0, d1) -> (0, 0, 0)>
module attributes {stable_mosaic.version = 14 : i64} {
  func.func @_body(%arg0: i32, %arg1: i32, %arg2: memref<200x4096xi32, #tpu.memory_space<hbm>>, %arg3: memref<32x100000xf32, #tpu.memory_space<hbm>>, %arg4: memref<200x32xf32, #tpu.memory_space<hbm>>, %arg5: memref<200x32x4096xf32, #tpu.memory_space<hbm>>, %arg6: memref<100000xf32, #tpu.memory_space<vmem>>, %arg7: memref<4096xi32, #tpu.memory_space<vmem>>, %arg8: memref<4096xi32, #tpu.memory_space<vmem>>, %arg9: memref<4096xi32, #tpu.memory_space<vmem>>, %arg10: memref<4096xf32, #tpu.memory_space<vmem>>, %arg11: memref<4096xf32, #tpu.memory_space<vmem>>, %arg12: memref<4096xf32, #tpu.memory_space<vmem>>, %arg13: memref<200x32xf32, #tpu.memory_space<vmem>>, %arg14: memref<!tpu.dma_semaphore, #tpu.memory_space<semaphore_mem>>, %arg15: memref<!tpu.dma_semaphore, #tpu.memory_space<semaphore_mem>>, %arg16: memref<!tpu.dma_semaphore, #tpu.memory_space<semaphore_mem>>, %arg17: memref<!tpu.dma_semaphore, #tpu.memory_space<semaphore_mem>>, %arg18: memref<!tpu.dma_semaphore, #tpu.memory_space<semaphore_mem>>, %arg19: memref<!tpu.dma_semaphore, #tpu.memory_space<semaphore_mem>>) attributes {dimension_semantics = [#tpu.dimension_semantics<core_parallel>, #tpu.dimension_semantics<subcore_parallel>], iteration_bounds = array<i64: 2, 16>, scalar_prefetch = 0 : i64, scratch_operands = 14 : i64, tpu.core_type = #tpu.core_type<sc_vector_subcore>, window_params = [{transform_indices = #map}, {transform_indices = #map}, {transform_indices = #map}, {transform_indices = #map1}]} {
    %mul3A = arith.constant 2 : i32
    %mul3A_0 = arith.muli %arg1, %mul3A : i32
    %add3A = arith.addi %mul3A_0, %arg0 : i32
    "tpu.region"() ({
      %run_scoped3A = tpu.sem_alloc : memref<!tpu.dma_semaphore, #tpu.memory_space<semaphore_mem>>
      %dma_start3A_302 = arith.constant 0 : i32
      %dma_start3A_303 = tpu.memref_slice %arg3[%add3A, %dma_start3A_302] : memref<32x100000xf32, #tpu.memory_space<hbm>> -> memref<1x100000xf32, #tpu.memory_space<hbm>>
      %dma_start3A_304 = tpu.memref_squeeze %dma_start3A_303 : memref<1x100000xf32, #tpu.memory_space<hbm>> -> memref<100000xf32, #tpu.memory_space<hbm>>
      %dma_start3A_305 = arith.constant 0 : i32
      %dma_start3A_306 = tpu.memref_slice %arg3[%add3A, %dma_start3A_305] : memref<32x100000xf32, #tpu.memory_space<hbm>> -> memref<1x100000xf32, #tpu.memory_space<hbm>>
      %dma_start3A_307 = tpu.memref_squeeze %dma_start3A_306 : memref<1x100000xf32, #tpu.memory_space<hbm>> -> memref<100000xf32, #tpu.memory_space<hbm>>
      tpu.enqueue_dma source(%dma_start3A_307 : memref<100000xf32, #tpu.memory_space<hbm>>) target(%arg6 : memref<100000xf32, #tpu.memory_space<vmem>>) target_semaphore(%run_scoped3A : memref<!tpu.dma_semaphore, #tpu.memory_space<semaphore_mem>>)
      %dma_wait3A_308 = arith.constant 0 : i32
      %dma_wait3A_309 = tpu.memref_slice %arg3[%add3A, %dma_wait3A_308] : memref<32x100000xf32, #tpu.memory_space<hbm>> -> memref<1x100000xf32, #tpu.memory_space<hbm>>
      %dma_wait3A_310 = tpu.memref_squeeze %dma_wait3A_309 : memref<1x100000xf32, #tpu.memory_space<hbm>> -> memref<100000xf32, #tpu.memory_space<hbm>>
      %dma_wait3A_311 = arith.constant 0 : i32
      %dma_wait3A_312 = tpu.memref_slice %arg3[%add3A, %dma_wait3A_311] : memref<32x100000xf32, #tpu.memory_space<hbm>> -> memref<1x100000xf32, #tpu.memory_space<hbm>>
      %dma_wait3A_313 = tpu.memref_squeeze %dma_wait3A_312 : memref<1x100000xf32, #tpu.memory_space<hbm>> -> memref<100000xf32, #tpu.memory_space<hbm>>
      tpu.wait_dma2 semaphore(%run_scoped3A : memref<!tpu.dma_semaphore, #tpu.memory_space<semaphore_mem>>) src(%dma_wait3A_313 : memref<100000xf32, #tpu.memory_space<hbm>>) dst(%arg6 : memref<100000xf32, #tpu.memory_space<vmem>>)
      tpu.yield
    }) : () -> ()
    "tpu.region"() ({
      %run_scoped3A = tpu.sem_alloc : memref<!tpu.dma_semaphore, #tpu.memory_space<semaphore_mem>>
      tpu.enqueue_dma source(%arg4 : memref<200x32xf32, #tpu.memory_space<hbm>>) target(%arg13 : memref<200x32xf32, #tpu.memory_space<vmem>>) target_semaphore(%run_scoped3A : memref<!tpu.dma_semaphore, #tpu.memory_space<semaphore_mem>>)
      tpu.wait_dma2 semaphore(%run_scoped3A : memref<!tpu.dma_semaphore, #tpu.memory_space<semaphore_mem>>) src(%arg4 : memref<200x32xf32, #tpu.memory_space<hbm>>) dst(%arg13 : memref<200x32xf32, #tpu.memory_space<vmem>>)
      tpu.yield
    }) : () -> ()
    %iota3A = tpu.iota {dimensions = array<i32: 0>} : vector<16xi32>
    %mul3A_1 = arith.constant 0 : i32
    %mul3A_2 = vector.broadcast %mul3A_1 : i32 to vector<16xi32>
    %mul3A_3 = arith.muli %iota3A, %mul3A_2 : vector<16xi32>
    %dma_start3A = arith.constant 0 : i32
    %dma_start3A_4 = arith.constant 0 : i32
    %dma_start3A_5 = tpu.memref_slice %arg2[%dma_start3A, %dma_start3A_4] : memref<200x4096xi32, #tpu.memory_space<hbm>> -> memref<1x4096xi32, #tpu.memory_space<hbm>>
    %dma_start3A_6 = tpu.memref_squeeze %dma_start3A_5 : memref<1x4096xi32, #tpu.memory_space<hbm>> -> memref<4096xi32, #tpu.memory_space<hbm>>
    %dma_start3A_7 = arith.constant 0 : i32
    %dma_start3A_8 = tpu.memref_slice %arg2[%dma_start3A, %dma_start3A_7] : memref<200x4096xi32, #tpu.memory_space<hbm>> -> memref<1x4096xi32, #tpu.memory_space<hbm>>
    %dma_start3A_9 = tpu.memref_squeeze %dma_start3A_8 : memref<1x4096xi32, #tpu.memory_space<hbm>> -> memref<4096xi32, #tpu.memory_space<hbm>>
    tpu.enqueue_dma source(%dma_start3A_9 : memref<4096xi32, #tpu.memory_space<hbm>>) target(%arg7 : memref<4096xi32, #tpu.memory_space<vmem>>) target_semaphore(%arg14 : memref<!tpu.dma_semaphore, #tpu.memory_space<semaphore_mem>>)
    %dma_start3A_10 = arith.constant 1 : i32
    %dma_start3A_11 = arith.constant 0 : i32
    %dma_start3A_12 = tpu.memref_slice %arg2[%dma_start3A_10, %dma_start3A_11] : memref<200x4096xi32, #tpu.memory_space<hbm>> -> memref<1x4096xi32, #tpu.memory_space<hbm>>
    %dma_start3A_13 = tpu.memref_squeeze %dma_start3A_12 : memref<1x4096xi32, #tpu.memory_space<hbm>> -> memref<4096xi32, #tpu.memory_space<hbm>>
    %dma_start3A_14 = arith.constant 0 : i32
    %dma_start3A_15 = tpu.memref_slice %arg2[%dma_start3A_10, %dma_start3A_14] : memref<200x4096xi32, #tpu.memory_space<hbm>> -> memref<1x4096xi32, #tpu.memory_space<hbm>>
    %dma_start3A_16 = tpu.memref_squeeze %dma_start3A_15 : memref<1x4096xi32, #tpu.memory_space<hbm>> -> memref<4096xi32, #tpu.memory_space<hbm>>
    tpu.enqueue_dma source(%dma_start3A_16 : memref<4096xi32, #tpu.memory_space<hbm>>) target(%arg8 : memref<4096xi32, #tpu.memory_space<vmem>>) target_semaphore(%arg15 : memref<!tpu.dma_semaphore, #tpu.memory_space<semaphore_mem>>)
    %dma_start3A_17 = arith.constant 2 : i32
    %dma_start3A_18 = arith.constant 0 : i32
    %dma_start3A_19 = tpu.memref_slice %arg2[%dma_start3A_17, %dma_start3A_18] : memref<200x4096xi32, #tpu.memory_space<hbm>> -> memref<1x4096xi32, #tpu.memory_space<hbm>>
    %dma_start3A_20 = tpu.memref_squeeze %dma_start3A_19 : memref<1x4096xi32, #tpu.memory_space<hbm>> -> memref<4096xi32, #tpu.memory_space<hbm>>
    %dma_start3A_21 = arith.constant 0 : i32
    %dma_start3A_22 = tpu.memref_slice %arg2[%dma_start3A_17, %dma_start3A_21] : memref<200x4096xi32, #tpu.memory_space<hbm>> -> memref<1x4096xi32, #tpu.memory_space<hbm>>
    %dma_start3A_23 = tpu.memref_squeeze %dma_start3A_22 : memref<1x4096xi32, #tpu.memory_space<hbm>> -> memref<4096xi32, #tpu.memory_space<hbm>>
    tpu.enqueue_dma source(%dma_start3A_23 : memref<4096xi32, #tpu.memory_space<hbm>>) target(%arg9 : memref<4096xi32, #tpu.memory_space<vmem>>) target_semaphore(%arg16 : memref<!tpu.dma_semaphore, #tpu.memory_space<semaphore_mem>>)
    %dma_wait3A = arith.constant 0 : i32
    %dma_wait3A_24 = arith.constant 0 : i32
    %dma_wait3A_25 = tpu.memref_slice %arg2[%dma_wait3A, %dma_wait3A_24] : memref<200x4096xi32, #tpu.memory_space<hbm>> -> memref<1x4096xi32, #tpu.memory_space<hbm>>
    %dma_wait3A_26 = tpu.memref_squeeze %dma_wait3A_25 : memref<1x4096xi32, #tpu.memory_space<hbm>> -> memref<4096xi32, #tpu.memory_space<hbm>>
    %dma_wait3A_27 = arith.constant 0 : i32
    %dma_wait3A_28 = tpu.memref_slice %arg2[%dma_wait3A, %dma_wait3A_27] : memref<200x4096xi32, #tpu.memory_space<hbm>> -> memref<1x4096xi32, #tpu.memory_space<hbm>>
    %dma_wait3A_29 = tpu.memref_squeeze %dma_wait3A_28 : memref<1x4096xi32, #tpu.memory_space<hbm>> -> memref<4096xi32, #tpu.memory_space<hbm>>
    tpu.wait_dma2 semaphore(%arg14 : memref<!tpu.dma_semaphore, #tpu.memory_space<semaphore_mem>>) src(%dma_wait3A_29 : memref<4096xi32, #tpu.memory_space<hbm>>) dst(%arg7 : memref<4096xi32, #tpu.memory_space<vmem>>)
    %add3A_30 = arith.constant 0 : i32
    %add3A_31 = vector.broadcast %add3A_30 : i32 to vector<16xi32>
    %add3A_32 = arith.addi %mul3A_3, %add3A_31 : vector<16xi32>
    %add3A_33 = vector.broadcast %add3A : i32 to vector<16xi32>
    %add3A_34 = arith.addi %mul3A_3, %add3A_33 : vector<16xi32>
    %gather3A = tpu.vector_load_idx %arg13[%add3A_32, %add3A_34] : memref<200x32xf32, #tpu.memory_space<vmem>>[vector<16xi32>, vector<16xi32>], vector<16xf32>,
    %parallel_loop3A = arith.constant 0 : i32
    %parallel_loop3A_35 = arith.constant 256 : i32
    %parallel_loop3A_36 = arith.constant 1 : i32
    scf.for %parallel_loop3A_302 = %parallel_loop3A to %parallel_loop3A_35 step %parallel_loop3A_36  : i32 {
      %parallel_loop3A_303 = arith.constant 16 : i32
      %parallel_loop3A_304 = arith.muli %parallel_loop3A_302, %parallel_loop3A_303 : i32
      %parallel_loop3A_305 = arith.index_cast %parallel_loop3A_304 : i32 to index
      %parallel_loop3A_306 = tpu.vector_load %arg7[%parallel_loop3A_305] {strides = array<i32>} : memref<4096xi32, #tpu.memory_space<vmem>>, vector<16xi32>,
      %parallel_loop3A_307 = tpu.vector_load_idx %arg6[%parallel_loop3A_306] : memref<100000xf32, #tpu.memory_space<vmem>>[vector<16xi32>], vector<16xf32>,
      %parallel_loop3A_308 = arith.addf %parallel_loop3A_307, %gather3A : vector<16xf32>
      %parallel_loop3A_309 = arith.constant 16 : i32
      %parallel_loop3A_310 = arith.muli %parallel_loop3A_302, %parallel_loop3A_309 : i32
      %parallel_loop3A_311 = arith.index_cast %parallel_loop3A_310 : i32 to index
      %parallel_loop3A_312 = tpu.vector_load %arg10[%parallel_loop3A_311] {strides = array<i32>} : memref<4096xf32, #tpu.memory_space<vmem>>, vector<16xf32>,
      tpu.vector_store %arg10[%parallel_loop3A_311], %parallel_loop3A_308 {strides = array<i32>} : memref<4096xf32, #tpu.memory_space<vmem>>, vector<16xf32>,
    } {sc.loop_unroll_factor = 32 : i64, sc.parallel_access}
    %dma_start3A_37 = arith.constant 0 : i32
    %dma_start3A_38 = arith.constant 0 : i32
    %dma_start3A_39 = tpu.memref_slice %arg5[%dma_start3A_37, %add3A, %dma_start3A_38] : memref<200x32x4096xf32, #tpu.memory_space<hbm>> -> memref<1x1x4096xf32, #tpu.memory_space<hbm>>
    %dma_start3A_40 = tpu.memref_squeeze %dma_start3A_39 : memref<1x1x4096xf32, #tpu.memory_space<hbm>> -> memref<4096xf32, #tpu.memory_space<hbm>>
    %dma_start3A_41 = arith.constant 0 : i32
    %dma_start3A_42 = tpu.memref_slice %arg5[%dma_start3A_37, %add3A, %dma_start3A_41] : memref<200x32x4096xf32, #tpu.memory_space<hbm>> -> memref<1x1x4096xf32, #tpu.memory_space<hbm>>
    %dma_start3A_43 = tpu.memref_squeeze %dma_start3A_42 : memref<1x1x4096xf32, #tpu.memory_space<hbm>> -> memref<4096xf32, #tpu.memory_space<hbm>>
    tpu.enqueue_dma source(%arg10 : memref<4096xf32, #tpu.memory_space<vmem>>) target(%dma_start3A_43 : memref<4096xf32, #tpu.memory_space<hbm>>) target_semaphore(%arg17 : memref<!tpu.dma_semaphore, #tpu.memory_space<semaphore_mem>>)
    %dma_start3A_44 = arith.constant 3 : i32
    %dma_start3A_45 = arith.constant 0 : i32
    %dma_start3A_46 = tpu.memref_slice %arg2[%dma_start3A_44, %dma_start3A_45] : memref<200x4096xi32, #tpu.memory_space<hbm>> -> memref<1x4096xi32, #tpu.memory_space<hbm>>
    %dma_start3A_47 = tpu.memref_squeeze %dma_start3A_46 : memref<1x4096xi32, #tpu.memory_space<hbm>> -> memref<4096xi32, #tpu.memory_space<hbm>>
    %dma_start3A_48 = arith.constant 0 : i32
    %dma_start3A_49 = tpu.memref_slice %arg2[%dma_start3A_44, %dma_start3A_48] : memref<200x4096xi32, #tpu.memory_space<hbm>> -> memref<1x4096xi32, #tpu.memory_space<hbm>>
    %dma_start3A_50 = tpu.memref_squeeze %dma_start3A_49 : memref<1x4096xi32, #tpu.memory_space<hbm>> -> memref<4096xi32, #tpu.memory_space<hbm>>
    tpu.enqueue_dma source(%dma_start3A_50 : memref<4096xi32, #tpu.memory_space<hbm>>) target(%arg7 : memref<4096xi32, #tpu.memory_space<vmem>>) target_semaphore(%arg14 : memref<!tpu.dma_semaphore, #tpu.memory_space<semaphore_mem>>)
    %dma_wait3A_51 = arith.constant 1 : i32
    %dma_wait3A_52 = arith.constant 0 : i32
    %dma_wait3A_53 = tpu.memref_slice %arg2[%dma_wait3A_51, %dma_wait3A_52] : memref<200x4096xi32, #tpu.memory_space<hbm>> -> memref<1x4096xi32, #tpu.memory_space<hbm>>
    %dma_wait3A_54 = tpu.memref_squeeze %dma_wait3A_53 : memref<1x4096xi32, #tpu.memory_space<hbm>> -> memref<4096xi32, #tpu.memory_space<hbm>>
    %dma_wait3A_55 = arith.constant 0 : i32
    %dma_wait3A_56 = tpu.memref_slice %arg2[%dma_wait3A_51, %dma_wait3A_55] : memref<200x4096xi32, #tpu.memory_space<hbm>> -> memref<1x4096xi32, #tpu.memory_space<hbm>>
    %dma_wait3A_57 = tpu.memref_squeeze %dma_wait3A_56 : memref<1x4096xi32, #tpu.memory_space<hbm>> -> memref<4096xi32, #tpu.memory_space<hbm>>
    tpu.wait_dma2 semaphore(%arg15 : memref<!tpu.dma_semaphore, #tpu.memory_space<semaphore_mem>>) src(%dma_wait3A_57 : memref<4096xi32, #tpu.memory_space<hbm>>) dst(%arg8 : memref<4096xi32, #tpu.memory_space<vmem>>)
    %add3A_58 = arith.constant 1 : i32
    %add3A_59 = vector.broadcast %add3A_58 : i32 to vector<16xi32>
    %add3A_60 = arith.addi %mul3A_3, %add3A_59 : vector<16xi32>
    %add3A_61 = vector.broadcast %add3A : i32 to vector<16xi32>
    %add3A_62 = arith.addi %mul3A_3, %add3A_61 : vector<16xi32>
    %gather3A_63 = tpu.vector_load_idx %arg13[%add3A_60, %add3A_62] : memref<200x32xf32, #tpu.memory_space<vmem>>[vector<16xi32>, vector<16xi32>], vector<16xf32>,
    %parallel_loop3A_64 = arith.constant 0 : i32
    %parallel_loop3A_65 = arith.constant 256 : i32
    %parallel_loop3A_66 = arith.constant 1 : i32
    scf.for %parallel_loop3A_302 = %parallel_loop3A_64 to %parallel_loop3A_65 step %parallel_loop3A_66  : i32 {
      %parallel_loop3A_303 = arith.constant 16 : i32
      %parallel_loop3A_304 = arith.muli %parallel_loop3A_302, %parallel_loop3A_303 : i32
      %parallel_loop3A_305 = arith.index_cast %parallel_loop3A_304 : i32 to index
      %parallel_loop3A_306 = tpu.vector_load %arg8[%parallel_loop3A_305] {strides = array<i32>} : memref<4096xi32, #tpu.memory_space<vmem>>, vector<16xi32>,
      %parallel_loop3A_307 = tpu.vector_load_idx %arg6[%parallel_loop3A_306] : memref<100000xf32, #tpu.memory_space<vmem>>[vector<16xi32>], vector<16xf32>,
      %parallel_loop3A_308 = arith.addf %parallel_loop3A_307, %gather3A_63 : vector<16xf32>
      %parallel_loop3A_309 = arith.constant 16 : i32
      %parallel_loop3A_310 = arith.muli %parallel_loop3A_302, %parallel_loop3A_309 : i32
      %parallel_loop3A_311 = arith.index_cast %parallel_loop3A_310 : i32 to index
      %parallel_loop3A_312 = tpu.vector_load %arg11[%parallel_loop3A_311] {strides = array<i32>} : memref<4096xf32, #tpu.memory_space<vmem>>, vector<16xf32>,
      tpu.vector_store %arg11[%parallel_loop3A_311], %parallel_loop3A_308 {strides = array<i32>} : memref<4096xf32, #tpu.memory_space<vmem>>, vector<16xf32>,
    } {sc.loop_unroll_factor = 32 : i64, sc.parallel_access}
    %dma_start3A_67 = arith.constant 1 : i32
    %dma_start3A_68 = arith.constant 0 : i32
    %dma_start3A_69 = tpu.memref_slice %arg5[%dma_start3A_67, %add3A, %dma_start3A_68] : memref<200x32x4096xf32, #tpu.memory_space<hbm>> -> memref<1x1x4096xf32, #tpu.memory_space<hbm>>
    %dma_start3A_70 = tpu.memref_squeeze %dma_start3A_69 : memref<1x1x4096xf32, #tpu.memory_space<hbm>> -> memref<4096xf32, #tpu.memory_space<hbm>>
    %dma_start3A_71 = arith.constant 0 : i32
    %dma_start3A_72 = tpu.memref_slice %arg5[%dma_start3A_67, %add3A, %dma_start3A_71] : memref<200x32x4096xf32, #tpu.memory_space<hbm>> -> memref<1x1x4096xf32, #tpu.memory_space<hbm>>
    %dma_start3A_73 = tpu.memref_squeeze %dma_start3A_72 : memref<1x1x4096xf32, #tpu.memory_space<hbm>> -> memref<4096xf32, #tpu.memory_space<hbm>>
    tpu.enqueue_dma source(%arg11 : memref<4096xf32, #tpu.memory_space<vmem>>) target(%dma_start3A_73 : memref<4096xf32, #tpu.memory_space<hbm>>) target_semaphore(%arg18 : memref<!tpu.dma_semaphore, #tpu.memory_space<semaphore_mem>>)
    %dma_start3A_74 = arith.constant 4 : i32
    %dma_start3A_75 = arith.constant 0 : i32
    %dma_start3A_76 = tpu.memref_slice %arg2[%dma_start3A_74, %dma_start3A_75] : memref<200x4096xi32, #tpu.memory_space<hbm>> -> memref<1x4096xi32, #tpu.memory_space<hbm>>
    %dma_start3A_77 = tpu.memref_squeeze %dma_start3A_76 : memref<1x4096xi32, #tpu.memory_space<hbm>> -> memref<4096xi32, #tpu.memory_space<hbm>>
    %dma_start3A_78 = arith.constant 0 : i32
    %dma_start3A_79 = tpu.memref_slice %arg2[%dma_start3A_74, %dma_start3A_78] : memref<200x4096xi32, #tpu.memory_space<hbm>> -> memref<1x4096xi32, #tpu.memory_space<hbm>>
    %dma_start3A_80 = tpu.memref_squeeze %dma_start3A_79 : memref<1x4096xi32, #tpu.memory_space<hbm>> -> memref<4096xi32, #tpu.memory_space<hbm>>
    tpu.enqueue_dma source(%dma_start3A_80 : memref<4096xi32, #tpu.memory_space<hbm>>) target(%arg8 : memref<4096xi32, #tpu.memory_space<vmem>>) target_semaphore(%arg15 : memref<!tpu.dma_semaphore, #tpu.memory_space<semaphore_mem>>)
    %dma_wait3A_81 = arith.constant 2 : i32
    %dma_wait3A_82 = arith.constant 0 : i32
    %dma_wait3A_83 = tpu.memref_slice %arg2[%dma_wait3A_81, %dma_wait3A_82] : memref<200x4096xi32, #tpu.memory_space<hbm>> -> memref<1x4096xi32, #tpu.memory_space<hbm>>
    %dma_wait3A_84 = tpu.memref_squeeze %dma_wait3A_83 : memref<1x4096xi32, #tpu.memory_space<hbm>> -> memref<4096xi32, #tpu.memory_space<hbm>>
    %dma_wait3A_85 = arith.constant 0 : i32
    %dma_wait3A_86 = tpu.memref_slice %arg2[%dma_wait3A_81, %dma_wait3A_85] : memref<200x4096xi32, #tpu.memory_space<hbm>> -> memref<1x4096xi32, #tpu.memory_space<hbm>>
    %dma_wait3A_87 = tpu.memref_squeeze %dma_wait3A_86 : memref<1x4096xi32, #tpu.memory_space<hbm>> -> memref<4096xi32, #tpu.memory_space<hbm>>
    tpu.wait_dma2 semaphore(%arg16 : memref<!tpu.dma_semaphore, #tpu.memory_space<semaphore_mem>>) src(%dma_wait3A_87 : memref<4096xi32, #tpu.memory_space<hbm>>) dst(%arg9 : memref<4096xi32, #tpu.memory_space<vmem>>)
    %add3A_88 = arith.constant 2 : i32
    %add3A_89 = vector.broadcast %add3A_88 : i32 to vector<16xi32>
    %add3A_90 = arith.addi %mul3A_3, %add3A_89 : vector<16xi32>
    %add3A_91 = vector.broadcast %add3A : i32 to vector<16xi32>
    %add3A_92 = arith.addi %mul3A_3, %add3A_91 : vector<16xi32>
    %gather3A_93 = tpu.vector_load_idx %arg13[%add3A_90, %add3A_92] : memref<200x32xf32, #tpu.memory_space<vmem>>[vector<16xi32>, vector<16xi32>], vector<16xf32>,
    %parallel_loop3A_94 = arith.constant 0 : i32
    %parallel_loop3A_95 = arith.constant 256 : i32
    %parallel_loop3A_96 = arith.constant 1 : i32
    scf.for %parallel_loop3A_302 = %parallel_loop3A_94 to %parallel_loop3A_95 step %parallel_loop3A_96  : i32 {
      %parallel_loop3A_303 = arith.constant 16 : i32
      %parallel_loop3A_304 = arith.muli %parallel_loop3A_302, %parallel_loop3A_303 : i32
      %parallel_loop3A_305 = arith.index_cast %parallel_loop3A_304 : i32 to index
      %parallel_loop3A_306 = tpu.vector_load %arg9[%parallel_loop3A_305] {strides = array<i32>} : memref<4096xi32, #tpu.memory_space<vmem>>, vector<16xi32>,
      %parallel_loop3A_307 = tpu.vector_load_idx %arg6[%parallel_loop3A_306] : memref<100000xf32, #tpu.memory_space<vmem>>[vector<16xi32>], vector<16xf32>,
      %parallel_loop3A_308 = arith.addf %parallel_loop3A_307, %gather3A_93 : vector<16xf32>
      %parallel_loop3A_309 = arith.constant 16 : i32
      %parallel_loop3A_310 = arith.muli %parallel_loop3A_302, %parallel_loop3A_309 : i32
      %parallel_loop3A_311 = arith.index_cast %parallel_loop3A_310 : i32 to index
      %parallel_loop3A_312 = tpu.vector_load %arg12[%parallel_loop3A_311] {strides = array<i32>} : memref<4096xf32, #tpu.memory_space<vmem>>, vector<16xf32>,
      tpu.vector_store %arg12[%parallel_loop3A_311], %parallel_loop3A_308 {strides = array<i32>} : memref<4096xf32, #tpu.memory_space<vmem>>, vector<16xf32>,
    } {sc.loop_unroll_factor = 32 : i64, sc.parallel_access}
    %dma_start3A_97 = arith.constant 2 : i32
    %dma_start3A_98 = arith.constant 0 : i32
    %dma_start3A_99 = tpu.memref_slice %arg5[%dma_start3A_97, %add3A, %dma_start3A_98] : memref<200x32x4096xf32, #tpu.memory_space<hbm>> -> memref<1x1x4096xf32, #tpu.memory_space<hbm>>
    %dma_start3A_100 = tpu.memref_squeeze %dma_start3A_99 : memref<1x1x4096xf32, #tpu.memory_space<hbm>> -> memref<4096xf32, #tpu.memory_space<hbm>>
    %dma_start3A_101 = arith.constant 0 : i32
    %dma_start3A_102 = tpu.memref_slice %arg5[%dma_start3A_97, %add3A, %dma_start3A_101] : memref<200x32x4096xf32, #tpu.memory_space<hbm>> -> memref<1x1x4096xf32, #tpu.memory_space<hbm>>
    %dma_start3A_103 = tpu.memref_squeeze %dma_start3A_102 : memref<1x1x4096xf32, #tpu.memory_space<hbm>> -> memref<4096xf32, #tpu.memory_space<hbm>>
    tpu.enqueue_dma source(%arg12 : memref<4096xf32, #tpu.memory_space<vmem>>) target(%dma_start3A_103 : memref<4096xf32, #tpu.memory_space<hbm>>) target_semaphore(%arg19 : memref<!tpu.dma_semaphore, #tpu.memory_space<semaphore_mem>>)
    %dma_start3A_104 = arith.constant 5 : i32
    %dma_start3A_105 = arith.constant 0 : i32
    %dma_start3A_106 = tpu.memref_slice %arg2[%dma_start3A_104, %dma_start3A_105] : memref<200x4096xi32, #tpu.memory_space<hbm>> -> memref<1x4096xi32, #tpu.memory_space<hbm>>
    %dma_start3A_107 = tpu.memref_squeeze %dma_start3A_106 : memref<1x4096xi32, #tpu.memory_space<hbm>> -> memref<4096xi32, #tpu.memory_space<hbm>>
    %dma_start3A_108 = arith.constant 0 : i32
    %dma_start3A_109 = tpu.memref_slice %arg2[%dma_start3A_104, %dma_start3A_108] : memref<200x4096xi32, #tpu.memory_space<hbm>> -> memref<1x4096xi32, #tpu.memory_space<hbm>>
    %dma_start3A_110 = tpu.memref_squeeze %dma_start3A_109 : memref<1x4096xi32, #tpu.memory_space<hbm>> -> memref<4096xi32, #tpu.memory_space<hbm>>
    tpu.enqueue_dma source(%dma_start3A_110 : memref<4096xi32, #tpu.memory_space<hbm>>) target(%arg9 : memref<4096xi32, #tpu.memory_space<vmem>>) target_semaphore(%arg16 : memref<!tpu.dma_semaphore, #tpu.memory_space<semaphore_mem>>)
    %scan3A = arith.constant 0 : i32
    %scan3A_111 = arith.constant 1 : i32
    %scan3A_112 = arith.constant 64 : i32
    %scan3A_113 = arith.addi %scan3A_111, %scan3A_112 : i32
    %scan3A_114 = arith.constant 1 : i32
    %scan3A_115 = scf.for %scan3A_302 = %scan3A_111 to %scan3A_113 step %scan3A_114 iter_args(%scan3A_303 = %scan3A) -> (i32)  : i32 {
      %mul3A_304 = arith.constant 3 : i32
      %mul3A_305 = arith.muli %mul3A_304, %scan3A_302 : i32
      %add3A_306 = arith.constant 0 : i32
      %add3A_307 = arith.addi %mul3A_305, %add3A_306 : i32
      %dma_wait3A_308 = arith.constant 0 : i32
      %dma_wait3A_309 = tpu.memref_slice %arg2[%add3A_307, %dma_wait3A_308] : memref<200x4096xi32, #tpu.memory_space<hbm>> -> memref<1x4096xi32, #tpu.memory_space<hbm>>
      %dma_wait3A_310 = tpu.memref_squeeze %dma_wait3A_309 : memref<1x4096xi32, #tpu.memory_space<hbm>> -> memref<4096xi32, #tpu.memory_space<hbm>>
      %dma_wait3A_311 = arith.constant 0 : i32
      %dma_wait3A_312 = tpu.memref_slice %arg2[%add3A_307, %dma_wait3A_311] : memref<200x4096xi32, #tpu.memory_space<hbm>> -> memref<1x4096xi32, #tpu.memory_space<hbm>>
      %dma_wait3A_313 = tpu.memref_squeeze %dma_wait3A_312 : memref<1x4096xi32, #tpu.memory_space<hbm>> -> memref<4096xi32, #tpu.memory_space<hbm>>
      tpu.wait_dma2 semaphore(%arg14 : memref<!tpu.dma_semaphore, #tpu.memory_space<semaphore_mem>>) src(%dma_wait3A_313 : memref<4096xi32, #tpu.memory_space<hbm>>) dst(%arg7 : memref<4096xi32, #tpu.memory_space<vmem>>)
      %add3A_314 = vector.broadcast %add3A_307 : i32 to vector<16xi32>
      %add3A_315 = arith.addi %mul3A_3, %add3A_314 : vector<16xi32>
      %add3A_316 = vector.broadcast %add3A : i32 to vector<16xi32>
      %add3A_317 = arith.addi %mul3A_3, %add3A_316 : vector<16xi32>
      %gather3A_318 = tpu.vector_load_idx %arg13[%add3A_315, %add3A_317] : memref<200x32xf32, #tpu.memory_space<vmem>>[vector<16xi32>, vector<16xi32>], vector<16xf32>,
      %sub3A = arith.constant 3 : i32
      %sub3A_319 = arith.subi %add3A_307, %sub3A : i32
      %dma_wait3A_320 = arith.constant 0 : i32
      %dma_wait3A_321 = tpu.memref_slice %arg5[%sub3A_319, %add3A, %dma_wait3A_320] : memref<200x32x4096xf32, #tpu.memory_space<hbm>> -> memref<1x1x4096xf32, #tpu.memory_space<hbm>>
      %dma_wait3A_322 = tpu.memref_squeeze %dma_wait3A_321 : memref<1x1x4096xf32, #tpu.memory_space<hbm>> -> memref<4096xf32, #tpu.memory_space<hbm>>
      %dma_wait3A_323 = arith.constant 0 : i32
      %dma_wait3A_324 = tpu.memref_slice %arg5[%sub3A_319, %add3A, %dma_wait3A_323] : memref<200x32x4096xf32, #tpu.memory_space<hbm>> -> memref<1x1x4096xf32, #tpu.memory_space<hbm>>
      %dma_wait3A_325 = tpu.memref_squeeze %dma_wait3A_324 : memref<1x1x4096xf32, #tpu.memory_space<hbm>> -> memref<4096xf32, #tpu.memory_space<hbm>>
      tpu.wait_dma2 semaphore(%arg17 : memref<!tpu.dma_semaphore, #tpu.memory_space<semaphore_mem>>) src(%arg10 : memref<4096xf32, #tpu.memory_space<vmem>>) dst(%dma_wait3A_325 : memref<4096xf32, #tpu.memory_space<hbm>>)
      %parallel_loop3A_326 = arith.constant 0 : i32
      %parallel_loop3A_327 = arith.constant 256 : i32
      %parallel_loop3A_328 = arith.constant 1 : i32
      scf.for %parallel_loop3A_420 = %parallel_loop3A_326 to %parallel_loop3A_327 step %parallel_loop3A_328  : i32 {
        %parallel_loop3A_421 = arith.constant 16 : i32
        %parallel_loop3A_422 = arith.muli %parallel_loop3A_420, %parallel_loop3A_421 : i32
        %parallel_loop3A_423 = arith.index_cast %parallel_loop3A_422 : i32 to index
        %parallel_loop3A_424 = tpu.vector_load %arg7[%parallel_loop3A_423] {strides = array<i32>} : memref<4096xi32, #tpu.memory_space<vmem>>, vector<16xi32>,
        %parallel_loop3A_425 = tpu.vector_load_idx %arg6[%parallel_loop3A_424] : memref<100000xf32, #tpu.memory_space<vmem>>[vector<16xi32>], vector<16xf32>,
        %parallel_loop3A_426 = arith.addf %parallel_loop3A_425, %gather3A_318 : vector<16xf32>
        %parallel_loop3A_427 = arith.constant 16 : i32
        %parallel_loop3A_428 = arith.muli %parallel_loop3A_420, %parallel_loop3A_427 : i32
        %parallel_loop3A_429 = arith.index_cast %parallel_loop3A_428 : i32 to index
        %parallel_loop3A_430 = tpu.vector_load %arg10[%parallel_loop3A_429] {strides = array<i32>} : memref<4096xf32, #tpu.memory_space<vmem>>, vector<16xf32>,
        tpu.vector_store %arg10[%parallel_loop3A_429], %parallel_loop3A_426 {strides = array<i32>} : memref<4096xf32, #tpu.memory_space<vmem>>, vector<16xf32>,
      } {sc.loop_unroll_factor = 32 : i64, sc.parallel_access}
      %dma_start3A_329 = arith.constant 0 : i32
      %dma_start3A_330 = tpu.memref_slice %arg5[%add3A_307, %add3A, %dma_start3A_329] : memref<200x32x4096xf32, #tpu.memory_space<hbm>> -> memref<1x1x4096xf32, #tpu.memory_space<hbm>>
      %dma_start3A_331 = tpu.memref_squeeze %dma_start3A_330 : memref<1x1x4096xf32, #tpu.memory_space<hbm>> -> memref<4096xf32, #tpu.memory_space<hbm>>
      %dma_start3A_332 = arith.constant 0 : i32
      %dma_start3A_333 = tpu.memref_slice %arg5[%add3A_307, %add3A, %dma_start3A_332] : memref<200x32x4096xf32, #tpu.memory_space<hbm>> -> memref<1x1x4096xf32, #tpu.memory_space<hbm>>
      %dma_start3A_334 = tpu.memref_squeeze %dma_start3A_333 : memref<1x1x4096xf32, #tpu.memory_space<hbm>> -> memref<4096xf32, #tpu.memory_space<hbm>>
      tpu.enqueue_dma source(%arg10 : memref<4096xf32, #tpu.memory_space<vmem>>) target(%dma_start3A_334 : memref<4096xf32, #tpu.memory_space<hbm>>) target_semaphore(%arg17 : memref<!tpu.dma_semaphore, #tpu.memory_space<semaphore_mem>>)
      %add3A_335 = arith.constant 3 : i32
      %add3A_336 = arith.addi %add3A_307, %add3A_335 : i32
      %dma_start3A_337 = arith.constant 0 : i32
      %dma_start3A_338 = tpu.memref_slice %arg2[%add3A_336, %dma_start3A_337] : memref<200x4096xi32, #tpu.memory_space<hbm>> -> memref<1x4096xi32, #tpu.memory_space<hbm>>
      %dma_start3A_339 = tpu.memref_squeeze %dma_start3A_338 : memref<1x4096xi32, #tpu.memory_space<hbm>> -> memref<4096xi32, #tpu.memory_space<hbm>>
      %dma_start3A_340 = arith.constant 0 : i32
      %dma_start3A_341 = tpu.memref_slice %arg2[%add3A_336, %dma_start3A_340] : memref<200x4096xi32, #tpu.memory_space<hbm>> -> memref<1x4096xi32, #tpu.memory_space<hbm>>
      %dma_start3A_342 = tpu.memref_squeeze %dma_start3A_341 : memref<1x4096xi32, #tpu.memory_space<hbm>> -> memref<4096xi32, #tpu.memory_space<hbm>>
      tpu.enqueue_dma source(%dma_start3A_342 : memref<4096xi32, #tpu.memory_space<hbm>>) target(%arg7 : memref<4096xi32, #tpu.memory_space<vmem>>) target_semaphore(%arg14 : memref<!tpu.dma_semaphore, #tpu.memory_space<semaphore_mem>>)
      %add3A_343 = arith.constant 1 : i32
      %add3A_344 = arith.addi %mul3A_305, %add3A_343 : i32
      %dma_wait3A_345 = arith.constant 0 : i32
      %dma_wait3A_346 = tpu.memref_slice %arg2[%add3A_344, %dma_wait3A_345] : memref<200x4096xi32, #tpu.memory_space<hbm>> -> memref<1x4096xi32, #tpu.memory_space<hbm>>
      %dma_wait3A_347 = tpu.memref_squeeze %dma_wait3A_346 : memref<1x4096xi32, #tpu.memory_space<hbm>> -> memref<4096xi32, #tpu.memory_space<hbm>>
      %dma_wait3A_348 = arith.constant 0 : i32
      %dma_wait3A_349 = tpu.memref_slice %arg2[%add3A_344, %dma_wait3A_348] : memref<200x4096xi32, #tpu.memory_space<hbm>> -> memref<1x4096xi32, #tpu.memory_space<hbm>>
      %dma_wait3A_350 = tpu.memref_squeeze %dma_wait3A_349 : memref<1x4096xi32, #tpu.memory_space<hbm>> -> memref<4096xi32, #tpu.memory_space<hbm>>
      tpu.wait_dma2 semaphore(%arg15 : memref<!tpu.dma_semaphore, #tpu.memory_space<semaphore_mem>>) src(%dma_wait3A_350 : memref<4096xi32, #tpu.memory_space<hbm>>) dst(%arg8 : memref<4096xi32, #tpu.memory_space<vmem>>)
      %add3A_351 = vector.broadcast %add3A_344 : i32 to vector<16xi32>
      %add3A_352 = arith.addi %mul3A_3, %add3A_351 : vector<16xi32>
      %add3A_353 = vector.broadcast %add3A : i32 to vector<16xi32>
      %add3A_354 = arith.addi %mul3A_3, %add3A_353 : vector<16xi32>
      %gather3A_355 = tpu.vector_load_idx %arg13[%add3A_352, %add3A_354] : memref<200x32xf32, #tpu.memory_space<vmem>>[vector<16xi32>, vector<16xi32>], vector<16xf32>,
      %sub3A_356 = arith.constant 3 : i32
      %sub3A_357 = arith.subi %add3A_344, %sub3A_356 : i32
      %dma_wait3A_358 = arith.constant 0 : i32
      %dma_wait3A_359 = tpu.memref_slice %arg5[%sub3A_357, %add3A, %dma_wait3A_358] : memref<200x32x4096xf32, #tpu.memory_space<hbm>> -> memref<1x1x4096xf32, #tpu.memory_space<hbm>>
      %dma_wait3A_360 = tpu.memref_squeeze %dma_wait3A_359 : memref<1x1x4096xf32, #tpu.memory_space<hbm>> -> memref<4096xf32, #tpu.memory_space<hbm>>
      %dma_wait3A_361 = arith.constant 0 : i32
      %dma_wait3A_362 = tpu.memref_slice %arg5[%sub3A_357, %add3A, %dma_wait3A_361] : memref<200x32x4096xf32, #tpu.memory_space<hbm>> -> memref<1x1x4096xf32, #tpu.memory_space<hbm>>
      %dma_wait3A_363 = tpu.memref_squeeze %dma_wait3A_362 : memref<1x1x4096xf32, #tpu.memory_space<hbm>> -> memref<4096xf32, #tpu.memory_space<hbm>>
      tpu.wait_dma2 semaphore(%arg18 : memref<!tpu.dma_semaphore, #tpu.memory_space<semaphore_mem>>) src(%arg11 : memref<4096xf32, #tpu.memory_space<vmem>>) dst(%dma_wait3A_363 : memref<4096xf32, #tpu.memory_space<hbm>>)
      %parallel_loop3A_364 = arith.constant 0 : i32
      %parallel_loop3A_365 = arith.constant 256 : i32
      %parallel_loop3A_366 = arith.constant 1 : i32
      scf.for %parallel_loop3A_420 = %parallel_loop3A_364 to %parallel_loop3A_365 step %parallel_loop3A_366  : i32 {
        %parallel_loop3A_421 = arith.constant 16 : i32
        %parallel_loop3A_422 = arith.muli %parallel_loop3A_420, %parallel_loop3A_421 : i32
        %parallel_loop3A_423 = arith.index_cast %parallel_loop3A_422 : i32 to index
        %parallel_loop3A_424 = tpu.vector_load %arg8[%parallel_loop3A_423] {strides = array<i32>} : memref<4096xi32, #tpu.memory_space<vmem>>, vector<16xi32>,
        %parallel_loop3A_425 = tpu.vector_load_idx %arg6[%parallel_loop3A_424] : memref<100000xf32, #tpu.memory_space<vmem>>[vector<16xi32>], vector<16xf32>,
        %parallel_loop3A_426 = arith.addf %parallel_loop3A_425, %gather3A_355 : vector<16xf32>
        %parallel_loop3A_427 = arith.constant 16 : i32
        %parallel_loop3A_428 = arith.muli %parallel_loop3A_420, %parallel_loop3A_427 : i32
        %parallel_loop3A_429 = arith.index_cast %parallel_loop3A_428 : i32 to index
        %parallel_loop3A_430 = tpu.vector_load %arg11[%parallel_loop3A_429] {strides = array<i32>} : memref<4096xf32, #tpu.memory_space<vmem>>, vector<16xf32>,
        tpu.vector_store %arg11[%parallel_loop3A_429], %parallel_loop3A_426 {strides = array<i32>} : memref<4096xf32, #tpu.memory_space<vmem>>, vector<16xf32>,
      } {sc.loop_unroll_factor = 32 : i64, sc.parallel_access}
      %dma_start3A_367 = arith.constant 0 : i32
      %dma_start3A_368 = tpu.memref_slice %arg5[%add3A_344, %add3A, %dma_start3A_367] : memref<200x32x4096xf32, #tpu.memory_space<hbm>> -> memref<1x1x4096xf32, #tpu.memory_space<hbm>>
      %dma_start3A_369 = tpu.memref_squeeze %dma_start3A_368 : memref<1x1x4096xf32, #tpu.memory_space<hbm>> -> memref<4096xf32, #tpu.memory_space<hbm>>
      %dma_start3A_370 = arith.constant 0 : i32
      %dma_start3A_371 = tpu.memref_slice %arg5[%add3A_344, %add3A, %dma_start3A_370] : memref<200x32x4096xf32, #tpu.memory_space<hbm>> -> memref<1x1x4096xf32, #tpu.memory_space<hbm>>
      %dma_start3A_372 = tpu.memref_squeeze %dma_start3A_371 : memref<1x1x4096xf32, #tpu.memory_space<hbm>> -> memref<4096xf32, #tpu.memory_space<hbm>>
      tpu.enqueue_dma source(%arg11 : memref<4096xf32, #tpu.memory_space<vmem>>) target(%dma_start3A_372 : memref<4096xf32, #tpu.memory_space<hbm>>) target_semaphore(%arg18 : memref<!tpu.dma_semaphore, #tpu.memory_space<semaphore_mem>>)
      %add3A_373 = arith.constant 3 : i32
      %add3A_374 = arith.addi %add3A_344, %add3A_373 : i32
      %dma_start3A_375 = arith.constant 0 : i32
      %dma_start3A_376 = tpu.memref_slice %arg2[%add3A_374, %dma_start3A_375] : memref<200x4096xi32, #tpu.memory_space<hbm>> -> memref<1x4096xi32, #tpu.memory_space<hbm>>
      %dma_start3A_377 = tpu.memref_squeeze %dma_start3A_376 : memref<1x4096xi32, #tpu.memory_space<hbm>> -> memref<4096xi32, #tpu.memory_space<hbm>>
      %dma_start3A_378 = arith.constant 0 : i32
      %dma_start3A_379 = tpu.memref_slice %arg2[%add3A_374, %dma_start3A_378] : memref<200x4096xi32, #tpu.memory_space<hbm>> -> memref<1x4096xi32, #tpu.memory_space<hbm>>
      %dma_start3A_380 = tpu.memref_squeeze %dma_start3A_379 : memref<1x4096xi32, #tpu.memory_space<hbm>> -> memref<4096xi32, #tpu.memory_space<hbm>>
      tpu.enqueue_dma source(%dma_start3A_380 : memref<4096xi32, #tpu.memory_space<hbm>>) target(%arg8 : memref<4096xi32, #tpu.memory_space<vmem>>) target_semaphore(%arg15 : memref<!tpu.dma_semaphore, #tpu.memory_space<semaphore_mem>>)
      %add3A_381 = arith.constant 2 : i32
      %add3A_382 = arith.addi %mul3A_305, %add3A_381 : i32
      %dma_wait3A_383 = arith.constant 0 : i32
      %dma_wait3A_384 = tpu.memref_slice %arg2[%add3A_382, %dma_wait3A_383] : memref<200x4096xi32, #tpu.memory_space<hbm>> -> memref<1x4096xi32, #tpu.memory_space<hbm>>
      %dma_wait3A_385 = tpu.memref_squeeze %dma_wait3A_384 : memref<1x4096xi32, #tpu.memory_space<hbm>> -> memref<4096xi32, #tpu.memory_space<hbm>>
      %dma_wait3A_386 = arith.constant 0 : i32
      %dma_wait3A_387 = tpu.memref_slice %arg2[%add3A_382, %dma_wait3A_386] : memref<200x4096xi32, #tpu.memory_space<hbm>> -> memref<1x4096xi32, #tpu.memory_space<hbm>>
      %dma_wait3A_388 = tpu.memref_squeeze %dma_wait3A_387 : memref<1x4096xi32, #tpu.memory_space<hbm>> -> memref<4096xi32, #tpu.memory_space<hbm>>
      tpu.wait_dma2 semaphore(%arg16 : memref<!tpu.dma_semaphore, #tpu.memory_space<semaphore_mem>>) src(%dma_wait3A_388 : memref<4096xi32, #tpu.memory_space<hbm>>) dst(%arg9 : memref<4096xi32, #tpu.memory_space<vmem>>)
      %add3A_389 = vector.broadcast %add3A_382 : i32 to vector<16xi32>
      %add3A_390 = arith.addi %mul3A_3, %add3A_389 : vector<16xi32>
      %add3A_391 = vector.broadcast %add3A : i32 to vector<16xi32>
      %add3A_392 = arith.addi %mul3A_3, %add3A_391 : vector<16xi32>
      %gather3A_393 = tpu.vector_load_idx %arg13[%add3A_390, %add3A_392] : memref<200x32xf32, #tpu.memory_space<vmem>>[vector<16xi32>, vector<16xi32>], vector<16xf32>,
      %sub3A_394 = arith.constant 3 : i32
      %sub3A_395 = arith.subi %add3A_382, %sub3A_394 : i32
      %dma_wait3A_396 = arith.constant 0 : i32
      %dma_wait3A_397 = tpu.memref_slice %arg5[%sub3A_395, %add3A, %dma_wait3A_396] : memref<200x32x4096xf32, #tpu.memory_space<hbm>> -> memref<1x1x4096xf32, #tpu.memory_space<hbm>>
      %dma_wait3A_398 = tpu.memref_squeeze %dma_wait3A_397 : memref<1x1x4096xf32, #tpu.memory_space<hbm>> -> memref<4096xf32, #tpu.memory_space<hbm>>
      %dma_wait3A_399 = arith.constant 0 : i32
      %dma_wait3A_400 = tpu.memref_slice %arg5[%sub3A_395, %add3A, %dma_wait3A_399] : memref<200x32x4096xf32, #tpu.memory_space<hbm>> -> memref<1x1x4096xf32, #tpu.memory_space<hbm>>
      %dma_wait3A_401 = tpu.memref_squeeze %dma_wait3A_400 : memref<1x1x4096xf32, #tpu.memory_space<hbm>> -> memref<4096xf32, #tpu.memory_space<hbm>>
      tpu.wait_dma2 semaphore(%arg19 : memref<!tpu.dma_semaphore, #tpu.memory_space<semaphore_mem>>) src(%arg12 : memref<4096xf32, #tpu.memory_space<vmem>>) dst(%dma_wait3A_401 : memref<4096xf32, #tpu.memory_space<hbm>>)
      %parallel_loop3A_402 = arith.constant 0 : i32
      %parallel_loop3A_403 = arith.constant 256 : i32
      %parallel_loop3A_404 = arith.constant 1 : i32
      scf.for %parallel_loop3A_420 = %parallel_loop3A_402 to %parallel_loop3A_403 step %parallel_loop3A_404  : i32 {
        %parallel_loop3A_421 = arith.constant 16 : i32
        %parallel_loop3A_422 = arith.muli %parallel_loop3A_420, %parallel_loop3A_421 : i32
        %parallel_loop3A_423 = arith.index_cast %parallel_loop3A_422 : i32 to index
        %parallel_loop3A_424 = tpu.vector_load %arg9[%parallel_loop3A_423] {strides = array<i32>} : memref<4096xi32, #tpu.memory_space<vmem>>, vector<16xi32>,
        %parallel_loop3A_425 = tpu.vector_load_idx %arg6[%parallel_loop3A_424] : memref<100000xf32, #tpu.memory_space<vmem>>[vector<16xi32>], vector<16xf32>,
        %parallel_loop3A_426 = arith.addf %parallel_loop3A_425, %gather3A_393 : vector<16xf32>
        %parallel_loop3A_427 = arith.constant 16 : i32
        %parallel_loop3A_428 = arith.muli %parallel_loop3A_420, %parallel_loop3A_427 : i32
        %parallel_loop3A_429 = arith.index_cast %parallel_loop3A_428 : i32 to index
        %parallel_loop3A_430 = tpu.vector_load %arg12[%parallel_loop3A_429] {strides = array<i32>} : memref<4096xf32, #tpu.memory_space<vmem>>, vector<16xf32>,
        tpu.vector_store %arg12[%parallel_loop3A_429], %parallel_loop3A_426 {strides = array<i32>} : memref<4096xf32, #tpu.memory_space<vmem>>, vector<16xf32>,
      } {sc.loop_unroll_factor = 32 : i64, sc.parallel_access}
      %dma_start3A_405 = arith.constant 0 : i32
      %dma_start3A_406 = tpu.memref_slice %arg5[%add3A_382, %add3A, %dma_start3A_405] : memref<200x32x4096xf32, #tpu.memory_space<hbm>> -> memref<1x1x4096xf32, #tpu.memory_space<hbm>>
      %dma_start3A_407 = tpu.memref_squeeze %dma_start3A_406 : memref<1x1x4096xf32, #tpu.memory_space<hbm>> -> memref<4096xf32, #tpu.memory_space<hbm>>
      %dma_start3A_408 = arith.constant 0 : i32
      %dma_start3A_409 = tpu.memref_slice %arg5[%add3A_382, %add3A, %dma_start3A_408] : memref<200x32x4096xf32, #tpu.memory_space<hbm>> -> memref<1x1x4096xf32, #tpu.memory_space<hbm>>
      %dma_start3A_410 = tpu.memref_squeeze %dma_start3A_409 : memref<1x1x4096xf32, #tpu.memory_space<hbm>> -> memref<4096xf32, #tpu.memory_space<hbm>>
      tpu.enqueue_dma source(%arg12 : memref<4096xf32, #tpu.memory_space<vmem>>) target(%dma_start3A_410 : memref<4096xf32, #tpu.memory_space<hbm>>) target_semaphore(%arg19 : memref<!tpu.dma_semaphore, #tpu.memory_space<semaphore_mem>>)
      %add3A_411 = arith.constant 3 : i32
      %add3A_412 = arith.addi %add3A_382, %add3A_411 : i32
      %dma_start3A_413 = arith.constant 0 : i32
      %dma_start3A_414 = tpu.memref_slice %arg2[%add3A_412, %dma_start3A_413] : memref<200x4096xi32, #tpu.memory_space<hbm>> -> memref<1x4096xi32, #tpu.memory_space<hbm>>
      %dma_start3A_415 = tpu.memref_squeeze %dma_start3A_414 : memref<1x4096xi32, #tpu.memory_space<hbm>> -> memref<4096xi32, #tpu.memory_space<hbm>>
      %dma_start3A_416 = arith.constant 0 : i32
      %dma_start3A_417 = tpu.memref_slice %arg2[%add3A_412, %dma_start3A_416] : memref<200x4096xi32, #tpu.memory_space<hbm>> -> memref<1x4096xi32, #tpu.memory_space<hbm>>
      %dma_start3A_418 = tpu.memref_squeeze %dma_start3A_417 : memref<1x4096xi32, #tpu.memory_space<hbm>> -> memref<4096xi32, #tpu.memory_space<hbm>>
      tpu.enqueue_dma source(%dma_start3A_418 : memref<4096xi32, #tpu.memory_space<hbm>>) target(%arg9 : memref<4096xi32, #tpu.memory_space<vmem>>) target_semaphore(%arg16 : memref<!tpu.dma_semaphore, #tpu.memory_space<semaphore_mem>>)
      %scan3A_419 = arith.constant 0 : i32
      scf.yield %scan3A_419 : i32
    }
    %scan3A_116 = arith.constant 64 : i32
    %dma_wait3A_117 = arith.constant 195 : i32
    %dma_wait3A_118 = arith.constant 0 : i32
    %dma_wait3A_119 = tpu.memref_slice %arg2[%dma_wait3A_117, %dma_wait3A_118] : memref<200x4096xi32, #tpu.memory_space<hbm>> -> memref<1x4096xi32, #tpu.memory_space<hbm>>
    %dma_wait3A_120 = tpu.memref_squeeze %dma_wait3A_119 : memref<1x4096xi32, #tpu.memory_space<hbm>> -> memref<4096xi32, #tpu.memory_space<hbm>>
    %dma_wait3A_121 = arith.constant 0 : i32
    %dma_wait3A_122 = tpu.memref_slice %arg2[%dma_wait3A_117, %dma_wait3A_121] : memref<200x4096xi32, #tpu.memory_space<hbm>> -> memref<1x4096xi32, #tpu.memory_space<hbm>>
    %dma_wait3A_123 = tpu.memref_squeeze %dma_wait3A_122 : memref<1x4096xi32, #tpu.memory_space<hbm>> -> memref<4096xi32, #tpu.memory_space<hbm>>
    tpu.wait_dma2 semaphore(%arg14 : memref<!tpu.dma_semaphore, #tpu.memory_space<semaphore_mem>>) src(%dma_wait3A_123 : memref<4096xi32, #tpu.memory_space<hbm>>) dst(%arg7 : memref<4096xi32, #tpu.memory_space<vmem>>)
    %add3A_124 = arith.constant 195 : i32
    %add3A_125 = vector.broadcast %add3A_124 : i32 to vector<16xi32>
    %add3A_126 = arith.addi %mul3A_3, %add3A_125 : vector<16xi32>
    %add3A_127 = vector.broadcast %add3A : i32 to vector<16xi32>
    %add3A_128 = arith.addi %mul3A_3, %add3A_127 : vector<16xi32>
    %gather3A_129 = tpu.vector_load_idx %arg13[%add3A_126, %add3A_128] : memref<200x32xf32, #tpu.memory_space<vmem>>[vector<16xi32>, vector<16xi32>], vector<16xf32>,
    %dma_wait3A_130 = arith.constant 192 : i32
    %dma_wait3A_131 = arith.constant 0 : i32
    %dma_wait3A_132 = tpu.memref_slice %arg5[%dma_wait3A_130, %add3A, %dma_wait3A_131] : memref<200x32x4096xf32, #tpu.memory_space<hbm>> -> memref<1x1x4096xf32, #tpu.memory_space<hbm>>
    %dma_wait3A_133 = tpu.memref_squeeze %dma_wait3A_132 : memref<1x1x4096xf32, #tpu.memory_space<hbm>> -> memref<4096xf32, #tpu.memory_space<hbm>>
    %dma_wait3A_134 = arith.constant 0 : i32
    %dma_wait3A_135 = tpu.memref_slice %arg5[%dma_wait3A_130, %add3A, %dma_wait3A_134] : memref<200x32x4096xf32, #tpu.memory_space<hbm>> -> memref<1x1x4096xf32, #tpu.memory_space<hbm>>
    %dma_wait3A_136 = tpu.memref_squeeze %dma_wait3A_135 : memref<1x1x4096xf32, #tpu.memory_space<hbm>> -> memref<4096xf32, #tpu.memory_space<hbm>>
    tpu.wait_dma2 semaphore(%arg17 : memref<!tpu.dma_semaphore, #tpu.memory_space<semaphore_mem>>) src(%arg10 : memref<4096xf32, #tpu.memory_space<vmem>>) dst(%dma_wait3A_136 : memref<4096xf32, #tpu.memory_space<hbm>>)
    %parallel_loop3A_137 = arith.constant 0 : i32
    %parallel_loop3A_138 = arith.constant 256 : i32
    %parallel_loop3A_139 = arith.constant 1 : i32
    scf.for %parallel_loop3A_302 = %parallel_loop3A_137 to %parallel_loop3A_138 step %parallel_loop3A_139  : i32 {
      %parallel_loop3A_303 = arith.constant 16 : i32
      %parallel_loop3A_304 = arith.muli %parallel_loop3A_302, %parallel_loop3A_303 : i32
      %parallel_loop3A_305 = arith.index_cast %parallel_loop3A_304 : i32 to index
      %parallel_loop3A_306 = tpu.vector_load %arg7[%parallel_loop3A_305] {strides = array<i32>} : memref<4096xi32, #tpu.memory_space<vmem>>, vector<16xi32>,
      %parallel_loop3A_307 = tpu.vector_load_idx %arg6[%parallel_loop3A_306] : memref<100000xf32, #tpu.memory_space<vmem>>[vector<16xi32>], vector<16xf32>,
      %parallel_loop3A_308 = arith.addf %parallel_loop3A_307, %gather3A_129 : vector<16xf32>
      %parallel_loop3A_309 = arith.constant 16 : i32
      %parallel_loop3A_310 = arith.muli %parallel_loop3A_302, %parallel_loop3A_309 : i32
      %parallel_loop3A_311 = arith.index_cast %parallel_loop3A_310 : i32 to index
      %parallel_loop3A_312 = tpu.vector_load %arg10[%parallel_loop3A_311] {strides = array<i32>} : memref<4096xf32, #tpu.memory_space<vmem>>, vector<16xf32>,
      tpu.vector_store %arg10[%parallel_loop3A_311], %parallel_loop3A_308 {strides = array<i32>} : memref<4096xf32, #tpu.memory_space<vmem>>, vector<16xf32>,
    } {sc.loop_unroll_factor = 32 : i64, sc.parallel_access}
    %dma_start3A_140 = arith.constant 195 : i32
    %dma_start3A_141 = arith.constant 0 : i32
    %dma_start3A_142 = tpu.memref_slice %arg5[%dma_start3A_140, %add3A, %dma_start3A_141] : memref<200x32x4096xf32, #tpu.memory_space<hbm>> -> memref<1x1x4096xf32, #tpu.memory_space<hbm>>
    %dma_start3A_143 = tpu.memref_squeeze %dma_start3A_142 : memref<1x1x4096xf32, #tpu.memory_space<hbm>> -> memref<4096xf32, #tpu.memory_space<hbm>>
    %dma_start3A_144 = arith.constant 0 : i32
    %dma_start3A_145 = tpu.memref_slice %arg5[%dma_start3A_140, %add3A, %dma_start3A_144] : memref<200x32x4096xf32, #tpu.memory_space<hbm>> -> memref<1x1x4096xf32, #tpu.memory_space<hbm>>
    %dma_start3A_146 = tpu.memref_squeeze %dma_start3A_145 : memref<1x1x4096xf32, #tpu.memory_space<hbm>> -> memref<4096xf32, #tpu.memory_space<hbm>>
    tpu.enqueue_dma source(%arg10 : memref<4096xf32, #tpu.memory_space<vmem>>) target(%dma_start3A_146 : memref<4096xf32, #tpu.memory_space<hbm>>) target_semaphore(%arg17 : memref<!tpu.dma_semaphore, #tpu.memory_space<semaphore_mem>>)
    %dma_start3A_147 = arith.constant 198 : i32
    %dma_start3A_148 = arith.constant 0 : i32
    %dma_start3A_149 = tpu.memref_slice %arg2[%dma_start3A_147, %dma_start3A_148] : memref<200x4096xi32, #tpu.memory_space<hbm>> -> memref<1x4096xi32, #tpu.memory_space<hbm>>
    %dma_start3A_150 = tpu.memref_squeeze %dma_start3A_149 : memref<1x4096xi32, #tpu.memory_space<hbm>> -> memref<4096xi32, #tpu.memory_space<hbm>>
    %dma_start3A_151 = arith.constant 0 : i32
    %dma_start3A_152 = tpu.memref_slice %arg2[%dma_start3A_147, %dma_start3A_151] : memref<200x4096xi32, #tpu.memory_space<hbm>> -> memref<1x4096xi32, #tpu.memory_space<hbm>>
    %dma_start3A_153 = tpu.memref_squeeze %dma_start3A_152 : memref<1x4096xi32, #tpu.memory_space<hbm>> -> memref<4096xi32, #tpu.memory_space<hbm>>
    tpu.enqueue_dma source(%dma_start3A_153 : memref<4096xi32, #tpu.memory_space<hbm>>) target(%arg7 : memref<4096xi32, #tpu.memory_space<vmem>>) target_semaphore(%arg14 : memref<!tpu.dma_semaphore, #tpu.memory_space<semaphore_mem>>)
    %dma_wait3A_154 = arith.constant 196 : i32
    %dma_wait3A_155 = arith.constant 0 : i32
    %dma_wait3A_156 = tpu.memref_slice %arg2[%dma_wait3A_154, %dma_wait3A_155] : memref<200x4096xi32, #tpu.memory_space<hbm>> -> memref<1x4096xi32, #tpu.memory_space<hbm>>
    %dma_wait3A_157 = tpu.memref_squeeze %dma_wait3A_156 : memref<1x4096xi32, #tpu.memory_space<hbm>> -> memref<4096xi32, #tpu.memory_space<hbm>>
    %dma_wait3A_158 = arith.constant 0 : i32
    %dma_wait3A_159 = tpu.memref_slice %arg2[%dma_wait3A_154, %dma_wait3A_158] : memref<200x4096xi32, #tpu.memory_space<hbm>> -> memref<1x4096xi32, #tpu.memory_space<hbm>>
    %dma_wait3A_160 = tpu.memref_squeeze %dma_wait3A_159 : memref<1x4096xi32, #tpu.memory_space<hbm>> -> memref<4096xi32, #tpu.memory_space<hbm>>
    tpu.wait_dma2 semaphore(%arg15 : memref<!tpu.dma_semaphore, #tpu.memory_space<semaphore_mem>>) src(%dma_wait3A_160 : memref<4096xi32, #tpu.memory_space<hbm>>) dst(%arg8 : memref<4096xi32, #tpu.memory_space<vmem>>)
    %add3A_161 = arith.constant 196 : i32
    %add3A_162 = vector.broadcast %add3A_161 : i32 to vector<16xi32>
    %add3A_163 = arith.addi %mul3A_3, %add3A_162 : vector<16xi32>
    %add3A_164 = vector.broadcast %add3A : i32 to vector<16xi32>
    %add3A_165 = arith.addi %mul3A_3, %add3A_164 : vector<16xi32>
    %gather3A_166 = tpu.vector_load_idx %arg13[%add3A_163, %add3A_165] : memref<200x32xf32, #tpu.memory_space<vmem>>[vector<16xi32>, vector<16xi32>], vector<16xf32>,
    %dma_wait3A_167 = arith.constant 193 : i32
    %dma_wait3A_168 = arith.constant 0 : i32
    %dma_wait3A_169 = tpu.memref_slice %arg5[%dma_wait3A_167, %add3A, %dma_wait3A_168] : memref<200x32x4096xf32, #tpu.memory_space<hbm>> -> memref<1x1x4096xf32, #tpu.memory_space<hbm>>
    %dma_wait3A_170 = tpu.memref_squeeze %dma_wait3A_169 : memref<1x1x4096xf32, #tpu.memory_space<hbm>> -> memref<4096xf32, #tpu.memory_space<hbm>>
    %dma_wait3A_171 = arith.constant 0 : i32
    %dma_wait3A_172 = tpu.memref_slice %arg5[%dma_wait3A_167, %add3A, %dma_wait3A_171] : memref<200x32x4096xf32, #tpu.memory_space<hbm>> -> memref<1x1x4096xf32, #tpu.memory_space<hbm>>
    %dma_wait3A_173 = tpu.memref_squeeze %dma_wait3A_172 : memref<1x1x4096xf32, #tpu.memory_space<hbm>> -> memref<4096xf32, #tpu.memory_space<hbm>>
    tpu.wait_dma2 semaphore(%arg18 : memref<!tpu.dma_semaphore, #tpu.memory_space<semaphore_mem>>) src(%arg11 : memref<4096xf32, #tpu.memory_space<vmem>>) dst(%dma_wait3A_173 : memref<4096xf32, #tpu.memory_space<hbm>>)
    %parallel_loop3A_174 = arith.constant 0 : i32
    %parallel_loop3A_175 = arith.constant 256 : i32
    %parallel_loop3A_176 = arith.constant 1 : i32
    scf.for %parallel_loop3A_302 = %parallel_loop3A_174 to %parallel_loop3A_175 step %parallel_loop3A_176  : i32 {
      %parallel_loop3A_303 = arith.constant 16 : i32
      %parallel_loop3A_304 = arith.muli %parallel_loop3A_302, %parallel_loop3A_303 : i32
      %parallel_loop3A_305 = arith.index_cast %parallel_loop3A_304 : i32 to index
      %parallel_loop3A_306 = tpu.vector_load %arg8[%parallel_loop3A_305] {strides = array<i32>} : memref<4096xi32, #tpu.memory_space<vmem>>, vector<16xi32>,
      %parallel_loop3A_307 = tpu.vector_load_idx %arg6[%parallel_loop3A_306] : memref<100000xf32, #tpu.memory_space<vmem>>[vector<16xi32>], vector<16xf32>,
      %parallel_loop3A_308 = arith.addf %parallel_loop3A_307, %gather3A_166 : vector<16xf32>
      %parallel_loop3A_309 = arith.constant 16 : i32
      %parallel_loop3A_310 = arith.muli %parallel_loop3A_302, %parallel_loop3A_309 : i32
      %parallel_loop3A_311 = arith.index_cast %parallel_loop3A_310 : i32 to index
      %parallel_loop3A_312 = tpu.vector_load %arg11[%parallel_loop3A_311] {strides = array<i32>} : memref<4096xf32, #tpu.memory_space<vmem>>, vector<16xf32>,
      tpu.vector_store %arg11[%parallel_loop3A_311], %parallel_loop3A_308 {strides = array<i32>} : memref<4096xf32, #tpu.memory_space<vmem>>, vector<16xf32>,
    } {sc.loop_unroll_factor = 32 : i64, sc.parallel_access}
    %dma_start3A_177 = arith.constant 196 : i32
    %dma_start3A_178 = arith.constant 0 : i32
    %dma_start3A_179 = tpu.memref_slice %arg5[%dma_start3A_177, %add3A, %dma_start3A_178] : memref<200x32x4096xf32, #tpu.memory_space<hbm>> -> memref<1x1x4096xf32, #tpu.memory_space<hbm>>
    %dma_start3A_180 = tpu.memref_squeeze %dma_start3A_179 : memref<1x1x4096xf32, #tpu.memory_space<hbm>> -> memref<4096xf32, #tpu.memory_space<hbm>>
    %dma_start3A_181 = arith.constant 0 : i32
    %dma_start3A_182 = tpu.memref_slice %arg5[%dma_start3A_177, %add3A, %dma_start3A_181] : memref<200x32x4096xf32, #tpu.memory_space<hbm>> -> memref<1x1x4096xf32, #tpu.memory_space<hbm>>
    %dma_start3A_183 = tpu.memref_squeeze %dma_start3A_182 : memref<1x1x4096xf32, #tpu.memory_space<hbm>> -> memref<4096xf32, #tpu.memory_space<hbm>>
    tpu.enqueue_dma source(%arg11 : memref<4096xf32, #tpu.memory_space<vmem>>) target(%dma_start3A_183 : memref<4096xf32, #tpu.memory_space<hbm>>) target_semaphore(%arg18 : memref<!tpu.dma_semaphore, #tpu.memory_space<semaphore_mem>>)
    %dma_start3A_184 = arith.constant 199 : i32
    %dma_start3A_185 = arith.constant 0 : i32
    %dma_start3A_186 = tpu.memref_slice %arg2[%dma_start3A_184, %dma_start3A_185] : memref<200x4096xi32, #tpu.memory_space<hbm>> -> memref<1x4096xi32, #tpu.memory_space<hbm>>
    %dma_start3A_187 = tpu.memref_squeeze %dma_start3A_186 : memref<1x4096xi32, #tpu.memory_space<hbm>> -> memref<4096xi32, #tpu.memory_space<hbm>>
    %dma_start3A_188 = arith.constant 0 : i32
    %dma_start3A_189 = tpu.memref_slice %arg2[%dma_start3A_184, %dma_start3A_188] : memref<200x4096xi32, #tpu.memory_space<hbm>> -> memref<1x4096xi32, #tpu.memory_space<hbm>>
    %dma_start3A_190 = tpu.memref_squeeze %dma_start3A_189 : memref<1x4096xi32, #tpu.memory_space<hbm>> -> memref<4096xi32, #tpu.memory_space<hbm>>
    tpu.enqueue_dma source(%dma_start3A_190 : memref<4096xi32, #tpu.memory_space<hbm>>) target(%arg8 : memref<4096xi32, #tpu.memory_space<vmem>>) target_semaphore(%arg15 : memref<!tpu.dma_semaphore, #tpu.memory_space<semaphore_mem>>)
    %dma_wait3A_191 = arith.constant 197 : i32
    %dma_wait3A_192 = arith.constant 0 : i32
    %dma_wait3A_193 = tpu.memref_slice %arg2[%dma_wait3A_191, %dma_wait3A_192] : memref<200x4096xi32, #tpu.memory_space<hbm>> -> memref<1x4096xi32, #tpu.memory_space<hbm>>
    %dma_wait3A_194 = tpu.memref_squeeze %dma_wait3A_193 : memref<1x4096xi32, #tpu.memory_space<hbm>> -> memref<4096xi32, #tpu.memory_space<hbm>>
    %dma_wait3A_195 = arith.constant 0 : i32
    %dma_wait3A_196 = tpu.memref_slice %arg2[%dma_wait3A_191, %dma_wait3A_195] : memref<200x4096xi32, #tpu.memory_space<hbm>> -> memref<1x4096xi32, #tpu.memory_space<hbm>>
    %dma_wait3A_197 = tpu.memref_squeeze %dma_wait3A_196 : memref<1x4096xi32, #tpu.memory_space<hbm>> -> memref<4096xi32, #tpu.memory_space<hbm>>
    tpu.wait_dma2 semaphore(%arg16 : memref<!tpu.dma_semaphore, #tpu.memory_space<semaphore_mem>>) src(%dma_wait3A_197 : memref<4096xi32, #tpu.memory_space<hbm>>) dst(%arg9 : memref<4096xi32, #tpu.memory_space<vmem>>)
    %add3A_198 = arith.constant 197 : i32
    %add3A_199 = vector.broadcast %add3A_198 : i32 to vector<16xi32>
    %add3A_200 = arith.addi %mul3A_3, %add3A_199 : vector<16xi32>
    %add3A_201 = vector.broadcast %add3A : i32 to vector<16xi32>
    %add3A_202 = arith.addi %mul3A_3, %add3A_201 : vector<16xi32>
    %gather3A_203 = tpu.vector_load_idx %arg13[%add3A_200, %add3A_202] : memref<200x32xf32, #tpu.memory_space<vmem>>[vector<16xi32>, vector<16xi32>], vector<16xf32>,
    %dma_wait3A_204 = arith.constant 194 : i32
    %dma_wait3A_205 = arith.constant 0 : i32
    %dma_wait3A_206 = tpu.memref_slice %arg5[%dma_wait3A_204, %add3A, %dma_wait3A_205] : memref<200x32x4096xf32, #tpu.memory_space<hbm>> -> memref<1x1x4096xf32, #tpu.memory_space<hbm>>
    %dma_wait3A_207 = tpu.memref_squeeze %dma_wait3A_206 : memref<1x1x4096xf32, #tpu.memory_space<hbm>> -> memref<4096xf32, #tpu.memory_space<hbm>>
    %dma_wait3A_208 = arith.constant 0 : i32
    %dma_wait3A_209 = tpu.memref_slice %arg5[%dma_wait3A_204, %add3A, %dma_wait3A_208] : memref<200x32x4096xf32, #tpu.memory_space<hbm>> -> memref<1x1x4096xf32, #tpu.memory_space<hbm>>
    %dma_wait3A_210 = tpu.memref_squeeze %dma_wait3A_209 : memref<1x1x4096xf32, #tpu.memory_space<hbm>> -> memref<4096xf32, #tpu.memory_space<hbm>>
    tpu.wait_dma2 semaphore(%arg19 : memref<!tpu.dma_semaphore, #tpu.memory_space<semaphore_mem>>) src(%arg12 : memref<4096xf32, #tpu.memory_space<vmem>>) dst(%dma_wait3A_210 : memref<4096xf32, #tpu.memory_space<hbm>>)
    %parallel_loop3A_211 = arith.constant 0 : i32
    %parallel_loop3A_212 = arith.constant 256 : i32
    %parallel_loop3A_213 = arith.constant 1 : i32
    scf.for %parallel_loop3A_302 = %parallel_loop3A_211 to %parallel_loop3A_212 step %parallel_loop3A_213  : i32 {
      %parallel_loop3A_303 = arith.constant 16 : i32
      %parallel_loop3A_304 = arith.muli %parallel_loop3A_302, %parallel_loop3A_303 : i32
      %parallel_loop3A_305 = arith.index_cast %parallel_loop3A_304 : i32 to index
      %parallel_loop3A_306 = tpu.vector_load %arg9[%parallel_loop3A_305] {strides = array<i32>} : memref<4096xi32, #tpu.memory_space<vmem>>, vector<16xi32>,
      %parallel_loop3A_307 = tpu.vector_load_idx %arg6[%parallel_loop3A_306] : memref<100000xf32, #tpu.memory_space<vmem>>[vector<16xi32>], vector<16xf32>,
      %parallel_loop3A_308 = arith.addf %parallel_loop3A_307, %gather3A_203 : vector<16xf32>
      %parallel_loop3A_309 = arith.constant 16 : i32
      %parallel_loop3A_310 = arith.muli %parallel_loop3A_302, %parallel_loop3A_309 : i32
      %parallel_loop3A_311 = arith.index_cast %parallel_loop3A_310 : i32 to index
      %parallel_loop3A_312 = tpu.vector_load %arg12[%parallel_loop3A_311] {strides = array<i32>} : memref<4096xf32, #tpu.memory_space<vmem>>, vector<16xf32>,
      tpu.vector_store %arg12[%parallel_loop3A_311], %parallel_loop3A_308 {strides = array<i32>} : memref<4096xf32, #tpu.memory_space<vmem>>, vector<16xf32>,
    } {sc.loop_unroll_factor = 32 : i64, sc.parallel_access}
    %dma_start3A_214 = arith.constant 197 : i32
    %dma_start3A_215 = arith.constant 0 : i32
    %dma_start3A_216 = tpu.memref_slice %arg5[%dma_start3A_214, %add3A, %dma_start3A_215] : memref<200x32x4096xf32, #tpu.memory_space<hbm>> -> memref<1x1x4096xf32, #tpu.memory_space<hbm>>
    %dma_start3A_217 = tpu.memref_squeeze %dma_start3A_216 : memref<1x1x4096xf32, #tpu.memory_space<hbm>> -> memref<4096xf32, #tpu.memory_space<hbm>>
    %dma_start3A_218 = arith.constant 0 : i32
    %dma_start3A_219 = tpu.memref_slice %arg5[%dma_start3A_214, %add3A, %dma_start3A_218] : memref<200x32x4096xf32, #tpu.memory_space<hbm>> -> memref<1x1x4096xf32, #tpu.memory_space<hbm>>
    %dma_start3A_220 = tpu.memref_squeeze %dma_start3A_219 : memref<1x1x4096xf32, #tpu.memory_space<hbm>> -> memref<4096xf32, #tpu.memory_space<hbm>>
    tpu.enqueue_dma source(%arg12 : memref<4096xf32, #tpu.memory_space<vmem>>) target(%dma_start3A_220 : memref<4096xf32, #tpu.memory_space<hbm>>) target_semaphore(%arg19 : memref<!tpu.dma_semaphore, #tpu.memory_space<semaphore_mem>>)
    %dma_wait3A_221 = arith.constant 198 : i32
    %dma_wait3A_222 = arith.constant 0 : i32
    %dma_wait3A_223 = tpu.memref_slice %arg2[%dma_wait3A_221, %dma_wait3A_222] : memref<200x4096xi32, #tpu.memory_space<hbm>> -> memref<1x4096xi32, #tpu.memory_space<hbm>>
    %dma_wait3A_224 = tpu.memref_squeeze %dma_wait3A_223 : memref<1x4096xi32, #tpu.memory_space<hbm>> -> memref<4096xi32, #tpu.memory_space<hbm>>
    %dma_wait3A_225 = arith.constant 0 : i32
    %dma_wait3A_226 = tpu.memref_slice %arg2[%dma_wait3A_221, %dma_wait3A_225] : memref<200x4096xi32, #tpu.memory_space<hbm>> -> memref<1x4096xi32, #tpu.memory_space<hbm>>
    %dma_wait3A_227 = tpu.memref_squeeze %dma_wait3A_226 : memref<1x4096xi32, #tpu.memory_space<hbm>> -> memref<4096xi32, #tpu.memory_space<hbm>>
    tpu.wait_dma2 semaphore(%arg14 : memref<!tpu.dma_semaphore, #tpu.memory_space<semaphore_mem>>) src(%dma_wait3A_227 : memref<4096xi32, #tpu.memory_space<hbm>>) dst(%arg7 : memref<4096xi32, #tpu.memory_space<vmem>>)
    %add3A_228 = arith.constant 198 : i32
    %add3A_229 = vector.broadcast %add3A_228 : i32 to vector<16xi32>
    %add3A_230 = arith.addi %mul3A_3, %add3A_229 : vector<16xi32>
    %add3A_231 = vector.broadcast %add3A : i32 to vector<16xi32>
    %add3A_232 = arith.addi %mul3A_3, %add3A_231 : vector<16xi32>
    %gather3A_233 = tpu.vector_load_idx %arg13[%add3A_230, %add3A_232] : memref<200x32xf32, #tpu.memory_space<vmem>>[vector<16xi32>, vector<16xi32>], vector<16xf32>,
    %dma_wait3A_234 = arith.constant 195 : i32
    %dma_wait3A_235 = arith.constant 0 : i32
    %dma_wait3A_236 = tpu.memref_slice %arg5[%dma_wait3A_234, %add3A, %dma_wait3A_235] : memref<200x32x4096xf32, #tpu.memory_space<hbm>> -> memref<1x1x4096xf32, #tpu.memory_space<hbm>>
    %dma_wait3A_237 = tpu.memref_squeeze %dma_wait3A_236 : memref<1x1x4096xf32, #tpu.memory_space<hbm>> -> memref<4096xf32, #tpu.memory_space<hbm>>
    %dma_wait3A_238 = arith.constant 0 : i32
    %dma_wait3A_239 = tpu.memref_slice %arg5[%dma_wait3A_234, %add3A, %dma_wait3A_238] : memref<200x32x4096xf32, #tpu.memory_space<hbm>> -> memref<1x1x4096xf32, #tpu.memory_space<hbm>>
    %dma_wait3A_240 = tpu.memref_squeeze %dma_wait3A_239 : memref<1x1x4096xf32, #tpu.memory_space<hbm>> -> memref<4096xf32, #tpu.memory_space<hbm>>
    tpu.wait_dma2 semaphore(%arg17 : memref<!tpu.dma_semaphore, #tpu.memory_space<semaphore_mem>>) src(%arg10 : memref<4096xf32, #tpu.memory_space<vmem>>) dst(%dma_wait3A_240 : memref<4096xf32, #tpu.memory_space<hbm>>)
    %parallel_loop3A_241 = arith.constant 0 : i32
    %parallel_loop3A_242 = arith.constant 256 : i32
    %parallel_loop3A_243 = arith.constant 1 : i32
    scf.for %parallel_loop3A_302 = %parallel_loop3A_241 to %parallel_loop3A_242 step %parallel_loop3A_243  : i32 {
      %parallel_loop3A_303 = arith.constant 16 : i32
      %parallel_loop3A_304 = arith.muli %parallel_loop3A_302, %parallel_loop3A_303 : i32
      %parallel_loop3A_305 = arith.index_cast %parallel_loop3A_304 : i32 to index
      %parallel_loop3A_306 = tpu.vector_load %arg7[%parallel_loop3A_305] {strides = array<i32>} : memref<4096xi32, #tpu.memory_space<vmem>>, vector<16xi32>,
      %parallel_loop3A_307 = tpu.vector_load_idx %arg6[%parallel_loop3A_306] : memref<100000xf32, #tpu.memory_space<vmem>>[vector<16xi32>], vector<16xf32>,
      %parallel_loop3A_308 = arith.addf %parallel_loop3A_307, %gather3A_233 : vector<16xf32>
      %parallel_loop3A_309 = arith.constant 16 : i32
      %parallel_loop3A_310 = arith.muli %parallel_loop3A_302, %parallel_loop3A_309 : i32
      %parallel_loop3A_311 = arith.index_cast %parallel_loop3A_310 : i32 to index
      %parallel_loop3A_312 = tpu.vector_load %arg10[%parallel_loop3A_311] {strides = array<i32>} : memref<4096xf32, #tpu.memory_space<vmem>>, vector<16xf32>,
      tpu.vector_store %arg10[%parallel_loop3A_311], %parallel_loop3A_308 {strides = array<i32>} : memref<4096xf32, #tpu.memory_space<vmem>>, vector<16xf32>,
    } {sc.loop_unroll_factor = 32 : i64, sc.parallel_access}
    %dma_start3A_244 = arith.constant 198 : i32
    %dma_start3A_245 = arith.constant 0 : i32
    %dma_start3A_246 = tpu.memref_slice %arg5[%dma_start3A_244, %add3A, %dma_start3A_245] : memref<200x32x4096xf32, #tpu.memory_space<hbm>> -> memref<1x1x4096xf32, #tpu.memory_space<hbm>>
    %dma_start3A_247 = tpu.memref_squeeze %dma_start3A_246 : memref<1x1x4096xf32, #tpu.memory_space<hbm>> -> memref<4096xf32, #tpu.memory_space<hbm>>
    %dma_start3A_248 = arith.constant 0 : i32
    %dma_start3A_249 = tpu.memref_slice %arg5[%dma_start3A_244, %add3A, %dma_start3A_248] : memref<200x32x4096xf32, #tpu.memory_space<hbm>> -> memref<1x1x4096xf32, #tpu.memory_space<hbm>>
    %dma_start3A_250 = tpu.memref_squeeze %dma_start3A_249 : memref<1x1x4096xf32, #tpu.memory_space<hbm>> -> memref<4096xf32, #tpu.memory_space<hbm>>
    tpu.enqueue_dma source(%arg10 : memref<4096xf32, #tpu.memory_space<vmem>>) target(%dma_start3A_250 : memref<4096xf32, #tpu.memory_space<hbm>>) target_semaphore(%arg17 : memref<!tpu.dma_semaphore, #tpu.memory_space<semaphore_mem>>)
    %dma_wait3A_251 = arith.constant 199 : i32
    %dma_wait3A_252 = arith.constant 0 : i32
    %dma_wait3A_253 = tpu.memref_slice %arg2[%dma_wait3A_251, %dma_wait3A_252] : memref<200x4096xi32, #tpu.memory_space<hbm>> -> memref<1x4096xi32, #tpu.memory_space<hbm>>
    %dma_wait3A_254 = tpu.memref_squeeze %dma_wait3A_253 : memref<1x4096xi32, #tpu.memory_space<hbm>> -> memref<4096xi32, #tpu.memory_space<hbm>>
    %dma_wait3A_255 = arith.constant 0 : i32
    %dma_wait3A_256 = tpu.memref_slice %arg2[%dma_wait3A_251, %dma_wait3A_255] : memref<200x4096xi32, #tpu.memory_space<hbm>> -> memref<1x4096xi32, #tpu.memory_space<hbm>>
    %dma_wait3A_257 = tpu.memref_squeeze %dma_wait3A_256 : memref<1x4096xi32, #tpu.memory_space<hbm>> -> memref<4096xi32, #tpu.memory_space<hbm>>
    tpu.wait_dma2 semaphore(%arg15 : memref<!tpu.dma_semaphore, #tpu.memory_space<semaphore_mem>>) src(%dma_wait3A_257 : memref<4096xi32, #tpu.memory_space<hbm>>) dst(%arg8 : memref<4096xi32, #tpu.memory_space<vmem>>)
    %add3A_258 = arith.constant 199 : i32
    %add3A_259 = vector.broadcast %add3A_258 : i32 to vector<16xi32>
    %add3A_260 = arith.addi %mul3A_3, %add3A_259 : vector<16xi32>
    %add3A_261 = vector.broadcast %add3A : i32 to vector<16xi32>
    %add3A_262 = arith.addi %mul3A_3, %add3A_261 : vector<16xi32>
    %gather3A_263 = tpu.vector_load_idx %arg13[%add3A_260, %add3A_262] : memref<200x32xf32, #tpu.memory_space<vmem>>[vector<16xi32>, vector<16xi32>], vector<16xf32>,
    %dma_wait3A_264 = arith.constant 196 : i32
    %dma_wait3A_265 = arith.constant 0 : i32
    %dma_wait3A_266 = tpu.memref_slice %arg5[%dma_wait3A_264, %add3A, %dma_wait3A_265] : memref<200x32x4096xf32, #tpu.memory_space<hbm>> -> memref<1x1x4096xf32, #tpu.memory_space<hbm>>
    %dma_wait3A_267 = tpu.memref_squeeze %dma_wait3A_266 : memref<1x1x4096xf32, #tpu.memory_space<hbm>> -> memref<4096xf32, #tpu.memory_space<hbm>>
    %dma_wait3A_268 = arith.constant 0 : i32
    %dma_wait3A_269 = tpu.memref_slice %arg5[%dma_wait3A_264, %add3A, %dma_wait3A_268] : memref<200x32x4096xf32, #tpu.memory_space<hbm>> -> memref<1x1x4096xf32, #tpu.memory_space<hbm>>
    %dma_wait3A_270 = tpu.memref_squeeze %dma_wait3A_269 : memref<1x1x4096xf32, #tpu.memory_space<hbm>> -> memref<4096xf32, #tpu.memory_space<hbm>>
    tpu.wait_dma2 semaphore(%arg18 : memref<!tpu.dma_semaphore, #tpu.memory_space<semaphore_mem>>) src(%arg11 : memref<4096xf32, #tpu.memory_space<vmem>>) dst(%dma_wait3A_270 : memref<4096xf32, #tpu.memory_space<hbm>>)
    %parallel_loop3A_271 = arith.constant 0 : i32
    %parallel_loop3A_272 = arith.constant 256 : i32
    %parallel_loop3A_273 = arith.constant 1 : i32
    scf.for %parallel_loop3A_302 = %parallel_loop3A_271 to %parallel_loop3A_272 step %parallel_loop3A_273  : i32 {
      %parallel_loop3A_303 = arith.constant 16 : i32
      %parallel_loop3A_304 = arith.muli %parallel_loop3A_302, %parallel_loop3A_303 : i32
      %parallel_loop3A_305 = arith.index_cast %parallel_loop3A_304 : i32 to index
      %parallel_loop3A_306 = tpu.vector_load %arg8[%parallel_loop3A_305] {strides = array<i32>} : memref<4096xi32, #tpu.memory_space<vmem>>, vector<16xi32>,
      %parallel_loop3A_307 = tpu.vector_load_idx %arg6[%parallel_loop3A_306] : memref<100000xf32, #tpu.memory_space<vmem>>[vector<16xi32>], vector<16xf32>,
      %parallel_loop3A_308 = arith.addf %parallel_loop3A_307, %gather3A_263 : vector<16xf32>
      %parallel_loop3A_309 = arith.constant 16 : i32
      %parallel_loop3A_310 = arith.muli %parallel_loop3A_302, %parallel_loop3A_309 : i32
      %parallel_loop3A_311 = arith.index_cast %parallel_loop3A_310 : i32 to index
      %parallel_loop3A_312 = tpu.vector_load %arg11[%parallel_loop3A_311] {strides = array<i32>} : memref<4096xf32, #tpu.memory_space<vmem>>, vector<16xf32>,
      tpu.vector_store %arg11[%parallel_loop3A_311], %parallel_loop3A_308 {strides = array<i32>} : memref<4096xf32, #tpu.memory_space<vmem>>, vector<16xf32>,
    } {sc.loop_unroll_factor = 32 : i64, sc.parallel_access}
    %dma_start3A_274 = arith.constant 199 : i32
    %dma_start3A_275 = arith.constant 0 : i32
    %dma_start3A_276 = tpu.memref_slice %arg5[%dma_start3A_274, %add3A, %dma_start3A_275] : memref<200x32x4096xf32, #tpu.memory_space<hbm>> -> memref<1x1x4096xf32, #tpu.memory_space<hbm>>
    %dma_start3A_277 = tpu.memref_squeeze %dma_start3A_276 : memref<1x1x4096xf32, #tpu.memory_space<hbm>> -> memref<4096xf32, #tpu.memory_space<hbm>>
    %dma_start3A_278 = arith.constant 0 : i32
    %dma_start3A_279 = tpu.memref_slice %arg5[%dma_start3A_274, %add3A, %dma_start3A_278] : memref<200x32x4096xf32, #tpu.memory_space<hbm>> -> memref<1x1x4096xf32, #tpu.memory_space<hbm>>
    %dma_start3A_280 = tpu.memref_squeeze %dma_start3A_279 : memref<1x1x4096xf32, #tpu.memory_space<hbm>> -> memref<4096xf32, #tpu.memory_space<hbm>>
    tpu.enqueue_dma source(%arg11 : memref<4096xf32, #tpu.memory_space<vmem>>) target(%dma_start3A_280 : memref<4096xf32, #tpu.memory_space<hbm>>) target_semaphore(%arg18 : memref<!tpu.dma_semaphore, #tpu.memory_space<semaphore_mem>>)
    %dma_wait3A_281 = arith.constant 197 : i32
    %dma_wait3A_282 = arith.constant 0 : i32
    %dma_wait3A_283 = tpu.memref_slice %arg5[%dma_wait3A_281, %add3A, %dma_wait3A_282] : memref<200x32x4096xf32, #tpu.memory_space<hbm>> -> memref<1x1x4096xf32, #tpu.memory_space<hbm>>
    %dma_wait3A_284 = tpu.memref_squeeze %dma_wait3A_283 : memref<1x1x4096xf32, #tpu.memory_space<hbm>> -> memref<4096xf32, #tpu.memory_space<hbm>>
    %dma_wait3A_285 = arith.constant 0 : i32
    %dma_wait3A_286 = tpu.memref_slice %arg5[%dma_wait3A_281, %add3A, %dma_wait3A_285] : memref<200x32x4096xf32, #tpu.memory_space<hbm>> -> memref<1x1x4096xf32, #tpu.memory_space<hbm>>
    %dma_wait3A_287 = tpu.memref_squeeze %dma_wait3A_286 : memref<1x1x4096xf32, #tpu.memory_space<hbm>> -> memref<4096xf32, #tpu.memory_space<hbm>>
    tpu.wait_dma2 semaphore(%arg19 : memref<!tpu.dma_semaphore, #tpu.memory_space<semaphore_mem>>) src(%arg12 : memref<4096xf32, #tpu.memory_space<vmem>>) dst(%dma_wait3A_287 : memref<4096xf32, #tpu.memory_space<hbm>>)
    %dma_wait3A_288 = arith.constant 198 : i32
    %dma_wait3A_289 = arith.constant 0 : i32
    %dma_wait3A_290 = tpu.memref_slice %arg5[%dma_wait3A_288, %add3A, %dma_wait3A_289] : memref<200x32x4096xf32, #tpu.memory_space<hbm>> -> memref<1x1x4096xf32, #tpu.memory_space<hbm>>
    %dma_wait3A_291 = tpu.memref_squeeze %dma_wait3A_290 : memref<1x1x4096xf32, #tpu.memory_space<hbm>> -> memref<4096xf32, #tpu.memory_space<hbm>>
    %dma_wait3A_292 = arith.constant 0 : i32
    %dma_wait3A_293 = tpu.memref_slice %arg5[%dma_wait3A_288, %add3A, %dma_wait3A_292] : memref<200x32x4096xf32, #tpu.memory_space<hbm>> -> memref<1x1x4096xf32, #tpu.memory_space<hbm>>
    %dma_wait3A_294 = tpu.memref_squeeze %dma_wait3A_293 : memref<1x1x4096xf32, #tpu.memory_space<hbm>> -> memref<4096xf32, #tpu.memory_space<hbm>>
    tpu.wait_dma2 semaphore(%arg17 : memref<!tpu.dma_semaphore, #tpu.memory_space<semaphore_mem>>) src(%arg10 : memref<4096xf32, #tpu.memory_space<vmem>>) dst(%dma_wait3A_294 : memref<4096xf32, #tpu.memory_space<hbm>>)
    %dma_wait3A_295 = arith.constant 199 : i32
    %dma_wait3A_296 = arith.constant 0 : i32
    %dma_wait3A_297 = tpu.memref_slice %arg5[%dma_wait3A_295, %add3A, %dma_wait3A_296] : memref<200x32x4096xf32, #tpu.memory_space<hbm>> -> memref<1x1x4096xf32, #tpu.memory_space<hbm>>
    %dma_wait3A_298 = tpu.memref_squeeze %dma_wait3A_297 : memref<1x1x4096xf32, #tpu.memory_space<hbm>> -> memref<4096xf32, #tpu.memory_space<hbm>>
    %dma_wait3A_299 = arith.constant 0 : i32
    %dma_wait3A_300 = tpu.memref_slice %arg5[%dma_wait3A_295, %add3A, %dma_wait3A_299] : memref<200x32x4096xf32, #tpu.memory_space<hbm>> -> memref<1x1x4096xf32, #tpu.memory_space<hbm>>
    %dma_wait3A_301 = tpu.memref_squeeze %dma_wait3A_300 : memref<1x1x4096xf32, #tpu.memory_space<hbm>> -> memref<4096xf32, #tpu.memory_space<hbm>>
    tpu.wait_dma2 semaphore(%arg18 : memref<!tpu.dma_semaphore, #tpu.memory_space<semaphore_mem>>) src(%arg11 : memref<4096xf32, #tpu.memory_space<vmem>>) dst(%dma_wait3A_301 : memref<4096xf32, #tpu.memory_space<hbm>>)
    return
  }
}

</mosaic_0001>

<sc_bundles>
// kernel: _embed.3.cloned.1.call-start
scs
__scs_entry_jumppad:
0x0: {  	(pc) =	sbr.rel $0x88, $3  }
0x1: {  	(tag) =	ssettag $0x0;
	lr =	simm.s32 $0x1  }
0x2: {  	[smem:$0x3F9E] =	sst lr;
	_ =	strace $0xD0000000  }
0x3: {  	_ = 	snop  }
0x4: {  	_ = 	snop  }
0x5: {  	_ = 	snop  }
0x6: {  	_ = 	snop  }
0x7: {  	_ = 	snop  }
__scs_overlays_trampoline_lowered:
0x8: {  	[smem:$0x3FAD] =	sst s0  }
0x9: {  	[smem:$0x3FAE] =	sst s1  }
0xa: {  	[smem:$0x3FAF] =	sst s2  }
0xb: {  	[smem:$0x3FB0] =	sst s3  }
0xc: {  	[smem:$0x3FB1] =	sst s4  }
0xd: {  	[smem:$0x3FB2] =	sst s5  }
0xe: {  	[smem:$0x3FB3] =	sst s6  }
0xf: {  	[smem:$0x3FB4] =	sst s7  }
0x10: {  	[smem:$0x3FB5] =	sst s8  }
0x11: {  	[smem:$0x3FB6] =	sst s9;
	s0 =	simm.s32 @!p0 $0x0  }
0x12: {  	s1 =	sld [smem:$0x3F9C];
	s0 =	simm.s32 @p0 $0x1  }
0x13: {  	[smem:$0x3FB7] =	sst s0;
	s0 =	simm.s32 @!p1 $0x0  }
0x14: {  	s2 =	sld [smem:$0x3F9B];
	s0 =	simm.s32 @p1 $0x1  }
0x15: {  	[smem:$0x3FB8] =	sst s0;
	s0 =	simm.s32 @!p2 $0x0  }
0x16: {  	s3 =	sld [smem:$0x3FDB];
	s0 =	simm.s32 @p2 $0x1  }
0x17: {  	s4 =	simm.s32 $0x1BF5;
	[smem:$0x3FBA] =	sst s0  }
0x18: {  	s0 =	sld [smem:$0x3F9D];
	_ =	swait.ge [sflag:s4], $0x0  }
0x19: {  	s7 =	sld [smem:$0x3F9E]  }
0x1a: {  	s8 =	sadd.s32 $0xFFFFE003, lr  }
0x1b: {  	s9 =	sadd.s32 $0xFFFFFEF7, lr;
	s5 =	simm.s32 $0xFFFFFFFF;
	p2 =	slt.u32 s8, $0xFFFFF086  }
0x1c: {  	p1 =	slt.u32 s9, $0xF7A;
	s5 =	simm.s32 @!p2 $0x0  }
0x1d: {  	s5 =	simm.s32 @p1 $0x1;
	p0 =	seq.s32 s7, s2  }
0x1e: {  	s7 =	smul.u32 @!p0 $0xF7A, s2;
	p2 =	seq.s32 @!p0 s5, $0x0  }
0x1f: {  	s9 =	smul.u32 $0xF7A, s1;
	s8 =	simm.s32 @!p0 $0x1BF5;
	p2 =	por !p2, p0  }
0x20: {  	[sflag:s8] =	ssyncset.s32 @!p0 $0xFFFFF086;
	s6 =	sadd.s32 @!p0 s3, s7;
	s7 =	simm.s32 @!p0 $0x108  }
0x21: {  	s3 =	sadd.s32 s3, s9;
	s6 =	sadd.s32 @!p0 $0x88, s6;
	s7 =	simm.s32 @p2 $0x1082  }
0x22: {  	[simem:s7], [sflag:s8] =	dma.local @!p0 [hbm:s6], $0xF7A  }
0x23: {  	s9 =	sor.u32 $0xD0000000, s2;
	s6 =	simm.s32 $0x108;
	_ =	swait.ge @!p0 [sflag:s8], $0x0  }
0x24: {  	s3 =	sadd.s32 $0x88, s3;
	s6 =	simm.s32 @!p1 $0x1082;
	[sflag:s4] =	ssyncset.s32 $0xFFFFF086  }
0x25: {  	[simem:s6], [sflag:s4] =	dma.local [hbm:s3], $0xF7A  }
0x26: {  	[smem:$0x3F9E] =	sst s1;
	(tag) =	ssettag s2;
	_ =	strace s9  }
0x27: {  	s1 =	sld [smem:$0x3FAE]  }
0x28: {  	s2 =	sld [smem:$0x3FAF]  }
0x29: {  	s4 =	sld [smem:$0x3FB1]  }
0x2a: {  	p0 =	seq.s32 s5, $0x0;
	s5 =	sld [smem:$0x3FB2]  }
0x2b: {  	s6 =	sld [smem:$0x3FB3]  }
0x2c: {  	s7 =	sld [smem:$0x3FB4]  }
0x2d: {  	s3 =	simm.s32 $0x108;
	s8 =	sld [smem:$0x3FB5]  }
0x2e: {  	s3 =	simm.s32 @!p0 $0x1082;
	s9 =	sld [smem:$0x3FB6]  }
0x2f: {  	lr =	sadd.s32 s0, s3;
	s0 =	sld [smem:$0x3FAD]  }
0x30: {  	s3 =	sld [smem:$0x3FB0]  }
0x31: {  	[smem:$0x3FB9] =	sst s10  }
0x32: {  	s10 =	sld [smem:$0x3FB7];
	_ =	sdelay $0x3  }
0x33: {  	p0 =	seq.s32 s10, $0x1;
	s10 =	sld [smem:$0x3FB9];
	_ =	sdelay $0x3  }
0x34: {  	[smem:$0x3FB9] =	sst s10  }
0x35: {  	s10 =	sld [smem:$0x3FB8];
	_ =	sdelay $0x3  }
0x36: {  	p1 =	seq.s32 s10, $0x1;
	s10 =	sld [smem:$0x3FB9];
	_ =	sdelay $0x3  }
0x37: {  	[smem:$0x3FB9] =	sst s10  }
0x38: {  	s10 =	sld [smem:$0x3FBA]  }
0x39: {  	_ = 	snop;
	(pc) =	sbr.ind lr, $3  }
0x3a: {  	_ = 	snop  }
0x3b: {  	_ = 	snop  }
0x3c: {  	p2 =	seq.s32 s10, $0x1;
	s10 =	sld [smem:$0x3FB9]  }
0x3d: {  	_ =	shalt  }
0x3e: {  	_ =	shalt  }
0x3f: {  	_ =	shalt  }
0x40: {  	_ =	shalt  }
0x41: {  	_ =	shalt  }
0x42: {  	_ =	shalt  }
0x43: {  	_ =	shalt  }
0x44: {  	_ =	shalt  }
0x45: {  	_ =	shalt  }
0x46: {  	_ =	shalt  }
0x47: {  	_ =	shalt  }
0x48: {  	_ =	shalt  }
0x49: {  	_ =	shalt  }
0x4a: {  	_ =	shalt  }
0x4b: {  	_ =	shalt  }
0x4c: {  	_ =	shalt  }
0x4d: {  	_ =	shalt  }
0x4e: {  	_ =	shalt  }
0x4f: {  	_ =	shalt  }
0x50: {  	_ =	shalt  }
0x51: {  	_ =	shalt  }
0x52: {  	_ =	shalt  }
0x53: {  	_ =	shalt  }
0x54: {  	_ =	shalt  }
0x55: {  	_ =	shalt  }
0x56: {  	_ =	shalt  }
0x57: {  	_ =	shalt  }
0x58: {  	_ =	shalt  }
0x59: {  	_ =	shalt  }
0x5a: {  	_ =	shalt  }
0x5b: {  	_ =	shalt  }
0x5c: {  	_ =	shalt  }
0x5d: {  	_ =	shalt  }
0x5e: {  	_ =	shalt  }
0x5f: {  	_ =	shalt  }
0x60: {  	_ =	shalt  }
0x61: {  	_ =	shalt  }
0x62: {  	_ =	shalt  }
0x63: {  	_ =	shalt  }
0x64: {  	_ =	shalt  }
0x65: {  	_ =	shalt  }
0x66: {  	_ =	shalt  }
0x67: {  	_ =	shalt  }
0x68: {  	_ =	shalt  }
0x69: {  	_ =	shalt  }
0x6a: {  	_ =	shalt  }
0x6b: {  	_ =	shalt  }
0x6c: {  	_ =	shalt  }
0x6d: {  	_ =	shalt  }
0x6e: {  	_ =	shalt  }
0x6f: {  	_ =	shalt  }
0x70: {  	_ =	shalt  }
0x71: {  	_ =	shalt  }
0x72: {  	_ =	shalt  }
0x73: {  	_ =	shalt  }
0x74: {  	_ =	shalt  }
0x75: {  	_ =	shalt  }
0x76: {  	_ =	shalt  }
0x77: {  	_ =	shalt  }
0x78: {  	_ =	shalt  }
0x79: {  	_ =	shalt  }
0x7a: {  	_ =	shalt  }
0x7b: {  	_ =	shalt  }
0x7c: {  	_ =	shalt  }
0x7d: {  	_ =	shalt  }
0x7e: {  	_ =	shalt  }
0x7f: {  	_ =	shalt  }
0x80: {  	_ =	shalt  }
0x81: {  	_ =	shalt  }
0x82: {  	_ =	shalt  }
0x83: {  	_ =	shalt  }
0x84: {  	_ =	shalt  }
0x85: {  	_ =	shalt  }
0x86: {  	_ =	shalt  }
0x87: {  	_ =	shalt  }
.Lfunc_end0:
.L_simem_size_0:
called_computation_lowered:
.L_overlay_start_0:
0x88: {  	s2 =	sld [smem:$0x3FD9]  }
0x89: {  	s3 =	sld [smem:$0x3FFE];
	_ =	sdelay $0x1  }
0x8a: {  	s1 =	srdreg.scid  }
0x8b: {  	s0 =	sand.u32 $0x1, s1  }
0x8c: {  	s17 =	sshll.u32 s0, $0xA;
	s2 =	sadd.s32 s3, s2  }
0x8d: {  	s2 =	sadd.s32 s2, s17  }
0x8e: {  	[smem:$0x3FC5] =	sst s2  }
0x8f: {  	_ = 	snop  }
0x90: {  	s2 =	sld [smem:$0x3FD0];
	(tm) =	ssettm $0x1  }
0x91: {  	s18 =	sld [smem:$0x3FFB];
	_ =	sdelay $0x3  }
0x92: {  	_ =	strace s18  }
0x93: {  	s3 =	sld [smem:$0x3FFC];
	_ =	sdelay $0x3  }
0x94: {  	_ =	strace s3  }
0x95: {  	s3 =	sld [smem:$0x3FFD];
	_ =	sdelay $0x3  }
0x96: {  	_ =	strace s3  }
0x97: {  	_ =	strace $0x8FFFFFFF  }
0x98: {  	s19 =	sld [smem:$0x3FDB];
	_ =	sdelay $0x1  }
0x99: {  	s4 =	simm.s32 $_scs_section_size  }
0x9a: {  	s5 =	simm.s32 $_size__tile_overlayer_lowered;
	s6 =	simm.s32 $_tile_overlayer_lowered  }
0x9b: {  	s22 =	simm.s32 $0x1BFF;
	s21 =	sshll.u32 s6, $0x1;
	s3 =	sadd.s32 s4, s19  }
0x9c: {  	s7 =	simm.s32 $0x0;
	s20 =	sshll.u32 s5, $0x1;
	s5 =	sadd.s32 s21, s3  }
0x9d: {  	[timem:s7], [sflag:s22] =	dma.local [hbm:s5], s20  }
0x9e: {  	_ =	swait.ge [sflag:s22], s20  }
0x9f: {  	s4 =	ssub.s32 $0x0, s20;
	[sflag:s22] =	ssyncset.done $0x0  }
0xa0: {  	[sflag:s22] =	ssyncadd.s32 s4;
	_ =	sdelay $0x1  }
0xa1: {  	s23 =	simm.s32 $0x1B8B  }
0xa2: {  	_ =	swait.ge [sflag:s23], $0x1  }
0xa3: {  	[sflag:s23] =	ssyncset.done $0x0  }
0xa4: {  	s25 =	simm.s32 $0x1B8E;
	s24 =	sld [smem:$0x3FFE];
	[sflag:s23] =	ssyncadd.s32 $0xFFFFFFFF  }
0xa5: {  	s26 =	simm.s32 $execute0_lowered;
	[smem:$0x3FD2] =	sst s25  }
0xa6: {  	s5 =	sshll.u32 s26, $0x1;
	_ =	strace $0x80000046;
	[dreg:$0x1] =	wrdreg $0xFFFFFFFF  }
0xa7: {  	s28 =	simm.s32 $_size_execute0_lowered;
	s3 =	sadd.s32 s3, s5;
	[dreg:$0x0] =	wrdreg $0x0  }
0xa8: {  	s5 =	sshll.u32 s28, $0x1;
	[dreg:$0x2] =	wrdreg s3  }
0xa9: {  	[dreg:$0x3] =	wrdreg s5  }
0xaa: {  	[dreg:$0x4] =	wrdreg $0xC0  }
0xab: {  	_ =	task [dreg:s7], $0x5FFFF  }
0xac: {  	[dreg:$0x1] =	wrdreg $0xFFFFFFFF  }
0xad: {  	[dreg:$0x0] =	wrdreg $0x60  }
0xae: {  	[dreg:$0x2] =	wrdreg s24  }
0xaf: {  	[dreg:$0x3] =	wrdreg s2  }
0xb0: {  	[dreg:$0x4] =	wrdreg $0x9  }
0xb1: {  	_ =	task.clear_ibuf [dreg:s7], $0x5FFFF;
	_ =	strace $0x90000046  }
0xb2: {  	s29 =	simm.s32 $0x9;
	_ =	strace $0x80000048  }
0xb3: {  	_ =	swait.ge [sflag:s29], $0x1  }
0xb4: {  	[sflag:s29] =	ssyncadd.s32 $0xFFFFFFFF  }
0xb5: {  	_ =	strace $0x90000048  }
0xb6: {  	_ =	sfence  }
0xb7: {  	s30 =	sld [smem:$0x0];
	_ =	sdelay $0x2  }
0xb8: {  	s31 =	sshll.u32 s1, $0xD;
	s1 =	sshrl.u32 s1, $0x2  }
0xb9: {  	s3 =	sand.u32 $0x4000, s31;
	s1 =	sadd.s32 s1, s30  }
0xba: {  	s0 =	sor.u32 s3, s0;
	s1 =	sshll.u32 s1, $0x11  }
0xbb: {  	s0 =	sor.u32 s1, s0  }
0xbc: {  	s0 =	sadd.s32 $0x8F2B, s0  }
0xbd: {  	[sflag:s0] =	ssyncadd.remote.s32 $0x1  }
0xbe: {  	_ =	sfence.sel $0xFFFF  }
0xbf: {  	[dreg:$0x0] =	wrdreg $0xFFFFFFFF;
	(pc) =	sbr.abs _section_cstart, $3  }
0xc0: {  	[dreg:$0x1] =	wrdreg $0xFFFFFFFF  }
0xc1: {  	_ =	task.clear_ibuf [dreg:s7], $0x2FFFF;
	_ =	strace $0x9FFFFFFF  }
0xc2: {  	(tm) =	ssettm $0x7FFFFFFF  }
0xc3: {  	_ =	shalt  }
tec
execute0_lowered:
.L_overlay_start_1:
0x0: {  	(tag) =	ssettag $0x1  }
0x1: {  	s0 =	rddreg [dreg:$0x0]  }
0x2: {  	s1 =	rddreg [dreg:$0x1]  }
0x3: {  	s3 =	srdreg.scid;
	s5 =	stileid.u32;
	s2 =	simm.s32 $0x0  }
0x4: {  	s28 =	simm.s32 $0x186A0;
	s29 =	simm.s32 $0x196A0;
	s30 =	simm.s32 $0x1A6A0  }
0x5: {  	s31 =	simm.s32 $0x1;
	s9 =	simm.s32 $0x4;
	s12 =	simm.s32 $0x5  }
0x6: {  	s4 =	sand.u32 $0x1, s3;
	[smem:$0x7FF] =	sst s2;
	s6 =	sadd.s32 $0x400, s0  }
0x7: {  	s15 =	sadd.s32 $0xA00, s0;
	_ =	strace $0x80000047;
	[dreg:$0x3] =	wrdreg s6  }
0x8: {  	s13 =	sshll.u32 s5, $0x1;
	s16 =	sadd.s32 $0xC00, s0;
	[dreg:$0x5] =	wrdreg s15  }
0x9: {  	s18 =	sadd.s32 $0xE00, s0;
	s20 =	sadd.s32 $0x1000, s0;
	[dreg:$0x6] =	wrdreg s16  }
0xa: {  	s22 =	sadd.s32 $0x1200, s0;
	s24 =	sadd.s32 $0x19400, s0;
	[dreg:$0x7] =	wrdreg s18  }
0xb: {  	s3 =	sor.u32 s4, s13;
	s14 =	ssub.s32 $0x2, s4;
	[dreg:$0x9] =	wrdreg s20  }
0xc: {  	s4 =	sadd.s32 $0x800, s0;
	s6 =	sadd.s32 $0x19800, s0;
	[dreg:$0xb] =	wrdreg s22  }
0xd: {  	[dreg:$0xd] =	wrdreg s24;
	s0 =	sadd.s32 $0x19600, s0;
	s13 =	simm.s32 $0x6  }
0xe: {  	s7 =	smul.u32 $0x30D4, s3;
	s8 =	sshrl.u32 s14, $0x1;
	s17 =	sshll.u32 s3, $0x9  }
0xf: {  	s10 =	sshll.u32 s3, $0xC;
	[dreg:$0xf] =	wrdreg s0;
	s0 =	simm.s32 $0x1B6A0  }
0x10: {  	s5 =	ssub.s32 s14, s8;
	s11 =	sadd.s32 s6, s17;
	s1 =	sadd.s32 s1, s7  }
0x11: {  	s8 =	simm.s32 $0x1D6A0;
	s19 =	sadd.s32 $0x4000, s11;
	[dreg:$0x4] =	wrdreg s1  }
0x12: {  	s14 =	simm.s32 $0x0;
	s21 =	sadd.s32 $0x8000, s11;
	[dreg:$0x8] =	wrdreg s19  }
0x13: {  	s23 =	sadd.s32 $0x30C000, s11;
	s25 =	sadd.s32 $0x310000, s11;
	[dreg:$0xa] =	wrdreg s21  }
0x14: {  	v0 =	vmov s3;
	s26 =	sadd.s32 $0x314000, s11;
	s22 =	sadd.s32 $0x318000, s11;
	[dreg:$0xc] =	wrdreg s23  }
0x15: {  	v1 =	vor.u32 $0x20, v0;
	s24 =	smax.u32 s5, $0x1;
	s5 =	simm.s32 $0x1C6A0;
	[dreg:$0xe] =	wrdreg s25  }
0x16: {  	v2 =	vor.u32 $0x40, v0;
	v3 =	vor.u32 $0x1860, v0;
	v4 =	vor.u32 $0x1880, v0;
	s7 =	simm.s32 $0x3;
	[dreg:$0x10] =	wrdreg s26;
	s23 =	sadd.s32 $0x31C000, s11  }
0x17: {  	v5 =	vor.u32 $0x18A0, v0;
	v6 =	vor.u32 $0x18C0, v0;
	v7 =	vor.u32 $0x18E0, v0;
	s25 =	simm.s32 $0x7;
	s26 =	simm.s32 $0x1E6A0;
	s1 =	simm.s32 $0x2  }
.LBB2_1:
0x18: {  	s15 =	rddreg [dreg:$0x4]  }
0x19: {  	[tilespmem:s2], [sflag:$0x7] =	stream.linear.gather [hbm4b:s15+s2], $0x186A0, $0x38;
	[tilespmem:$0x1FFA0] =	vst v63  }
0x1a: {  	_ =	swait.ge [sflag:s25], $0x186A0  }
0x1b: {  	[sflag:s25] =	ssyncset.done $0x0  }
0x1c: {  	s18 =	rddreg [dreg:$0x3];
	[sflag:s25] =	ssyncadd.s32 $0xFFFE7960  }
0x1d: {  	[tilespmem:s26], [sflag:$0x7] =	stream.linear.gather [hbm4b:s18+s2], $0x1900, $0x38;
	[tilespmem:$0x1FFA0] =	vst v63  }
0x1e: {  	_ =	swait.ge [sflag:s25], $0x1900  }
0x1f: {  	[sflag:s25] =	ssyncset.done $0x0  }
0x20: {  	[sflag:s25] =	ssyncadd.s32 $0xFFFFE700  }
0x21: {  	[tilespmem:s28], [sflag:$0x1] =	stream.linear.gather [hbm4b:s4+s2], $0x1000, $0x38;
	[tilespmem:$0x1FFA0] =	vst v63  }
0x22: {  	s19 =	rddreg [dreg:$0x5]  }
0x23: {  	[tilespmem:s29], [sflag:$0x2] =	stream.linear.gather [hbm4b:s19+s2], $0x1000, $0x38;
	[tilespmem:$0x1FFA0] =	vst v63  }
0x24: {  	s20 =	rddreg [dreg:$0x6]  }
0x25: {  	[tilespmem:s30], [sflag:$0x3] =	stream.linear.gather [hbm4b:s20+s2], $0x1000, $0x38;
	[tilespmem:$0x1FFA0] =	vst v63  }
0x26: {  	_ =	swait.ge [sflag:s31], $0x1000  }
0x27: {  	[sflag:s31] =	ssyncset.done $0x0  }
0x28: {  	[sflag:s31] =	ssyncadd.s32 $0xFFFFF000  }
0x29: {  	s21 =	simm.s32 $0x187A0;
	v8 =	vld.idx.msk [tilespmem:v0+s26+$0x0], $0xffff  }
0x2a: {  	v9 =	vld [tilespmem:s21+$0xF0]  }
0x2b: {  	v10 =	vld [tilespmem:s21+$0xFFFFFF10]  }
0x2c: {  	v11 =	vld [tilespmem:s21+$0xFFFFFF20]  }
0x2d: {  	v12 =	vld [tilespmem:s21+$0xFFFFFF30]  }
0x2e: {  	v13 =	vld [tilespmem:s21+$0xFFFFFF40]  }
0x2f: {  	v14 =	vld [tilespmem:s21+$0xFFFFFF50]  }
0x30: {  	v15 =	vld [tilespmem:s21+$0xFFFFFF60]  }
0x31: {  	v16 =	vld [tilespmem:s21+$0xFFFFFF70]  }
0x32: {  	v17 =	vld [tilespmem:s21+$0xFFFFFF80]  }
0x33: {  	v18 =	vld [tilespmem:s21+$0xFFFFFF90]  }
0x34: {  	v19 =	vld [tilespmem:s21+$0xFFFFFFA0]  }
0x35: {  	v20 =	vld [tilespmem:s21+$0xFFFFFFB0]  }
0x36: {  	v21 =	vld [tilespmem:s21+$0xFFFFFFC0]  }
0x37: {  	v22 =	vld [tilespmem:s21+$0xFFFFFFD0]  }
0x38: {  	v23 =	vld [tilespmem:s21+$0xFFFFFFE0]  }
0x39: {  	v24 =	vld [tilespmem:s21+$0xFFFFFFF0]  }
0x3a: {  	v25 =	vld [tilespmem:s21+$0x0]  }
0x3b: {  	v26 =	vld [tilespmem:s21+$0x10]  }
0x3c: {  	v27 =	vld [tilespmem:s21+$0x20]  }
0x3d: {  	v28 =	vld [tilespmem:s21+$0x30]  }
0x3e: {  	v29 =	vld [tilespmem:s21+$0x40]  }
0x3f: {  	v30 =	vld [tilespmem:s21+$0x50]  }
0x40: {  	v31 =	vld [tilespmem:s21+$0x60]  }
0x41: {  	v32 =	vld [tilespmem:s21+$0x70]  }
0x42: {  	v33 =	vld [tilespmem:s21+$0x80]  }
0x43: {  	v34 =	vld [tilespmem:s21+$0x90]  }
0x44: {  	v35 =	vld [tilespmem:s21+$0xA0]  }
0x45: {  	v36 =	vld [tilespmem:s21+$0xB0]  }
0x46: {  	v37 =	vld [tilespmem:s21+$0xC0]  }
0x47: {  	v38 =	vld [tilespmem:s21+$0xD0]  }
0x48: {  	v39 =	vld [tilespmem:s21+$0xE0]  }
0x49: {  	v40 =	vld [tilespmem:s21+$0xFFFFFF00]  }
0x4a: {  	v9 =	vld.idx.msk [tilespmem:v9+s2+$0x0], $0xffff  }
0x4b: {  	v10 =	vld.idx.msk [tilespmem:v10+s2+$0x0], $0xffff  }
0x4c: {  	v11 =	vld.idx.msk [tilespmem:v11+s2+$0x0], $0xffff  }
0x4d: {  	v12 =	vld.idx.msk [tilespmem:v12+s2+$0x0], $0xffff  }
0x4e: {  	v13 =	vld.idx.msk [tilespmem:v13+s2+$0x0], $0xffff  }
0x4f: {  	v14 =	vld.idx.msk [tilespmem:v14+s2+$0x0], $0xffff  }
0x50: {  	v15 =	vld.idx.msk [tilespmem:v15+s2+$0x0], $0xffff;
	v9 =	vadd.f32 v9, v8  }
0x51: {  	s15 =	simm.s32 $0x1B7A0;
	v16 =	vld.idx.msk [tilespmem:v16+s2+$0x0], $0xffff;
	v10 =	vadd.f32 v10, v8  }
0x52: {  	v11 =	vadd.f32 v11, v8;
	[tilespmem:s15+$0xF0] =	vst v9;
	v9 =	vld.idx.msk [tilespmem:v40+s2+$0x0], $0xffff  }
0x53: {  	[tilespmem:s15+$0xFFFFFF10] =	vst v10;
	v10 =	vadd.f32 v12, v8;
	v12 =	vld.idx.msk [tilespmem:v17+s2+$0x0], $0xffff  }
0x54: {  	[tilespmem:s15+$0xFFFFFF20] =	vst v11;
	v11 =	vadd.f32 v13, v8;
	v13 =	vld.idx.msk [tilespmem:v18+s2+$0x0], $0xffff  }
0x55: {  	v17 =	vld.idx.msk [tilespmem:v33+s2+$0x0], $0xffff;
	[tilespmem:s15+$0xFFFFFF30] =	vst v10;
	v10 =	vadd.f32 v14, v8  }
0x56: {  	v14 =	vld.idx.msk [tilespmem:v19+s2+$0x0], $0xffff;
	[tilespmem:s15+$0xFFFFFF40] =	vst v11;
	v11 =	vadd.f32 v15, v8  }
0x57: {  	v15 =	vld.idx.msk [tilespmem:v20+s2+$0x0], $0xffff;
	[tilespmem:s15+$0xFFFFFF50] =	vst v10;
	v10 =	vadd.f32 v16, v8  }
0x58: {  	v16 =	vld.idx.msk [tilespmem:v21+s2+$0x0], $0xffff;
	[tilespmem:s15+$0xFFFFFF60] =	vst v11;
	v9 =	vadd.f32 v9, v8  }
0x59: {  	v11 =	vld.idx.msk [tilespmem:v22+s2+$0x0], $0xffff;
	[tilespmem:s15+$0xFFFFFF70] =	vst v10;
	v10 =	vadd.f32 v12, v8  }
0x5a: {  	v12 =	vld.idx.msk [tilespmem:v23+s2+$0x0], $0xffff;
	[tilespmem:s15+$0xFFFFFF00] =	vst v9;
	v9 =	vadd.f32 v13, v8  }
0x5b: {  	v13 =	vld.idx.msk [tilespmem:v24+s2+$0x0], $0xffff;
	[tilespmem:s15+$0xFFFFFF80] =	vst v10;
	v10 =	vadd.f32 v14, v8  }
0x5c: {  	v14 =	vld.idx.msk [tilespmem:v25+s2+$0x0], $0xffff;
	[tilespmem:s15+$0xFFFFFF90] =	vst v9;
	v9 =	vadd.f32 v15, v8  }
0x5d: {  	v15 =	vld.idx.msk [tilespmem:v26+s2+$0x0], $0xffff;
	[tilespmem:s15+$0xFFFFFFA0] =	vst v10;
	v10 =	vadd.f32 v16, v8  }
0x5e: {  	v16 =	vld.idx.msk [tilespmem:v27+s2+$0x0], $0xffff;
	[tilespmem:s15+$0xFFFFFFB0] =	vst v9;
	v9 =	vadd.f32 v11, v8  }
0x5f: {  	v11 =	vld.idx.msk [tilespmem:v28+s2+$0x0], $0xffff;
	[tilespmem:s15+$0xFFFFFFC0] =	vst v10;
	v10 =	vadd.f32 v12, v8  }
0x60: {  	v12 =	vld.idx.msk [tilespmem:v29+s2+$0x0], $0xffff;
	[tilespmem:s15+$0xFFFFFFD0] =	vst v9;
	v9 =	vadd.f32 v13, v8  }
0x61: {  	v13 =	vld.idx.msk [tilespmem:v30+s2+$0x0], $0xffff;
	[tilespmem:s15+$0xFFFFFFE0] =	vst v10;
	v10 =	vadd.f32 v14, v8  }
0x62: {  	v14 =	vld.idx.msk [tilespmem:v31+s2+$0x0], $0xffff;
	[tilespmem:s15+$0xFFFFFFF0] =	vst v9;
	v9 =	vadd.f32 v15, v8  }
0x63: {  	v15 =	vld.idx.msk [tilespmem:v32+s2+$0x0], $0xffff;
	[tilespmem:s15+$0x0] =	vst v10;
	v10 =	vadd.f32 v16, v8  }
0x64: {  	v11 =	vadd.f32 v11, v8;
	[tilespmem:s15+$0x10] =	vst v9;
	v9 =	vld.idx.msk [tilespmem:v34+s2+$0x0], $0xffff  }
0x65: {  	v12 =	vadd.f32 v12, v8;
	[tilespmem:s15+$0x20] =	vst v10;
	v10 =	vld.idx.msk [tilespmem:v35+s2+$0x0], $0xffff  }
0x66: {  	[tilespmem:s15+$0x30] =	vst v11;
	v13 =	vadd.f32 v13, v8;
	v11 =	vld.idx.msk [tilespmem:v36+s2+$0x0], $0xffff  }
0x67: {  	[tilespmem:s15+$0x40] =	vst v12;
	v14 =	vadd.f32 v14, v8;
	v12 =	vld.idx.msk [tilespmem:v37+s2+$0x0], $0xffff  }
0x68: {  	[tilespmem:s15+$0x50] =	vst v13;
	v13 =	vld.idx.msk [tilespmem:v38+s2+$0x0], $0xffff;
	v16 =	vadd.f32 v15, v8  }
0x69: {  	s16 =	simm.s32 $0x0;
	s17 =	simm.s32 $0x189A0;
	v15 =	vadd.f32 v17, v8;
	[tilespmem:s15+$0x60] =	vst v14;
	v14 =	vld.idx.msk [tilespmem:v39+s2+$0x0], $0xffff  }
.LBB2_2:
0x6a: {  	v17 =	vld [tilespmem:s17+$0xF0];
	s16 =	sadd.s32 $0x20, s16;
	[tilespmem:s15+$0x70] =	vst v16;
	v9 =	vadd.f32 v9, v8  }
0x6b: {  	v10 =	vadd.f32 v10, v8;
	v16 =	vld [tilespmem:s17+$0xFFFFFF10];
	p0 =	slt.u32 s16, $0xE0;
	[tilespmem:s15+$0x80] =	vst v15  }
0x6c: {  	v15 =	vld [tilespmem:s17+$0xFFFFFF20];
	[tilespmem:s15+$0x90] =	vst v9;
	v9 =	vadd.f32 v11, v8  }
0x6d: {  	v11 =	vld [tilespmem:s17+$0xFFFFFF30];
	[tilespmem:s15+$0xA0] =	vst v10;
	v10 =	vadd.f32 v12, v8  }
0x6e: {  	v12 =	vld [tilespmem:s17+$0xFFFFFF40];
	[tilespmem:s15+$0xB0] =	vst v9;
	v9 =	vadd.f32 v13, v8  }
0x6f: {  	v13 =	vld [tilespmem:s17+$0xFFFFFF50];
	[tilespmem:s15+$0xC0] =	vst v10;
	v10 =	vadd.f32 v14, v8  }
0x70: {  	v14 =	vld [tilespmem:s17+$0xFFFFFF60];
	[tilespmem:s15+$0xD0] =	vst v9  }
0x71: {  	v9 =	vld [tilespmem:s17+$0xFFFFFF70];
	[tilespmem:s15+$0xE0] =	vst v10  }
0x72: {  	v10 =	vld.idx.msk [tilespmem:v17+s2+$0x0], $0xffff  }
0x73: {  	v17 =	vld [tilespmem:s17+$0xFFFFFF80]  }
0x74: {  	v18 =	vld [tilespmem:s17+$0xFFFFFF90]  }
0x75: {  	v19 =	vld [tilespmem:s17+$0xFFFFFFA0]  }
0x76: {  	v20 =	vld [tilespmem:s17+$0xFFFFFFB0]  }
0x77: {  	v21 =	vld [tilespmem:s17+$0xFFFFFFC0]  }
0x78: {  	v10 =	vadd.f32 v10, v8;
	v22 =	vld [tilespmem:s17+$0xFFFFFFD0]  }
0x79: {  	s15 =	sadd.s32 $0x200, s15;
	v23 =	vld [tilespmem:s17+$0xFFFFFFE0]  }
0x7a: {  	v24 =	vld [tilespmem:s17+$0xFFFFFFF0];
	[tilespmem:s15+$0xF0] =	vst v10  }
0x7b: {  	v10 =	vld [tilespmem:s17+$0x0]  }
0x7c: {  	v25 =	vld [tilespmem:s17+$0x10]  }
0x7d: {  	v26 =	vld [tilespmem:s17+$0x20]  }
0x7e: {  	v27 =	vld [tilespmem:s17+$0x30]  }
0x7f: {  	v28 =	vld [tilespmem:s17+$0x40]  }
0x80: {  	v29 =	vld [tilespmem:s17+$0x50]  }
0x81: {  	v30 =	vld [tilespmem:s17+$0x60]  }
0x82: {  	v31 =	vld [tilespmem:s17+$0x70]  }
0x83: {  	v32 =	vld [tilespmem:s17+$0x80]  }
0x84: {  	v33 =	vld [tilespmem:s17+$0x90]  }
0x85: {  	v34 =	vld [tilespmem:s17+$0xA0]  }
0x86: {  	v35 =	vld [tilespmem:s17+$0xB0]  }
0x87: {  	v36 =	vld [tilespmem:s17+$0xC0]  }
0x88: {  	v37 =	vld [tilespmem:s17+$0xD0]  }
0x89: {  	v38 =	vld [tilespmem:s17+$0xE0]  }
0x8a: {  	v39 =	vld [tilespmem:s17+$0xFFFFFF00]  }
0x8b: {  	v16 =	vld.idx.msk [tilespmem:v16+s2+$0x0], $0xffff  }
0x8c: {  	v15 =	vld.idx.msk [tilespmem:v15+s2+$0x0], $0xffff  }
0x8d: {  	v11 =	vld.idx.msk [tilespmem:v11+s2+$0x0], $0xffff  }
0x8e: {  	v12 =	vld.idx.msk [tilespmem:v12+s2+$0x0], $0xffff  }
0x8f: {  	v13 =	vld.idx.msk [tilespmem:v13+s2+$0x0], $0xffff  }
0x90: {  	v14 =	vld.idx.msk [tilespmem:v14+s2+$0x0], $0xffff  }
0x91: {  	v16 =	vadd.f32 v16, v8;
	v9 =	vld.idx.msk [tilespmem:v9+s2+$0x0], $0xffff  }
0x92: {  	v15 =	vadd.f32 v15, v8;
	v39 =	vld.idx.msk [tilespmem:v39+s2+$0x0], $0xffff  }
0x93: {  	v11 =	vadd.f32 v11, v8;
	[tilespmem:s15+$0xFFFFFF10] =	vst v16;
	v16 =	vld.idx.msk [tilespmem:v17+s2+$0x0], $0xffff  }
0x94: {  	v12 =	vadd.f32 v12, v8;
	[tilespmem:s15+$0xFFFFFF20] =	vst v15;
	v15 =	vld.idx.msk [tilespmem:v18+s2+$0x0], $0xffff  }
0x95: {  	[tilespmem:s15+$0xFFFFFF30] =	vst v11;
	v11 =	vadd.f32 v13, v8;
	v13 =	vld.idx.msk [tilespmem:v19+s2+$0x0], $0xffff  }
0x96: {  	[tilespmem:s15+$0xFFFFFF40] =	vst v12;
	v12 =	vadd.f32 v14, v8;
	v14 =	vld.idx.msk [tilespmem:v20+s2+$0x0], $0xffff  }
0x97: {  	v9 =	vadd.f32 v9, v8;
	[tilespmem:s15+$0xFFFFFF50] =	vst v11;
	v11 =	vld.idx.msk [tilespmem:v21+s2+$0x0], $0xffff  }
0x98: {  	v17 =	vadd.f32 v39, v8;
	[tilespmem:s15+$0xFFFFFF60] =	vst v12;
	v12 =	vld.idx.msk [tilespmem:v22+s2+$0x0], $0xffff  }
0x99: {  	[tilespmem:s15+$0xFFFFFF70] =	vst v9;
	v9 =	vadd.f32 v16, v8;
	v16 =	vld.idx.msk [tilespmem:v23+s2+$0x0], $0xffff  }
0x9a: {  	v15 =	vadd.f32 v15, v8;
	[tilespmem:s15+$0xFFFFFF00] =	vst v17;
	v17 =	vld.idx.msk [tilespmem:v24+s2+$0x0], $0xffff  }
0x9b: {  	[tilespmem:s15+$0xFFFFFF80] =	vst v9;
	v9 =	vadd.f32 v13, v8;
	v10 =	vld.idx.msk [tilespmem:v10+s2+$0x0], $0xffff  }
0x9c: {  	v13 =	vadd.f32 v14, v8;
	[tilespmem:s15+$0xFFFFFF90] =	vst v15;
	v14 =	vld.idx.msk [tilespmem:v25+s2+$0x0], $0xffff  }
0x9d: {  	[tilespmem:s15+$0xFFFFFFA0] =	vst v9;
	v9 =	vadd.f32 v11, v8;
	v11 =	vld.idx.msk [tilespmem:v26+s2+$0x0], $0xffff  }
0x9e: {  	v12 =	vadd.f32 v12, v8;
	[tilespmem:s15+$0xFFFFFFB0] =	vst v13;
	v13 =	vld.idx.msk [tilespmem:v27+s2+$0x0], $0xffff  }
0x9f: {  	[tilespmem:s15+$0xFFFFFFC0] =	vst v9;
	v9 =	vadd.f32 v16, v8;
	v15 =	vld.idx.msk [tilespmem:v28+s2+$0x0], $0xffff  }
0xa0: {  	[tilespmem:s15+$0xFFFFFFD0] =	vst v12;
	v12 =	vadd.f32 v17, v8;
	v16 =	vld.idx.msk [tilespmem:v29+s2+$0x0], $0xffff  }
0xa1: {  	[tilespmem:s15+$0xFFFFFFE0] =	vst v9;
	v9 =	vadd.f32 v10, v8;
	v17 =	vld.idx.msk [tilespmem:v30+s2+$0x0], $0xffff  }
0xa2: {  	v10 =	vadd.f32 v14, v8;
	[tilespmem:s15+$0xFFFFFFF0] =	vst v12;
	v14 =	vld.idx.msk [tilespmem:v31+s2+$0x0], $0xffff  }
0xa3: {  	v11 =	vadd.f32 v11, v8;
	[tilespmem:s15+$0x0] =	vst v9;
	v18 =	vld.idx.msk [tilespmem:v32+s2+$0x0], $0xffff  }
0xa4: {  	v12 =	vadd.f32 v13, v8;
	[tilespmem:s15+$0x10] =	vst v10;
	v9 =	vld.idx.msk [tilespmem:v33+s2+$0x0], $0xffff  }
.Ltmp0:
0xa5: {  	v13 =	vadd.f32 v15, v8;
	[tilespmem:s15+$0x20] =	vst v11;
	v10 =	vld.idx.msk [tilespmem:v34+s2+$0x0], $0xffff;
	(pc) =	sbr.rel @p0 .LBB2_2-.Ltmp0, $4  }
0xa6: {  	v15 =	vadd.f32 v16, v8;
	[tilespmem:s15+$0x30] =	vst v12;
	v11 =	vld.idx.msk [tilespmem:v35+s2+$0x0], $0xffff  }
0xa7: {  	v17 =	vadd.f32 v17, v8;
	[tilespmem:s15+$0x40] =	vst v13;
	v12 =	vld.idx.msk [tilespmem:v36+s2+$0x0], $0xffff  }
0xa8: {  	v16 =	vadd.f32 v14, v8;
	[tilespmem:s15+$0x50] =	vst v15;
	v13 =	vld.idx.msk [tilespmem:v37+s2+$0x0], $0xffff  }
0xa9: {  	s17 =	sadd.s32 $0x200, s17;
	v15 =	vadd.f32 v18, v8;
	[tilespmem:s15+$0x60] =	vst v17;
	v14 =	vld.idx.msk [tilespmem:v38+s2+$0x0], $0xffff  }
0xaa: {  	[tilespmem:s15+$0x70] =	vst v16;
	v9 =	vadd.f32 v9, v8  }
0xab: {  	v10 =	vadd.f32 v10, v8;
	[tilespmem:s15+$0x80] =	vst v15  }
0xac: {  	[tilespmem:s15+$0x90] =	vst v9;
	v9 =	vadd.f32 v11, v8  }
0xad: {  	[tilespmem:s15+$0xA0] =	vst v10;
	v10 =	vadd.f32 v12, v8  }
0xae: {  	[tilespmem:s15+$0xB0] =	vst v9;
	v9 =	vadd.f32 v13, v8  }
0xaf: {  	[tilespmem:s15+$0xC0] =	vst v10;
	v8 =	vadd.f32 v14, v8  }
0xb0: {  	[tilespmem:s15+$0xD0] =	vst v9  }
0xb1: {  	[tilespmem:s15+$0xE0] =	vst v8  }
0xb2: {  	[hbm4b:s11+s2] =	stream.linear.scatter [tilespmem:s0], [sflag:$0x4], $0x1000, $0x38;
	[tilespmem:$0x1FFA0] =	vst v63  }
0xb3: {  	s15 =	rddreg [dreg:$0x7]  }
0xb4: {  	[tilespmem:s28], [sflag:$0x1] =	stream.linear.gather [hbm4b:s15+s2], $0x1000, $0x38;
	[tilespmem:$0x1FFA0] =	vst v63  }
0xb5: {  	_ =	swait.ge [sflag:s1], $0x1000  }
0xb6: {  	[sflag:s1] =	ssyncset.done $0x0  }
0xb7: {  	[sflag:s1] =	ssyncadd.s32 $0xFFFFF000  }
0xb8: {  	s21 =	simm.s32 $0x197A0;
	v8 =	vld.idx.msk [tilespmem:v1+s26+$0x0], $0xffff  }
0xb9: {  	v9 =	vld [tilespmem:s21+$0xF0]  }
0xba: {  	v10 =	vld [tilespmem:s21+$0xFFFFFF10]  }
0xbb: {  	v11 =	vld [tilespmem:s21+$0xFFFFFF20]  }
0xbc: {  	v12 =	vld [tilespmem:s21+$0xFFFFFF30]  }
0xbd: {  	v13 =	vld [tilespmem:s21+$0xFFFFFF40]  }
0xbe: {  	v14 =	vld [tilespmem:s21+$0xFFFFFF50]  }
0xbf: {  	v15 =	vld [tilespmem:s21+$0xFFFFFF60]  }
0xc0: {  	v16 =	vld [tilespmem:s21+$0xFFFFFF70]  }
0xc1: {  	v17 =	vld [tilespmem:s21+$0xFFFFFF80]  }
0xc2: {  	v18 =	vld [tilespmem:s21+$0xFFFFFF90]  }
0xc3: {  	v19 =	vld [tilespmem:s21+$0xFFFFFFA0]  }
0xc4: {  	v20 =	vld [tilespmem:s21+$0xFFFFFFB0]  }
0xc5: {  	v21 =	vld [tilespmem:s21+$0xFFFFFFC0]  }
0xc6: {  	v22 =	vld [tilespmem:s21+$0xFFFFFFD0]  }
0xc7: {  	v23 =	vld [tilespmem:s21+$0xFFFFFFE0]  }
0xc8: {  	v24 =	vld [tilespmem:s21+$0xFFFFFFF0]  }
0xc9: {  	v25 =	vld [tilespmem:s21+$0x0]  }
0xca: {  	v26 =	vld [tilespmem:s21+$0x10]  }
0xcb: {  	v27 =	vld [tilespmem:s21+$0x20]  }
0xcc: {  	v28 =	vld [tilespmem:s21+$0x30]  }
0xcd: {  	v29 =	vld [tilespmem:s21+$0x40]  }
0xce: {  	v30 =	vld [tilespmem:s21+$0x50]  }
0xcf: {  	v31 =	vld [tilespmem:s21+$0x60]  }
0xd0: {  	v32 =	vld [tilespmem:s21+$0x70]  }
0xd1: {  	v33 =	vld [tilespmem:s21+$0x80]  }
0xd2: {  	v34 =	vld [tilespmem:s21+$0x90]  }
0xd3: {  	v35 =	vld [tilespmem:s21+$0xA0]  }
0xd4: {  	v36 =	vld [tilespmem:s21+$0xB0]  }
0xd5: {  	v37 =	vld [tilespmem:s21+$0xC0]  }
0xd6: {  	v38 =	vld [tilespmem:s21+$0xD0]  }
0xd7: {  	v39 =	vld [tilespmem:s21+$0xE0]  }
0xd8: {  	v40 =	vld [tilespmem:s21+$0xFFFFFF00]  }
0xd9: {  	v9 =	vld.idx.msk [tilespmem:v9+s2+$0x0], $0xffff  }
0xda: {  	v10 =	vld.idx.msk [tilespmem:v10+s2+$0x0], $0xffff  }
0xdb: {  	v11 =	vld.idx.msk [tilespmem:v11+s2+$0x0], $0xffff  }
0xdc: {  	v12 =	vld.idx.msk [tilespmem:v12+s2+$0x0], $0xffff  }
0xdd: {  	v13 =	vld.idx.msk [tilespmem:v13+s2+$0x0], $0xffff  }
0xde: {  	v14 =	vld.idx.msk [tilespmem:v14+s2+$0x0], $0xffff  }
0xdf: {  	v15 =	vld.idx.msk [tilespmem:v15+s2+$0x0], $0xffff;
	v9 =	vadd.f32 v9, v8  }
0xe0: {  	s15 =	simm.s32 $0x1C7A0;
	v16 =	vld.idx.msk [tilespmem:v16+s2+$0x0], $0xffff;
	v10 =	vadd.f32 v10, v8  }
0xe1: {  	v11 =	vadd.f32 v11, v8;
	[tilespmem:s15+$0xF0] =	vst v9;
	v9 =	vld.idx.msk [tilespmem:v40+s2+$0x0], $0xffff  }
0xe2: {  	[tilespmem:s15+$0xFFFFFF10] =	vst v10;
	v10 =	vadd.f32 v12, v8;
	v12 =	vld.idx.msk [tilespmem:v17+s2+$0x0], $0xffff  }
0xe3: {  	[tilespmem:s15+$0xFFFFFF20] =	vst v11;
	v11 =	vadd.f32 v13, v8;
	v13 =	vld.idx.msk [tilespmem:v18+s2+$0x0], $0xffff  }
0xe4: {  	v17 =	vld.idx.msk [tilespmem:v33+s2+$0x0], $0xffff;
	[tilespmem:s15+$0xFFFFFF30] =	vst v10;
	v10 =	vadd.f32 v14, v8  }
0xe5: {  	v14 =	vld.idx.msk [tilespmem:v19+s2+$0x0], $0xffff;
	[tilespmem:s15+$0xFFFFFF40] =	vst v11;
	v11 =	vadd.f32 v15, v8  }
0xe6: {  	v15 =	vld.idx.msk [tilespmem:v20+s2+$0x0], $0xffff;
	[tilespmem:s15+$0xFFFFFF50] =	vst v10;
	v10 =	vadd.f32 v16, v8  }
0xe7: {  	v16 =	vld.idx.msk [tilespmem:v21+s2+$0x0], $0xffff;
	[tilespmem:s15+$0xFFFFFF60] =	vst v11;
	v9 =	vadd.f32 v9, v8  }
0xe8: {  	v11 =	vld.idx.msk [tilespmem:v22+s2+$0x0], $0xffff;
	[tilespmem:s15+$0xFFFFFF70] =	vst v10;
	v10 =	vadd.f32 v12, v8  }
0xe9: {  	v12 =	vld.idx.msk [tilespmem:v23+s2+$0x0], $0xffff;
	[tilespmem:s15+$0xFFFFFF00] =	vst v9;
	v9 =	vadd.f32 v13, v8  }
0xea: {  	v13 =	vld.idx.msk [tilespmem:v24+s2+$0x0], $0xffff;
	[tilespmem:s15+$0xFFFFFF80] =	vst v10;
	v10 =	vadd.f32 v14, v8  }
0xeb: {  	v14 =	vld.idx.msk [tilespmem:v25+s2+$0x0], $0xffff;
	[tilespmem:s15+$0xFFFFFF90] =	vst v9;
	v9 =	vadd.f32 v15, v8  }
0xec: {  	v15 =	vld.idx.msk [tilespmem:v26+s2+$0x0], $0xffff;
	[tilespmem:s15+$0xFFFFFFA0] =	vst v10;
	v10 =	vadd.f32 v16, v8  }
0xed: {  	v16 =	vld.idx.msk [tilespmem:v27+s2+$0x0], $0xffff;
	[tilespmem:s15+$0xFFFFFFB0] =	vst v9;
	v9 =	vadd.f32 v11, v8  }
0xee: {  	v11 =	vld.idx.msk [tilespmem:v28+s2+$0x0], $0xffff;
	[tilespmem:s15+$0xFFFFFFC0] =	vst v10;
	v10 =	vadd.f32 v12, v8  }
0xef: {  	v12 =	vld.idx.msk [tilespmem:v29+s2+$0x0], $0xffff;
	[tilespmem:s15+$0xFFFFFFD0] =	vst v9;
	v9 =	vadd.f32 v13, v8  }
0xf0: {  	v13 =	vld.idx.msk [tilespmem:v30+s2+$0x0], $0xffff;
	[tilespmem:s15+$0xFFFFFFE0] =	vst v10;
	v10 =	vadd.f32 v14, v8  }
0xf1: {  	v14 =	vld.idx.msk [tilespmem:v31+s2+$0x0], $0xffff;
	[tilespmem:s15+$0xFFFFFFF0] =	vst v9;
	v9 =	vadd.f32 v15, v8  }
0xf2: {  	v15 =	vld.idx.msk [tilespmem:v32+s2+$0x0], $0xffff;
	[tilespmem:s15+$0x0] =	vst v10;
	v10 =	vadd.f32 v16, v8  }
0xf3: {  	v11 =	vadd.f32 v11, v8;
	[tilespmem:s15+$0x10] =	vst v9;
	v9 =	vld.idx.msk [tilespmem:v34+s2+$0x0], $0xffff  }
0xf4: {  	v12 =	vadd.f32 v12, v8;
	[tilespmem:s15+$0x20] =	vst v10;
	v10 =	vld.idx.msk [tilespmem:v35+s2+$0x0], $0xffff  }
0xf5: {  	[tilespmem:s15+$0x30] =	vst v11;
	v13 =	vadd.f32 v13, v8;
	v11 =	vld.idx.msk [tilespmem:v36+s2+$0x0], $0xffff  }
0xf6: {  	[tilespmem:s15+$0x40] =	vst v12;
	v14 =	vadd.f32 v14, v8;
	v12 =	vld.idx.msk [tilespmem:v37+s2+$0x0], $0xffff  }
0xf7: {  	[tilespmem:s15+$0x50] =	vst v13;
	v13 =	vld.idx.msk [tilespmem:v38+s2+$0x0], $0xffff;
	v16 =	vadd.f32 v15, v8  }
0xf8: {  	s16 =	simm.s32 $0x0;
	s17 =	simm.s32 $0x199A0;
	v15 =	vadd.f32 v17, v8;
	[tilespmem:s15+$0x60] =	vst v14;
	v14 =	vld.idx.msk [tilespmem:v39+s2+$0x0], $0xffff  }
.LBB2_4:
0xf9: {  	v17 =	vld [tilespmem:s17+$0xF0];
	s16 =	sadd.s32 $0x20, s16;
	[tilespmem:s15+$0x70] =	vst v16;
	v9 =	vadd.f32 v9, v8  }
0xfa: {  	v10 =	vadd.f32 v10, v8;
	v16 =	vld [tilespmem:s17+$0xFFFFFF10];
	p0 =	slt.u32 s16, $0xE0;
	[tilespmem:s15+$0x80] =	vst v15  }
0xfb: {  	v15 =	vld [tilespmem:s17+$0xFFFFFF20];
	[tilespmem:s15+$0x90] =	vst v9;
	v9 =	vadd.f32 v11, v8  }
0xfc: {  	v11 =	vld [tilespmem:s17+$0xFFFFFF30];
	[tilespmem:s15+$0xA0] =	vst v10;
	v10 =	vadd.f32 v12, v8  }
0xfd: {  	v12 =	vld [tilespmem:s17+$0xFFFFFF40];
	[tilespmem:s15+$0xB0] =	vst v9;
	v9 =	vadd.f32 v13, v8  }
0xfe: {  	v13 =	vld [tilespmem:s17+$0xFFFFFF50];
	[tilespmem:s15+$0xC0] =	vst v10;
	v10 =	vadd.f32 v14, v8  }
0xff: {  	v14 =	vld [tilespmem:s17+$0xFFFFFF60];
	[tilespmem:s15+$0xD0] =	vst v9  }
0x100: {  	v9 =	vld [tilespmem:s17+$0xFFFFFF70];
	[tilespmem:s15+$0xE0] =	vst v10  }
0x101: {  	v10 =	vld.idx.msk [tilespmem:v17+s2+$0x0], $0xffff  }
0x102: {  	v17 =	vld [tilespmem:s17+$0xFFFFFF80]  }
0x103: {  	v18 =	vld [tilespmem:s17+$0xFFFFFF90]  }
0x104: {  	v19 =	vld [tilespmem:s17+$0xFFFFFFA0]  }
0x105: {  	v20 =	vld [tilespmem:s17+$0xFFFFFFB0]  }
0x106: {  	v21 =	vld [tilespmem:s17+$0xFFFFFFC0]  }
0x107: {  	v10 =	vadd.f32 v10, v8;
	v22 =	vld [tilespmem:s17+$0xFFFFFFD0]  }
0x108: {  	s15 =	sadd.s32 $0x200, s15;
	v23 =	vld [tilespmem:s17+$0xFFFFFFE0]  }
0x109: {  	v24 =	vld [tilespmem:s17+$0xFFFFFFF0];
	[tilespmem:s15+$0xF0] =	vst v10  }
0x10a: {  	v10 =	vld [tilespmem:s17+$0x0]  }
0x10b: {  	v25 =	vld [tilespmem:s17+$0x10]  }
0x10c: {  	v26 =	vld [tilespmem:s17+$0x20]  }
0x10d: {  	v27 =	vld [tilespmem:s17+$0x30]  }
0x10e: {  	v28 =	vld [tilespmem:s17+$0x40]  }
0x10f: {  	v29 =	vld [tilespmem:s17+$0x50]  }
0x110: {  	v30 =	vld [tilespmem:s17+$0x60]  }
0x111: {  	v31 =	vld [tilespmem:s17+$0x70]  }
0x112: {  	v32 =	vld [tilespmem:s17+$0x80]  }
0x113: {  	v33 =	vld [tilespmem:s17+$0x90]  }
0x114: {  	v34 =	vld [tilespmem:s17+$0xA0]  }
0x115: {  	v35 =	vld [tilespmem:s17+$0xB0]  }
0x116: {  	v36 =	vld [tilespmem:s17+$0xC0]  }
0x117: {  	v37 =	vld [tilespmem:s17+$0xD0]  }
0x118: {  	v38 =	vld [tilespmem:s17+$0xE0]  }
0x119: {  	v39 =	vld [tilespmem:s17+$0xFFFFFF00]  }
0x11a: {  	v16 =	vld.idx.msk [tilespmem:v16+s2+$0x0], $0xffff  }
0x11b: {  	v15 =	vld.idx.msk [tilespmem:v15+s2+$0x0], $0xffff  }
0x11c: {  	v11 =	vld.idx.msk [tilespmem:v11+s2+$0x0], $0xffff  }
0x11d: {  	v12 =	vld.idx.msk [tilespmem:v12+s2+$0x0], $0xffff  }
0x11e: {  	v13 =	vld.idx.msk [tilespmem:v13+s2+$0x0], $0xffff  }
0x11f: {  	v14 =	vld.idx.msk [tilespmem:v14+s2+$0x0], $0xffff  }
0x120: {  	v16 =	vadd.f32 v16, v8;
	v9 =	vld.idx.msk [tilespmem:v9+s2+$0x0], $0xffff  }
0x121: {  	v15 =	vadd.f32 v15, v8;
	v39 =	vld.idx.msk [tilespmem:v39+s2+$0x0], $0xffff  }
0x122: {  	v11 =	vadd.f32 v11, v8;
	[tilespmem:s15+$0xFFFFFF10] =	vst v16;
	v16 =	vld.idx.msk [tilespmem:v17+s2+$0x0], $0xffff  }
0x123: {  	v12 =	vadd.f32 v12, v8;
	[tilespmem:s15+$0xFFFFFF20] =	vst v15;
	v15 =	vld.idx.msk [tilespmem:v18+s2+$0x0], $0xffff  }
0x124: {  	[tilespmem:s15+$0xFFFFFF30] =	vst v11;
	v11 =	vadd.f32 v13, v8;
	v13 =	vld.idx.msk [tilespmem:v19+s2+$0x0], $0xffff  }
0x125: {  	[tilespmem:s15+$0xFFFFFF40] =	vst v12;
	v12 =	vadd.f32 v14, v8;
	v14 =	vld.idx.msk [tilespmem:v20+s2+$0x0], $0xffff  }
0x126: {  	v9 =	vadd.f32 v9, v8;
	[tilespmem:s15+$0xFFFFFF50] =	vst v11;
	v11 =	vld.idx.msk [tilespmem:v21+s2+$0x0], $0xffff  }
0x127: {  	v17 =	vadd.f32 v39, v8;
	[tilespmem:s15+$0xFFFFFF60] =	vst v12;
	v12 =	vld.idx.msk [tilespmem:v22+s2+$0x0], $0xffff  }
0x128: {  	[tilespmem:s15+$0xFFFFFF70] =	vst v9;
	v9 =	vadd.f32 v16, v8;
	v16 =	vld.idx.msk [tilespmem:v23+s2+$0x0], $0xffff  }
0x129: {  	v15 =	vadd.f32 v15, v8;
	[tilespmem:s15+$0xFFFFFF00] =	vst v17;
	v17 =	vld.idx.msk [tilespmem:v24+s2+$0x0], $0xffff  }
0x12a: {  	[tilespmem:s15+$0xFFFFFF80] =	vst v9;
	v9 =	vadd.f32 v13, v8;
	v10 =	vld.idx.msk [tilespmem:v10+s2+$0x0], $0xffff  }
0x12b: {  	v13 =	vadd.f32 v14, v8;
	[tilespmem:s15+$0xFFFFFF90] =	vst v15;
	v14 =	vld.idx.msk [tilespmem:v25+s2+$0x0], $0xffff  }
0x12c: {  	[tilespmem:s15+$0xFFFFFFA0] =	vst v9;
	v9 =	vadd.f32 v11, v8;
	v11 =	vld.idx.msk [tilespmem:v26+s2+$0x0], $0xffff  }
0x12d: {  	v12 =	vadd.f32 v12, v8;
	[tilespmem:s15+$0xFFFFFFB0] =	vst v13;
	v13 =	vld.idx.msk [tilespmem:v27+s2+$0x0], $0xffff  }
0x12e: {  	[tilespmem:s15+$0xFFFFFFC0] =	vst v9;
	v9 =	vadd.f32 v16, v8;
	v15 =	vld.idx.msk [tilespmem:v28+s2+$0x0], $0xffff  }
0x12f: {  	[tilespmem:s15+$0xFFFFFFD0] =	vst v12;
	v12 =	vadd.f32 v17, v8;
	v16 =	vld.idx.msk [tilespmem:v29+s2+$0x0], $0xffff  }
0x130: {  	[tilespmem:s15+$0xFFFFFFE0] =	vst v9;
	v9 =	vadd.f32 v10, v8;
	v17 =	vld.idx.msk [tilespmem:v30+s2+$0x0], $0xffff  }
0x131: {  	v10 =	vadd.f32 v14, v8;
	[tilespmem:s15+$0xFFFFFFF0] =	vst v12;
	v14 =	vld.idx.msk [tilespmem:v31+s2+$0x0], $0xffff  }
0x132: {  	v11 =	vadd.f32 v11, v8;
	[tilespmem:s15+$0x0] =	vst v9;
	v18 =	vld.idx.msk [tilespmem:v32+s2+$0x0], $0xffff  }
0x133: {  	v12 =	vadd.f32 v13, v8;
	[tilespmem:s15+$0x10] =	vst v10;
	v9 =	vld.idx.msk [tilespmem:v33+s2+$0x0], $0xffff  }
.Ltmp1:
0x134: {  	v13 =	vadd.f32 v15, v8;
	[tilespmem:s15+$0x20] =	vst v11;
	v10 =	vld.idx.msk [tilespmem:v34+s2+$0x0], $0xffff;
	(pc) =	sbr.rel @p0 .LBB2_4-.Ltmp1, $4  }
0x135: {  	v15 =	vadd.f32 v16, v8;
	[tilespmem:s15+$0x30] =	vst v12;
	v11 =	vld.idx.msk [tilespmem:v35+s2+$0x0], $0xffff  }
0x136: {  	v17 =	vadd.f32 v17, v8;
	[tilespmem:s15+$0x40] =	vst v13;
	v12 =	vld.idx.msk [tilespmem:v36+s2+$0x0], $0xffff  }
0x137: {  	v16 =	vadd.f32 v14, v8;
	[tilespmem:s15+$0x50] =	vst v15;
	v13 =	vld.idx.msk [tilespmem:v37+s2+$0x0], $0xffff  }
0x138: {  	s17 =	sadd.s32 $0x200, s17;
	v15 =	vadd.f32 v18, v8;
	[tilespmem:s15+$0x60] =	vst v17;
	v14 =	vld.idx.msk [tilespmem:v38+s2+$0x0], $0xffff  }
0x139: {  	[tilespmem:s15+$0x70] =	vst v16;
	v9 =	vadd.f32 v9, v8  }
0x13a: {  	v10 =	vadd.f32 v10, v8;
	[tilespmem:s15+$0x80] =	vst v15  }
0x13b: {  	[tilespmem:s15+$0x90] =	vst v9;
	v9 =	vadd.f32 v11, v8  }
0x13c: {  	[tilespmem:s15+$0xA0] =	vst v10;
	v10 =	vadd.f32 v12, v8  }
0x13d: {  	[tilespmem:s15+$0xB0] =	vst v9;
	v9 =	vadd.f32 v13, v8  }
0x13e: {  	[tilespmem:s15+$0xC0] =	vst v10;
	v8 =	vadd.f32 v14, v8  }
0x13f: {  	[tilespmem:s15+$0xD0] =	vst v9  }
0x140: {  	[tilespmem:s15+$0xE0] =	vst v8  }
0x141: {  	s15 =	rddreg [dreg:$0x8]  }
0x142: {  	[hbm4b:s15+s2] =	stream.linear.scatter [tilespmem:s5], [sflag:$0x5], $0x1000, $0x38;
	[tilespmem:$0x1FFA0] =	vst v63  }
0x143: {  	s20 =	rddreg [dreg:$0x9]  }
0x144: {  	[tilespmem:s29], [sflag:$0x2] =	stream.linear.gather [hbm4b:s20+s2], $0x1000, $0x38;
	[tilespmem:$0x1FFA0] =	vst v63  }
0x145: {  	_ =	swait.ge [sflag:s7], $0x1000  }
0x146: {  	[sflag:s7] =	ssyncset.done $0x0  }
0x147: {  	[sflag:s7] =	ssyncadd.s32 $0xFFFFF000  }
0x148: {  	s21 =	simm.s32 $0x1A7A0;
	v8 =	vld.idx.msk [tilespmem:v2+s26+$0x0], $0xffff  }
0x149: {  	v9 =	vld [tilespmem:s21+$0xF0]  }
0x14a: {  	v10 =	vld [tilespmem:s21+$0xFFFFFF10]  }
0x14b: {  	v11 =	vld [tilespmem:s21+$0xFFFFFF20]  }
0x14c: {  	v12 =	vld [tilespmem:s21+$0xFFFFFF30]  }
0x14d: {  	v13 =	vld [tilespmem:s21+$0xFFFFFF40]  }
0x14e: {  	v14 =	vld [tilespmem:s21+$0xFFFFFF50]  }
0x14f: {  	v15 =	vld [tilespmem:s21+$0xFFFFFF60]  }
0x150: {  	v16 =	vld [tilespmem:s21+$0xFFFFFF70]  }
0x151: {  	v17 =	vld [tilespmem:s21+$0xFFFFFF80]  }
0x152: {  	v18 =	vld [tilespmem:s21+$0xFFFFFF90]  }
0x153: {  	v19 =	vld [tilespmem:s21+$0xFFFFFFA0]  }
0x154: {  	v20 =	vld [tilespmem:s21+$0xFFFFFFB0]  }
0x155: {  	v21 =	vld [tilespmem:s21+$0xFFFFFFC0]  }
0x156: {  	v22 =	vld [tilespmem:s21+$0xFFFFFFD0]  }
0x157: {  	v23 =	vld [tilespmem:s21+$0xFFFFFFE0]  }
0x158: {  	v24 =	vld [tilespmem:s21+$0xFFFFFFF0]  }
0x159: {  	v25 =	vld [tilespmem:s21+$0x0]  }
0x15a: {  	v26 =	vld [tilespmem:s21+$0x10]  }
0x15b: {  	v27 =	vld [tilespmem:s21+$0x20]  }
0x15c: {  	v28 =	vld [tilespmem:s21+$0x30]  }
0x15d: {  	v29 =	vld [tilespmem:s21+$0x40]  }
0x15e: {  	v30 =	vld [tilespmem:s21+$0x50]  }
0x15f: {  	v31 =	vld [tilespmem:s21+$0x60]  }
0x160: {  	v32 =	vld [tilespmem:s21+$0x70]  }
0x161: {  	v33 =	vld [tilespmem:s21+$0x80]  }
0x162: {  	v34 =	vld [tilespmem:s21+$0x90]  }
0x163: {  	v35 =	vld [tilespmem:s21+$0xA0]  }
0x164: {  	v36 =	vld [tilespmem:s21+$0xB0]  }
0x165: {  	v37 =	vld [tilespmem:s21+$0xC0]  }
0x166: {  	v38 =	vld [tilespmem:s21+$0xD0]  }
0x167: {  	v39 =	vld [tilespmem:s21+$0xE0]  }
0x168: {  	v40 =	vld [tilespmem:s21+$0xFFFFFF00]  }
0x169: {  	v9 =	vld.idx.msk [tilespmem:v9+s2+$0x0], $0xffff  }
0x16a: {  	v10 =	vld.idx.msk [tilespmem:v10+s2+$0x0], $0xffff  }
0x16b: {  	v11 =	vld.idx.msk [tilespmem:v11+s2+$0x0], $0xffff  }
0x16c: {  	v12 =	vld.idx.msk [tilespmem:v12+s2+$0x0], $0xffff  }
0x16d: {  	v13 =	vld.idx.msk [tilespmem:v13+s2+$0x0], $0xffff  }
0x16e: {  	v14 =	vld.idx.msk [tilespmem:v14+s2+$0x0], $0xffff  }
0x16f: {  	v15 =	vld.idx.msk [tilespmem:v15+s2+$0x0], $0xffff;
	v9 =	vadd.f32 v9, v8  }
0x170: {  	s15 =	simm.s32 $0x1D7A0;
	v16 =	vld.idx.msk [tilespmem:v16+s2+$0x0], $0xffff;
	v10 =	vadd.f32 v10, v8  }
0x171: {  	v11 =	vadd.f32 v11, v8;
	[tilespmem:s15+$0xF0] =	vst v9;
	v9 =	vld.idx.msk [tilespmem:v40+s2+$0x0], $0xffff  }
0x172: {  	[tilespmem:s15+$0xFFFFFF10] =	vst v10;
	v10 =	vadd.f32 v12, v8;
	v12 =	vld.idx.msk [tilespmem:v17+s2+$0x0], $0xffff  }
0x173: {  	[tilespmem:s15+$0xFFFFFF20] =	vst v11;
	v11 =	vadd.f32 v13, v8;
	v13 =	vld.idx.msk [tilespmem:v18+s2+$0x0], $0xffff  }
0x174: {  	v17 =	vld.idx.msk [tilespmem:v33+s2+$0x0], $0xffff;
	[tilespmem:s15+$0xFFFFFF30] =	vst v10;
	v10 =	vadd.f32 v14, v8  }
0x175: {  	v14 =	vld.idx.msk [tilespmem:v19+s2+$0x0], $0xffff;
	[tilespmem:s15+$0xFFFFFF40] =	vst v11;
	v11 =	vadd.f32 v15, v8  }
0x176: {  	v15 =	vld.idx.msk [tilespmem:v20+s2+$0x0], $0xffff;
	[tilespmem:s15+$0xFFFFFF50] =	vst v10;
	v10 =	vadd.f32 v16, v8  }
0x177: {  	v16 =	vld.idx.msk [tilespmem:v21+s2+$0x0], $0xffff;
	[tilespmem:s15+$0xFFFFFF60] =	vst v11;
	v9 =	vadd.f32 v9, v8  }
0x178: {  	v11 =	vld.idx.msk [tilespmem:v22+s2+$0x0], $0xffff;
	[tilespmem:s15+$0xFFFFFF70] =	vst v10;
	v10 =	vadd.f32 v12, v8  }
0x179: {  	v12 =	vld.idx.msk [tilespmem:v23+s2+$0x0], $0xffff;
	[tilespmem:s15+$0xFFFFFF00] =	vst v9;
	v9 =	vadd.f32 v13, v8  }
0x17a: {  	v13 =	vld.idx.msk [tilespmem:v24+s2+$0x0], $0xffff;
	[tilespmem:s15+$0xFFFFFF80] =	vst v10;
	v10 =	vadd.f32 v14, v8  }
0x17b: {  	v14 =	vld.idx.msk [tilespmem:v25+s2+$0x0], $0xffff;
	[tilespmem:s15+$0xFFFFFF90] =	vst v9;
	v9 =	vadd.f32 v15, v8  }
0x17c: {  	v15 =	vld.idx.msk [tilespmem:v26+s2+$0x0], $0xffff;
	[tilespmem:s15+$0xFFFFFFA0] =	vst v10;
	v10 =	vadd.f32 v16, v8  }
0x17d: {  	v16 =	vld.idx.msk [tilespmem:v27+s2+$0x0], $0xffff;
	[tilespmem:s15+$0xFFFFFFB0] =	vst v9;
	v9 =	vadd.f32 v11, v8  }
0x17e: {  	v11 =	vld.idx.msk [tilespmem:v28+s2+$0x0], $0xffff;
	[tilespmem:s15+$0xFFFFFFC0] =	vst v10;
	v10 =	vadd.f32 v12, v8  }
0x17f: {  	v12 =	vld.idx.msk [tilespmem:v29+s2+$0x0], $0xffff;
	[tilespmem:s15+$0xFFFFFFD0] =	vst v9;
	v9 =	vadd.f32 v13, v8  }
0x180: {  	v13 =	vld.idx.msk [tilespmem:v30+s2+$0x0], $0xffff;
	[tilespmem:s15+$0xFFFFFFE0] =	vst v10;
	v10 =	vadd.f32 v14, v8  }
0x181: {  	v14 =	vld.idx.msk [tilespmem:v31+s2+$0x0], $0xffff;
	[tilespmem:s15+$0xFFFFFFF0] =	vst v9;
	v9 =	vadd.f32 v15, v8  }
0x182: {  	v15 =	vld.idx.msk [tilespmem:v32+s2+$0x0], $0xffff;
	[tilespmem:s15+$0x0] =	vst v10;
	v10 =	vadd.f32 v16, v8  }
0x183: {  	v11 =	vadd.f32 v11, v8;
	[tilespmem:s15+$0x10] =	vst v9;
	v9 =	vld.idx.msk [tilespmem:v34+s2+$0x0], $0xffff  }
0x184: {  	v12 =	vadd.f32 v12, v8;
	[tilespmem:s15+$0x20] =	vst v10;
	v10 =	vld.idx.msk [tilespmem:v35+s2+$0x0], $0xffff  }
0x185: {  	[tilespmem:s15+$0x30] =	vst v11;
	v13 =	vadd.f32 v13, v8;
	v11 =	vld.idx.msk [tilespmem:v36+s2+$0x0], $0xffff  }
0x186: {  	[tilespmem:s15+$0x40] =	vst v12;
	v14 =	vadd.f32 v14, v8;
	v12 =	vld.idx.msk [tilespmem:v37+s2+$0x0], $0xffff  }
0x187: {  	[tilespmem:s15+$0x50] =	vst v13;
	v13 =	vld.idx.msk [tilespmem:v38+s2+$0x0], $0xffff;
	v16 =	vadd.f32 v15, v8  }
0x188: {  	s16 =	simm.s32 $0x0;
	s17 =	simm.s32 $0x1A9A0;
	v15 =	vadd.f32 v17, v8;
	[tilespmem:s15+$0x60] =	vst v14;
	v14 =	vld.idx.msk [tilespmem:v39+s2+$0x0], $0xffff  }
.LBB2_6:
0x189: {  	v17 =	vld [tilespmem:s17+$0xF0];
	s16 =	sadd.s32 $0x20, s16;
	[tilespmem:s15+$0x70] =	vst v16;
	v9 =	vadd.f32 v9, v8  }
0x18a: {  	v10 =	vadd.f32 v10, v8;
	v16 =	vld [tilespmem:s17+$0xFFFFFF10];
	p0 =	slt.u32 s16, $0xE0;
	[tilespmem:s15+$0x80] =	vst v15  }
0x18b: {  	v15 =	vld [tilespmem:s17+$0xFFFFFF20];
	[tilespmem:s15+$0x90] =	vst v9;
	v9 =	vadd.f32 v11, v8  }
0x18c: {  	v11 =	vld [tilespmem:s17+$0xFFFFFF30];
	[tilespmem:s15+$0xA0] =	vst v10;
	v10 =	vadd.f32 v12, v8  }
0x18d: {  	v12 =	vld [tilespmem:s17+$0xFFFFFF40];
	[tilespmem:s15+$0xB0] =	vst v9;
	v9 =	vadd.f32 v13, v8  }
0x18e: {  	v13 =	vld [tilespmem:s17+$0xFFFFFF50];
	[tilespmem:s15+$0xC0] =	vst v10;
	v10 =	vadd.f32 v14, v8  }
0x18f: {  	v14 =	vld [tilespmem:s17+$0xFFFFFF60];
	[tilespmem:s15+$0xD0] =	vst v9  }
0x190: {  	v9 =	vld [tilespmem:s17+$0xFFFFFF70];
	[tilespmem:s15+$0xE0] =	vst v10  }
0x191: {  	v10 =	vld.idx.msk [tilespmem:v17+s2+$0x0], $0xffff  }
0x192: {  	v17 =	vld [tilespmem:s17+$0xFFFFFF80]  }
0x193: {  	v18 =	vld [tilespmem:s17+$0xFFFFFF90]  }
0x194: {  	v19 =	vld [tilespmem:s17+$0xFFFFFFA0]  }
0x195: {  	v20 =	vld [tilespmem:s17+$0xFFFFFFB0]  }
0x196: {  	v21 =	vld [tilespmem:s17+$0xFFFFFFC0]  }
0x197: {  	v10 =	vadd.f32 v10, v8;
	v22 =	vld [tilespmem:s17+$0xFFFFFFD0]  }
0x198: {  	s15 =	sadd.s32 $0x200, s15;
	v23 =	vld [tilespmem:s17+$0xFFFFFFE0]  }
0x199: {  	v24 =	vld [tilespmem:s17+$0xFFFFFFF0];
	[tilespmem:s15+$0xF0] =	vst v10  }
0x19a: {  	v10 =	vld [tilespmem:s17+$0x0]  }
0x19b: {  	v25 =	vld [tilespmem:s17+$0x10]  }
0x19c: {  	v26 =	vld [tilespmem:s17+$0x20]  }
0x19d: {  	v27 =	vld [tilespmem:s17+$0x30]  }
0x19e: {  	v28 =	vld [tilespmem:s17+$0x40]  }
0x19f: {  	v29 =	vld [tilespmem:s17+$0x50]  }
0x1a0: {  	v30 =	vld [tilespmem:s17+$0x60]  }
0x1a1: {  	v31 =	vld [tilespmem:s17+$0x70]  }
0x1a2: {  	v32 =	vld [tilespmem:s17+$0x80]  }
0x1a3: {  	v33 =	vld [tilespmem:s17+$0x90]  }
0x1a4: {  	v34 =	vld [tilespmem:s17+$0xA0]  }
0x1a5: {  	v35 =	vld [tilespmem:s17+$0xB0]  }
0x1a6: {  	v36 =	vld [tilespmem:s17+$0xC0]  }
0x1a7: {  	v37 =	vld [tilespmem:s17+$0xD0]  }
0x1a8: {  	v38 =	vld [tilespmem:s17+$0xE0]  }
0x1a9: {  	v39 =	vld [tilespmem:s17+$0xFFFFFF00]  }
0x1aa: {  	v16 =	vld.idx.msk [tilespmem:v16+s2+$0x0], $0xffff  }
0x1ab: {  	v15 =	vld.idx.msk [tilespmem:v15+s2+$0x0], $0xffff  }
0x1ac: {  	v11 =	vld.idx.msk [tilespmem:v11+s2+$0x0], $0xffff  }
0x1ad: {  	v12 =	vld.idx.msk [tilespmem:v12+s2+$0x0], $0xffff  }
0x1ae: {  	v13 =	vld.idx.msk [tilespmem:v13+s2+$0x0], $0xffff  }
0x1af: {  	v14 =	vld.idx.msk [tilespmem:v14+s2+$0x0], $0xffff  }
0x1b0: {  	v16 =	vadd.f32 v16, v8;
	v9 =	vld.idx.msk [tilespmem:v9+s2+$0x0], $0xffff  }
0x1b1: {  	v15 =	vadd.f32 v15, v8;
	v39 =	vld.idx.msk [tilespmem:v39+s2+$0x0], $0xffff  }
0x1b2: {  	v11 =	vadd.f32 v11, v8;
	[tilespmem:s15+$0xFFFFFF10] =	vst v16;
	v16 =	vld.idx.msk [tilespmem:v17+s2+$0x0], $0xffff  }
0x1b3: {  	v12 =	vadd.f32 v12, v8;
	[tilespmem:s15+$0xFFFFFF20] =	vst v15;
	v15 =	vld.idx.msk [tilespmem:v18+s2+$0x0], $0xffff  }
0x1b4: {  	[tilespmem:s15+$0xFFFFFF30] =	vst v11;
	v11 =	vadd.f32 v13, v8;
	v13 =	vld.idx.msk [tilespmem:v19+s2+$0x0], $0xffff  }
0x1b5: {  	[tilespmem:s15+$0xFFFFFF40] =	vst v12;
	v12 =	vadd.f32 v14, v8;
	v14 =	vld.idx.msk [tilespmem:v20+s2+$0x0], $0xffff  }
0x1b6: {  	v9 =	vadd.f32 v9, v8;
	[tilespmem:s15+$0xFFFFFF50] =	vst v11;
	v11 =	vld.idx.msk [tilespmem:v21+s2+$0x0], $0xffff  }
0x1b7: {  	v17 =	vadd.f32 v39, v8;
	[tilespmem:s15+$0xFFFFFF60] =	vst v12;
	v12 =	vld.idx.msk [tilespmem:v22+s2+$0x0], $0xffff  }
0x1b8: {  	[tilespmem:s15+$0xFFFFFF70] =	vst v9;
	v9 =	vadd.f32 v16, v8;
	v16 =	vld.idx.msk [tilespmem:v23+s2+$0x0], $0xffff  }
0x1b9: {  	v15 =	vadd.f32 v15, v8;
	[tilespmem:s15+$0xFFFFFF00] =	vst v17;
	v17 =	vld.idx.msk [tilespmem:v24+s2+$0x0], $0xffff  }
0x1ba: {  	[tilespmem:s15+$0xFFFFFF80] =	vst v9;
	v9 =	vadd.f32 v13, v8;
	v10 =	vld.idx.msk [tilespmem:v10+s2+$0x0], $0xffff  }
0x1bb: {  	v13 =	vadd.f32 v14, v8;
	[tilespmem:s15+$0xFFFFFF90] =	vst v15;
	v14 =	vld.idx.msk [tilespmem:v25+s2+$0x0], $0xffff  }
0x1bc: {  	[tilespmem:s15+$0xFFFFFFA0] =	vst v9;
	v9 =	vadd.f32 v11, v8;
	v11 =	vld.idx.msk [tilespmem:v26+s2+$0x0], $0xffff  }
0x1bd: {  	v12 =	vadd.f32 v12, v8;
	[tilespmem:s15+$0xFFFFFFB0] =	vst v13;
	v13 =	vld.idx.msk [tilespmem:v27+s2+$0x0], $0xffff  }
0x1be: {  	[tilespmem:s15+$0xFFFFFFC0] =	vst v9;
	v9 =	vadd.f32 v16, v8;
	v15 =	vld.idx.msk [tilespmem:v28+s2+$0x0], $0xffff  }
0x1bf: {  	[tilespmem:s15+$0xFFFFFFD0] =	vst v12;
	v12 =	vadd.f32 v17, v8;
	v16 =	vld.idx.msk [tilespmem:v29+s2+$0x0], $0xffff  }
0x1c0: {  	[tilespmem:s15+$0xFFFFFFE0] =	vst v9;
	v9 =	vadd.f32 v10, v8;
	v17 =	vld.idx.msk [tilespmem:v30+s2+$0x0], $0xffff  }
0x1c1: {  	v10 =	vadd.f32 v14, v8;
	[tilespmem:s15+$0xFFFFFFF0] =	vst v12;
	v14 =	vld.idx.msk [tilespmem:v31+s2+$0x0], $0xffff  }
0x1c2: {  	v11 =	vadd.f32 v11, v8;
	[tilespmem:s15+$0x0] =	vst v9;
	v18 =	vld.idx.msk [tilespmem:v32+s2+$0x0], $0xffff  }
0x1c3: {  	v12 =	vadd.f32 v13, v8;
	[tilespmem:s15+$0x10] =	vst v10;
	v9 =	vld.idx.msk [tilespmem:v33+s2+$0x0], $0xffff  }
.Ltmp2:
0x1c4: {  	v13 =	vadd.f32 v15, v8;
	[tilespmem:s15+$0x20] =	vst v11;
	v10 =	vld.idx.msk [tilespmem:v34+s2+$0x0], $0xffff;
	(pc) =	sbr.rel @p0 .LBB2_6-.Ltmp2, $4  }
0x1c5: {  	v15 =	vadd.f32 v16, v8;
	[tilespmem:s15+$0x30] =	vst v12;
	v11 =	vld.idx.msk [tilespmem:v35+s2+$0x0], $0xffff  }
0x1c6: {  	v17 =	vadd.f32 v17, v8;
	[tilespmem:s15+$0x40] =	vst v13;
	v12 =	vld.idx.msk [tilespmem:v36+s2+$0x0], $0xffff  }
0x1c7: {  	v16 =	vadd.f32 v14, v8;
	[tilespmem:s15+$0x50] =	vst v15;
	v13 =	vld.idx.msk [tilespmem:v37+s2+$0x0], $0xffff  }
0x1c8: {  	s17 =	sadd.s32 $0x200, s17;
	v15 =	vadd.f32 v18, v8;
	[tilespmem:s15+$0x60] =	vst v17;
	v14 =	vld.idx.msk [tilespmem:v38+s2+$0x0], $0xffff  }
0x1c9: {  	[tilespmem:s15+$0x70] =	vst v16;
	v9 =	vadd.f32 v9, v8  }
0x1ca: {  	v10 =	vadd.f32 v10, v8;
	[tilespmem:s15+$0x80] =	vst v15  }
0x1cb: {  	v61 =	vadd.f32 v11, v8;
	[tilespmem:s15+$0x90] =	vst v9  }
0x1cc: {  	[tilespmem:s15+$0xA0] =	vst v10;
	v62 =	vadd.f32 v12, v8  }
0x1cd: {  	[tilespmem:s15+$0xB0] =	vst v61;
	v63 =	vadd.f32 v13, v8  }
0x1ce: {  	[tilespmem:s15+$0xC0] =	vst v62;
	v8 =	vadd.f32 v14, v8  }
0x1cf: {  	[tilespmem:s15+$0xD0] =	vst v63  }
0x1d0: {  	[tilespmem:s15+$0xE0] =	vst v8  }
0x1d1: {  	s15 =	rddreg [dreg:$0xa]  }
0x1d2: {  	[hbm4b:s15+s2] =	stream.linear.scatter [tilespmem:s8], [sflag:$0x6], $0x1000, $0x38;
	[tilespmem:$0x1FFA0] =	vst v63  }
0x1d3: {  	s21 =	rddreg [dreg:$0xb];
	s15 =	simm.s32 $0x1  }
0x1d4: {  	[tilespmem:s30], [sflag:$0x3] =	stream.linear.gather [hbm4b:s21+s2], $0x1000, $0x38;
	[tilespmem:$0x1FFA0] =	vst v63  }
.LBB2_8:
0x1d5: {  	s16 =	smul.u32 $0x3, s15;
	_ =	sdelay $0x1  }
0x1d6: {  	s17 =	sshll.u32 s16, $0x5  }
0x1d7: {  	s17 =	sor.u32 s17, s3  }
0x1d8: {  	v8 =	vmov s17;
	_ =	sdelay $0x1  }
0x1d9: {  	_ =	swait.ge [sflag:s31], $0x1000  }
0x1da: {  	[sflag:s31] =	ssyncset.done $0x0  }
0x1db: {  	[sflag:s31] =	ssyncadd.s32 $0xFFFFF000  }
0x1dc: {  	v8 =	vld.idx.msk [tilespmem:v8+s26+$0x0], $0xffff;
	_ =	swait.ge [sflag:s9], $0x1000  }
0x1dd: {  	[sflag:s9] =	ssyncset.done $0x0  }
0x1de: {  	s21 =	simm.s32 $0x187A0;
	[sflag:s9] =	ssyncadd.s32 $0xFFFFF000  }
0x1df: {  	v9 =	vld [tilespmem:s21+$0xF0]  }
0x1e0: {  	v10 =	vld [tilespmem:s21+$0xFFFFFF10]  }
0x1e1: {  	v11 =	vld [tilespmem:s21+$0xFFFFFF20]  }
0x1e2: {  	v12 =	vld [tilespmem:s21+$0xFFFFFF30]  }
0x1e3: {  	v13 =	vld [tilespmem:s21+$0xFFFFFF40]  }
0x1e4: {  	v14 =	vld [tilespmem:s21+$0xFFFFFF50]  }
0x1e5: {  	v15 =	vld [tilespmem:s21+$0xFFFFFF60]  }
0x1e6: {  	v16 =	vld [tilespmem:s21+$0xFFFFFF70]  }
0x1e7: {  	v17 =	vld [tilespmem:s21+$0xFFFFFF80]  }
0x1e8: {  	v18 =	vld [tilespmem:s21+$0xFFFFFF90]  }
0x1e9: {  	v19 =	vld [tilespmem:s21+$0xFFFFFFA0]  }
0x1ea: {  	v20 =	vld [tilespmem:s21+$0xFFFFFFB0]  }
0x1eb: {  	v21 =	vld [tilespmem:s21+$0xFFFFFFC0]  }
0x1ec: {  	v22 =	vld [tilespmem:s21+$0xFFFFFFD0]  }
0x1ed: {  	v23 =	vld [tilespmem:s21+$0xFFFFFFE0]  }
0x1ee: {  	v24 =	vld [tilespmem:s21+$0xFFFFFFF0]  }
0x1ef: {  	v25 =	vld [tilespmem:s21+$0x0]  }
0x1f0: {  	v26 =	vld [tilespmem:s21+$0x10]  }
0x1f1: {  	v27 =	vld [tilespmem:s21+$0x20]  }
0x1f2: {  	v28 =	vld [tilespmem:s21+$0x30]  }
0x1f3: {  	v29 =	vld [tilespmem:s21+$0x40]  }
0x1f4: {  	v30 =	vld [tilespmem:s21+$0x50]  }
0x1f5: {  	v31 =	vld [tilespmem:s21+$0x60]  }
0x1f6: {  	v32 =	vld [tilespmem:s21+$0x70]  }
0x1f7: {  	v33 =	vld [tilespmem:s21+$0x80]  }
0x1f8: {  	v34 =	vld [tilespmem:s21+$0x90]  }
0x1f9: {  	v35 =	vld [tilespmem:s21+$0xA0]  }
0x1fa: {  	v36 =	vld [tilespmem:s21+$0xB0]  }
0x1fb: {  	v37 =	vld [tilespmem:s21+$0xC0]  }
0x1fc: {  	v38 =	vld [tilespmem:s21+$0xD0]  }
0x1fd: {  	v39 =	vld [tilespmem:s21+$0xE0]  }
0x1fe: {  	v40 =	vld [tilespmem:s21+$0xFFFFFF00]  }
0x1ff: {  	v9 =	vld.idx.msk [tilespmem:v9+s2+$0x0], $0xffff  }
0x200: {  	v10 =	vld.idx.msk [tilespmem:v10+s2+$0x0], $0xffff  }
0x201: {  	v11 =	vld.idx.msk [tilespmem:v11+s2+$0x0], $0xffff  }
0x202: {  	v12 =	vld.idx.msk [tilespmem:v12+s2+$0x0], $0xffff  }
0x203: {  	v13 =	vld.idx.msk [tilespmem:v13+s2+$0x0], $0xffff  }
0x204: {  	v14 =	vld.idx.msk [tilespmem:v14+s2+$0x0], $0xffff  }
0x205: {  	v15 =	vld.idx.msk [tilespmem:v15+s2+$0x0], $0xffff;
	v9 =	vadd.f32 v9, v8  }
0x206: {  	s17 =	simm.s32 $0x1B7A0;
	v16 =	vld.idx.msk [tilespmem:v16+s2+$0x0], $0xffff;
	v10 =	vadd.f32 v10, v8  }
0x207: {  	v11 =	vadd.f32 v11, v8;
	[tilespmem:s17+$0xF0] =	vst v9;
	v9 =	vld.idx.msk [tilespmem:v40+s2+$0x0], $0xffff  }
0x208: {  	[tilespmem:s17+$0xFFFFFF10] =	vst v10;
	v10 =	vadd.f32 v12, v8;
	v12 =	vld.idx.msk [tilespmem:v17+s2+$0x0], $0xffff  }
0x209: {  	[tilespmem:s17+$0xFFFFFF20] =	vst v11;
	v11 =	vadd.f32 v13, v8;
	v13 =	vld.idx.msk [tilespmem:v18+s2+$0x0], $0xffff  }
0x20a: {  	v17 =	vld.idx.msk [tilespmem:v33+s2+$0x0], $0xffff;
	[tilespmem:s17+$0xFFFFFF30] =	vst v10;
	v10 =	vadd.f32 v14, v8  }
0x20b: {  	v14 =	vld.idx.msk [tilespmem:v19+s2+$0x0], $0xffff;
	[tilespmem:s17+$0xFFFFFF40] =	vst v11;
	v11 =	vadd.f32 v15, v8  }
0x20c: {  	v15 =	vld.idx.msk [tilespmem:v20+s2+$0x0], $0xffff;
	[tilespmem:s17+$0xFFFFFF50] =	vst v10;
	v10 =	vadd.f32 v16, v8  }
0x20d: {  	v16 =	vld.idx.msk [tilespmem:v21+s2+$0x0], $0xffff;
	[tilespmem:s17+$0xFFFFFF60] =	vst v11;
	v9 =	vadd.f32 v9, v8  }
0x20e: {  	v11 =	vld.idx.msk [tilespmem:v22+s2+$0x0], $0xffff;
	[tilespmem:s17+$0xFFFFFF70] =	vst v10;
	v10 =	vadd.f32 v12, v8  }
0x20f: {  	v12 =	vld.idx.msk [tilespmem:v23+s2+$0x0], $0xffff;
	[tilespmem:s17+$0xFFFFFF00] =	vst v9;
	v9 =	vadd.f32 v13, v8  }
0x210: {  	v13 =	vld.idx.msk [tilespmem:v24+s2+$0x0], $0xffff;
	[tilespmem:s17+$0xFFFFFF80] =	vst v10;
	v10 =	vadd.f32 v14, v8  }
0x211: {  	v14 =	vld.idx.msk [tilespmem:v25+s2+$0x0], $0xffff;
	[tilespmem:s17+$0xFFFFFF90] =	vst v9;
	v9 =	vadd.f32 v15, v8  }
0x212: {  	v15 =	vld.idx.msk [tilespmem:v26+s2+$0x0], $0xffff;
	[tilespmem:s17+$0xFFFFFFA0] =	vst v10;
	v10 =	vadd.f32 v16, v8  }
0x213: {  	v16 =	vld.idx.msk [tilespmem:v27+s2+$0x0], $0xffff;
	[tilespmem:s17+$0xFFFFFFB0] =	vst v9;
	v9 =	vadd.f32 v11, v8  }
0x214: {  	v11 =	vld.idx.msk [tilespmem:v28+s2+$0x0], $0xffff;
	[tilespmem:s17+$0xFFFFFFC0] =	vst v10;
	v10 =	vadd.f32 v12, v8  }
0x215: {  	v12 =	vld.idx.msk [tilespmem:v29+s2+$0x0], $0xffff;
	[tilespmem:s17+$0xFFFFFFD0] =	vst v9;
	v9 =	vadd.f32 v13, v8  }
0x216: {  	v13 =	vld.idx.msk [tilespmem:v30+s2+$0x0], $0xffff;
	[tilespmem:s17+$0xFFFFFFE0] =	vst v10;
	v10 =	vadd.f32 v14, v8  }
0x217: {  	v14 =	vld.idx.msk [tilespmem:v31+s2+$0x0], $0xffff;
	[tilespmem:s17+$0xFFFFFFF0] =	vst v9;
	v9 =	vadd.f32 v15, v8  }
0x218: {  	v15 =	vld.idx.msk [tilespmem:v32+s2+$0x0], $0xffff;
	[tilespmem:s17+$0x0] =	vst v10;
	v10 =	vadd.f32 v16, v8  }
0x219: {  	v11 =	vadd.f32 v11, v8;
	[tilespmem:s17+$0x10] =	vst v9;
	v9 =	vld.idx.msk [tilespmem:v34+s2+$0x0], $0xffff  }
0x21a: {  	v12 =	vadd.f32 v12, v8;
	[tilespmem:s17+$0x20] =	vst v10;
	v10 =	vld.idx.msk [tilespmem:v35+s2+$0x0], $0xffff  }
0x21b: {  	[tilespmem:s17+$0x30] =	vst v11;
	v16 =	vadd.f32 v13, v8;
	v11 =	vld.idx.msk [tilespmem:v36+s2+$0x0], $0xffff  }
0x21c: {  	v13 =	vld.idx.msk [tilespmem:v37+s2+$0x0], $0xffff;
	[tilespmem:s17+$0x40] =	vst v12;
	v14 =	vadd.f32 v14, v8  }
0x21d: {  	v12 =	vld.idx.msk [tilespmem:v38+s2+$0x0], $0xffff;
	[tilespmem:s17+$0x50] =	vst v16;
	v16 =	vadd.f32 v15, v8  }
0x21e: {  	s18 =	simm.s32 $0x0;
	s19 =	simm.s32 $0x189A0;
	v15 =	vadd.f32 v17, v8;
	[tilespmem:s17+$0x60] =	vst v14;
	v14 =	vld.idx.msk [tilespmem:v39+s2+$0x0], $0xffff  }
.LBB2_9:
0x21f: {  	v17 =	vld [tilespmem:s19+$0xF0];
	s18 =	sadd.s32 $0x20, s18;
	[tilespmem:s17+$0x70] =	vst v16;
	v9 =	vadd.f32 v9, v8  }
0x220: {  	v10 =	vadd.f32 v10, v8;
	v16 =	vld [tilespmem:s19+$0xFFFFFF10];
	p0 =	slt.u32 s18, $0xE0;
	[tilespmem:s17+$0x80] =	vst v15  }
0x221: {  	v15 =	vld [tilespmem:s19+$0xFFFFFF20];
	[tilespmem:s17+$0x90] =	vst v9;
	v9 =	vadd.f32 v11, v8  }
0x222: {  	v11 =	vld [tilespmem:s19+$0xFFFFFF30];
	[tilespmem:s17+$0xA0] =	vst v10;
	v10 =	vadd.f32 v13, v8  }
0x223: {  	v13 =	vld [tilespmem:s19+$0xFFFFFF40];
	[tilespmem:s17+$0xB0] =	vst v9;
	v9 =	vadd.f32 v12, v8  }
0x224: {  	v12 =	vld [tilespmem:s19+$0xFFFFFF50];
	[tilespmem:s17+$0xC0] =	vst v10;
	v10 =	vadd.f32 v14, v8  }
0x225: {  	v14 =	vld [tilespmem:s19+$0xFFFFFF60];
	[tilespmem:s17+$0xD0] =	vst v9  }
0x226: {  	v9 =	vld [tilespmem:s19+$0xFFFFFF70];
	[tilespmem:s17+$0xE0] =	vst v10  }
0x227: {  	v10 =	vld.idx.msk [tilespmem:v17+s2+$0x0], $0xffff  }
0x228: {  	v17 =	vld [tilespmem:s19+$0xFFFFFF80]  }
0x229: {  	v18 =	vld [tilespmem:s19+$0xFFFFFF90]  }
0x22a: {  	v19 =	vld [tilespmem:s19+$0xFFFFFFA0]  }
0x22b: {  	v20 =	vld [tilespmem:s19+$0xFFFFFFB0]  }
0x22c: {  	v21 =	vld [tilespmem:s19+$0xFFFFFFC0]  }
0x22d: {  	v10 =	vadd.f32 v10, v8;
	v22 =	vld [tilespmem:s19+$0xFFFFFFD0]  }
0x22e: {  	s17 =	sadd.s32 $0x200, s17;
	v23 =	vld [tilespmem:s19+$0xFFFFFFE0]  }
0x22f: {  	v24 =	vld [tilespmem:s19+$0xFFFFFFF0];
	[tilespmem:s17+$0xF0] =	vst v10  }
0x230: {  	v10 =	vld [tilespmem:s19+$0x0]  }
0x231: {  	v25 =	vld [tilespmem:s19+$0x10]  }
0x232: {  	v26 =	vld [tilespmem:s19+$0x20]  }
0x233: {  	v27 =	vld [tilespmem:s19+$0x30]  }
0x234: {  	v28 =	vld [tilespmem:s19+$0x40]  }
0x235: {  	v29 =	vld [tilespmem:s19+$0x50]  }
0x236: {  	v30 =	vld [tilespmem:s19+$0x60]  }
0x237: {  	v31 =	vld [tilespmem:s19+$0x70]  }
0x238: {  	v32 =	vld [tilespmem:s19+$0x80]  }
0x239: {  	v33 =	vld [tilespmem:s19+$0x90]  }
0x23a: {  	v34 =	vld [tilespmem:s19+$0xA0]  }
0x23b: {  	v35 =	vld [tilespmem:s19+$0xB0]  }
0x23c: {  	v36 =	vld [tilespmem:s19+$0xC0]  }
0x23d: {  	v37 =	vld [tilespmem:s19+$0xD0]  }
0x23e: {  	v38 =	vld [tilespmem:s19+$0xE0]  }
0x23f: {  	v39 =	vld [tilespmem:s19+$0xFFFFFF00]  }
0x240: {  	v16 =	vld.idx.msk [tilespmem:v16+s2+$0x0], $0xffff  }
0x241: {  	v15 =	vld.idx.msk [tilespmem:v15+s2+$0x0], $0xffff  }
0x242: {  	v11 =	vld.idx.msk [tilespmem:v11+s2+$0x0], $0xffff  }
0x243: {  	v13 =	vld.idx.msk [tilespmem:v13+s2+$0x0], $0xffff  }
0x244: {  	v12 =	vld.idx.msk [tilespmem:v12+s2+$0x0], $0xffff  }
0x245: {  	v14 =	vld.idx.msk [tilespmem:v14+s2+$0x0], $0xffff  }
0x246: {  	v16 =	vadd.f32 v16, v8;
	v9 =	vld.idx.msk [tilespmem:v9+s2+$0x0], $0xffff  }
0x247: {  	v15 =	vadd.f32 v15, v8;
	v39 =	vld.idx.msk [tilespmem:v39+s2+$0x0], $0xffff  }
0x248: {  	v11 =	vadd.f32 v11, v8;
	[tilespmem:s17+$0xFFFFFF10] =	vst v16;
	v16 =	vld.idx.msk [tilespmem:v17+s2+$0x0], $0xffff  }
0x249: {  	v13 =	vadd.f32 v13, v8;
	[tilespmem:s17+$0xFFFFFF20] =	vst v15;
	v15 =	vld.idx.msk [tilespmem:v18+s2+$0x0], $0xffff  }
0x24a: {  	[tilespmem:s17+$0xFFFFFF30] =	vst v11;
	v11 =	vadd.f32 v12, v8;
	v12 =	vld.idx.msk [tilespmem:v19+s2+$0x0], $0xffff  }
0x24b: {  	[tilespmem:s17+$0xFFFFFF40] =	vst v13;
	v13 =	vadd.f32 v14, v8;
	v14 =	vld.idx.msk [tilespmem:v20+s2+$0x0], $0xffff  }
0x24c: {  	v9 =	vadd.f32 v9, v8;
	[tilespmem:s17+$0xFFFFFF50] =	vst v11;
	v11 =	vld.idx.msk [tilespmem:v21+s2+$0x0], $0xffff  }
0x24d: {  	v17 =	vadd.f32 v39, v8;
	[tilespmem:s17+$0xFFFFFF60] =	vst v13;
	v13 =	vld.idx.msk [tilespmem:v22+s2+$0x0], $0xffff  }
0x24e: {  	[tilespmem:s17+$0xFFFFFF70] =	vst v9;
	v9 =	vadd.f32 v16, v8;
	v16 =	vld.idx.msk [tilespmem:v23+s2+$0x0], $0xffff  }
0x24f: {  	v15 =	vadd.f32 v15, v8;
	[tilespmem:s17+$0xFFFFFF00] =	vst v17;
	v17 =	vld.idx.msk [tilespmem:v24+s2+$0x0], $0xffff  }
0x250: {  	[tilespmem:s17+$0xFFFFFF80] =	vst v9;
	v9 =	vadd.f32 v12, v8;
	v10 =	vld.idx.msk [tilespmem:v10+s2+$0x0], $0xffff  }
0x251: {  	v12 =	vadd.f32 v14, v8;
	[tilespmem:s17+$0xFFFFFF90] =	vst v15;
	v14 =	vld.idx.msk [tilespmem:v25+s2+$0x0], $0xffff  }
0x252: {  	[tilespmem:s17+$0xFFFFFFA0] =	vst v9;
	v9 =	vadd.f32 v11, v8;
	v11 =	vld.idx.msk [tilespmem:v26+s2+$0x0], $0xffff  }
0x253: {  	[tilespmem:s17+$0xFFFFFFB0] =	vst v12;
	v12 =	vadd.f32 v13, v8;
	v13 =	vld.idx.msk [tilespmem:v27+s2+$0x0], $0xffff  }
0x254: {  	[tilespmem:s17+$0xFFFFFFC0] =	vst v9;
	v9 =	vadd.f32 v16, v8;
	v15 =	vld.idx.msk [tilespmem:v28+s2+$0x0], $0xffff  }
0x255: {  	[tilespmem:s17+$0xFFFFFFD0] =	vst v12;
	v12 =	vadd.f32 v17, v8;
	v16 =	vld.idx.msk [tilespmem:v29+s2+$0x0], $0xffff  }
0x256: {  	[tilespmem:s17+$0xFFFFFFE0] =	vst v9;
	v9 =	vadd.f32 v10, v8;
	v17 =	vld.idx.msk [tilespmem:v30+s2+$0x0], $0xffff  }
0x257: {  	v10 =	vadd.f32 v14, v8;
	[tilespmem:s17+$0xFFFFFFF0] =	vst v12;
	v12 =	vld.idx.msk [tilespmem:v31+s2+$0x0], $0xffff  }
0x258: {  	v11 =	vadd.f32 v11, v8;
	[tilespmem:s17+$0x0] =	vst v9;
	v14 =	vld.idx.msk [tilespmem:v32+s2+$0x0], $0xffff  }
0x259: {  	v13 =	vadd.f32 v13, v8;
	[tilespmem:s17+$0x10] =	vst v10;
	v9 =	vld.idx.msk [tilespmem:v33+s2+$0x0], $0xffff  }
.Ltmp3:
0x25a: {  	v15 =	vadd.f32 v15, v8;
	[tilespmem:s17+$0x20] =	vst v11;
	v10 =	vld.idx.msk [tilespmem:v34+s2+$0x0], $0xffff;
	(pc) =	sbr.rel @p0 .LBB2_9-.Ltmp3, $4  }
0x25b: {  	v16 =	vadd.f32 v16, v8;
	[tilespmem:s17+$0x30] =	vst v13;
	v11 =	vld.idx.msk [tilespmem:v35+s2+$0x0], $0xffff  }
0x25c: {  	[tilespmem:s17+$0x40] =	vst v15;
	v15 =	vadd.f32 v17, v8;
	v13 =	vld.idx.msk [tilespmem:v36+s2+$0x0], $0xffff  }
0x25d: {  	[tilespmem:s17+$0x50] =	vst v16;
	v16 =	vadd.f32 v12, v8;
	v12 =	vld.idx.msk [tilespmem:v37+s2+$0x0], $0xffff  }
0x25e: {  	s19 =	sadd.s32 $0x200, s19;
	[tilespmem:s17+$0x60] =	vst v15;
	v15 =	vadd.f32 v14, v8;
	v14 =	vld.idx.msk [tilespmem:v38+s2+$0x0], $0xffff  }
0x25f: {  	[tilespmem:s17+$0x70] =	vst v16;
	v9 =	vadd.f32 v9, v8  }
0x260: {  	v10 =	vadd.f32 v10, v8;
	[tilespmem:s17+$0x80] =	vst v15  }
0x261: {  	[tilespmem:s17+$0x90] =	vst v9;
	v9 =	vadd.f32 v11, v8  }
0x262: {  	s18 =	smul.u32 $0x60000, s15;
	[tilespmem:s17+$0xA0] =	vst v10;
	v10 =	vadd.f32 v13, v8  }
0x263: {  	[tilespmem:s17+$0xB0] =	vst v9;
	v9 =	vadd.f32 v12, v8  }
0x264: {  	s18 =	sor.u32 s10, s18;
	[tilespmem:s17+$0xC0] =	vst v10;
	v8 =	vadd.f32 v14, v8  }
0x265: {  	s18 =	sshrl.u32 s18, $0x3;
	[tilespmem:s17+$0xD0] =	vst v9  }
0x266: {  	s20 =	smul.u32 $0x3000, s15;
	s19 =	sadd.s32 s6, s18;
	s18 =	sadd.s32 $0x1, s16;
	[tilespmem:s17+$0xE0] =	vst v8  }
0x267: {  	[hbm4b:s19+s2] =	stream.linear.scatter [tilespmem:s0], [sflag:$0x4], $0x1000, $0x38;
	[tilespmem:$0x1FFA0] =	vst v63  }
0x268: {  	s17 =	sshrl.u32 s20, $0x3;
	s19 =	sshll.u32 s18, $0x5  }
0x269: {  	s17 =	sadd.s32 s4, s17;
	s19 =	sor.u32 s19, s3  }
0x26a: {  	s20 =	sadd.s32 $0x600, s17;
	v8 =	vmov s19  }
0x26b: {  	[tilespmem:s28], [sflag:$0x1] =	stream.linear.gather [hbm4b:s20+s2], $0x1000, $0x38;
	[tilespmem:$0x1FFA0] =	vst v63  }
0x26c: {  	_ =	swait.ge [sflag:s1], $0x1000  }
0x26d: {  	[sflag:s1] =	ssyncset.done $0x0  }
0x26e: {  	[sflag:s1] =	ssyncadd.s32 $0xFFFFF000  }
0x26f: {  	v8 =	vld.idx.msk [tilespmem:v8+s26+$0x0], $0xffff;
	_ =	swait.ge [sflag:s12], $0x1000  }
0x270: {  	[sflag:s12] =	ssyncset.done $0x0  }
0x271: {  	s21 =	simm.s32 $0x197A0;
	[sflag:s12] =	ssyncadd.s32 $0xFFFFF000  }
0x272: {  	v9 =	vld [tilespmem:s21+$0xF0]  }
0x273: {  	v10 =	vld [tilespmem:s21+$0xFFFFFF10]  }
0x274: {  	v11 =	vld [tilespmem:s21+$0xFFFFFF20]  }
0x275: {  	v12 =	vld [tilespmem:s21+$0xFFFFFF30]  }
0x276: {  	v13 =	vld [tilespmem:s21+$0xFFFFFF40]  }
0x277: {  	v14 =	vld [tilespmem:s21+$0xFFFFFF50]  }
0x278: {  	v15 =	vld [tilespmem:s21+$0xFFFFFF60]  }
0x279: {  	v16 =	vld [tilespmem:s21+$0xFFFFFF70]  }
0x27a: {  	v17 =	vld [tilespmem:s21+$0xFFFFFF80]  }
0x27b: {  	v18 =	vld [tilespmem:s21+$0xFFFFFF90]  }
0x27c: {  	v19 =	vld [tilespmem:s21+$0xFFFFFFA0]  }
0x27d: {  	v20 =	vld [tilespmem:s21+$0xFFFFFFB0]  }
0x27e: {  	v21 =	vld [tilespmem:s21+$0xFFFFFFC0]  }
0x27f: {  	v22 =	vld [tilespmem:s21+$0xFFFFFFD0]  }
0x280: {  	v23 =	vld [tilespmem:s21+$0xFFFFFFE0]  }
0x281: {  	v24 =	vld [tilespmem:s21+$0xFFFFFFF0]  }
0x282: {  	v25 =	vld [tilespmem:s21+$0x0]  }
0x283: {  	v26 =	vld [tilespmem:s21+$0x10]  }
0x284: {  	v27 =	vld [tilespmem:s21+$0x20]  }
0x285: {  	v28 =	vld [tilespmem:s21+$0x30]  }
0x286: {  	v29 =	vld [tilespmem:s21+$0x40]  }
0x287: {  	v30 =	vld [tilespmem:s21+$0x50]  }
0x288: {  	v31 =	vld [tilespmem:s21+$0x60]  }
0x289: {  	v32 =	vld [tilespmem:s21+$0x70]  }
0x28a: {  	v33 =	vld [tilespmem:s21+$0x80]  }
0x28b: {  	v34 =	vld [tilespmem:s21+$0x90]  }
0x28c: {  	v35 =	vld [tilespmem:s21+$0xA0]  }
0x28d: {  	v36 =	vld [tilespmem:s21+$0xB0]  }
0x28e: {  	v37 =	vld [tilespmem:s21+$0xC0]  }
0x28f: {  	v38 =	vld [tilespmem:s21+$0xD0]  }
0x290: {  	v39 =	vld [tilespmem:s21+$0xE0]  }
0x291: {  	v40 =	vld [tilespmem:s21+$0xFFFFFF00]  }
0x292: {  	v9 =	vld.idx.msk [tilespmem:v9+s2+$0x0], $0xffff  }
0x293: {  	v10 =	vld.idx.msk [tilespmem:v10+s2+$0x0], $0xffff  }
0x294: {  	v11 =	vld.idx.msk [tilespmem:v11+s2+$0x0], $0xffff  }
0x295: {  	v12 =	vld.idx.msk [tilespmem:v12+s2+$0x0], $0xffff  }
0x296: {  	v13 =	vld.idx.msk [tilespmem:v13+s2+$0x0], $0xffff  }
0x297: {  	v14 =	vld.idx.msk [tilespmem:v14+s2+$0x0], $0xffff  }
0x298: {  	v15 =	vld.idx.msk [tilespmem:v15+s2+$0x0], $0xffff;
	v9 =	vadd.f32 v9, v8  }
0x299: {  	s19 =	simm.s32 $0x1C7A0;
	v16 =	vld.idx.msk [tilespmem:v16+s2+$0x0], $0xffff;
	v10 =	vadd.f32 v10, v8  }
0x29a: {  	v11 =	vadd.f32 v11, v8;
	[tilespmem:s19+$0xF0] =	vst v9;
	v9 =	vld.idx.msk [tilespmem:v40+s2+$0x0], $0xffff  }
0x29b: {  	[tilespmem:s19+$0xFFFFFF10] =	vst v10;
	v10 =	vadd.f32 v12, v8;
	v12 =	vld.idx.msk [tilespmem:v17+s2+$0x0], $0xffff  }
0x29c: {  	[tilespmem:s19+$0xFFFFFF20] =	vst v11;
	v11 =	vadd.f32 v13, v8;
	v13 =	vld.idx.msk [tilespmem:v18+s2+$0x0], $0xffff  }
0x29d: {  	v17 =	vld.idx.msk [tilespmem:v33+s2+$0x0], $0xffff;
	[tilespmem:s19+$0xFFFFFF30] =	vst v10;
	v10 =	vadd.f32 v14, v8  }
0x29e: {  	v14 =	vld.idx.msk [tilespmem:v19+s2+$0x0], $0xffff;
	[tilespmem:s19+$0xFFFFFF40] =	vst v11;
	v11 =	vadd.f32 v15, v8  }
0x29f: {  	v15 =	vld.idx.msk [tilespmem:v20+s2+$0x0], $0xffff;
	[tilespmem:s19+$0xFFFFFF50] =	vst v10;
	v10 =	vadd.f32 v16, v8  }
0x2a0: {  	v16 =	vld.idx.msk [tilespmem:v21+s2+$0x0], $0xffff;
	[tilespmem:s19+$0xFFFFFF60] =	vst v11;
	v9 =	vadd.f32 v9, v8  }
0x2a1: {  	v11 =	vld.idx.msk [tilespmem:v22+s2+$0x0], $0xffff;
	[tilespmem:s19+$0xFFFFFF70] =	vst v10;
	v10 =	vadd.f32 v12, v8  }
0x2a2: {  	v12 =	vld.idx.msk [tilespmem:v23+s2+$0x0], $0xffff;
	[tilespmem:s19+$0xFFFFFF00] =	vst v9;
	v9 =	vadd.f32 v13, v8  }
0x2a3: {  	v13 =	vld.idx.msk [tilespmem:v24+s2+$0x0], $0xffff;
	[tilespmem:s19+$0xFFFFFF80] =	vst v10;
	v10 =	vadd.f32 v14, v8  }
0x2a4: {  	v14 =	vld.idx.msk [tilespmem:v25+s2+$0x0], $0xffff;
	[tilespmem:s19+$0xFFFFFF90] =	vst v9;
	v9 =	vadd.f32 v15, v8  }
0x2a5: {  	v15 =	vld.idx.msk [tilespmem:v26+s2+$0x0], $0xffff;
	[tilespmem:s19+$0xFFFFFFA0] =	vst v10;
	v10 =	vadd.f32 v16, v8  }
0x2a6: {  	v16 =	vld.idx.msk [tilespmem:v27+s2+$0x0], $0xffff;
	[tilespmem:s19+$0xFFFFFFB0] =	vst v9;
	v9 =	vadd.f32 v11, v8  }
0x2a7: {  	v11 =	vld.idx.msk [tilespmem:v28+s2+$0x0], $0xffff;
	[tilespmem:s19+$0xFFFFFFC0] =	vst v10;
	v10 =	vadd.f32 v12, v8  }
0x2a8: {  	v12 =	vld.idx.msk [tilespmem:v29+s2+$0x0], $0xffff;
	[tilespmem:s19+$0xFFFFFFD0] =	vst v9;
	v9 =	vadd.f32 v13, v8  }
0x2a9: {  	v13 =	vld.idx.msk [tilespmem:v30+s2+$0x0], $0xffff;
	[tilespmem:s19+$0xFFFFFFE0] =	vst v10;
	v10 =	vadd.f32 v14, v8  }
0x2aa: {  	v14 =	vld.idx.msk [tilespmem:v31+s2+$0x0], $0xffff;
	[tilespmem:s19+$0xFFFFFFF0] =	vst v9;
	v9 =	vadd.f32 v15, v8  }
0x2ab: {  	v15 =	vld.idx.msk [tilespmem:v32+s2+$0x0], $0xffff;
	[tilespmem:s19+$0x0] =	vst v10;
	v10 =	vadd.f32 v16, v8  }
0x2ac: {  	v11 =	vadd.f32 v11, v8;
	[tilespmem:s19+$0x10] =	vst v9;
	v9 =	vld.idx.msk [tilespmem:v34+s2+$0x0], $0xffff  }
0x2ad: {  	v12 =	vadd.f32 v12, v8;
	[tilespmem:s19+$0x20] =	vst v10;
	v10 =	vld.idx.msk [tilespmem:v35+s2+$0x0], $0xffff  }
0x2ae: {  	[tilespmem:s19+$0x30] =	vst v11;
	v13 =	vadd.f32 v13, v8;
	v11 =	vld.idx.msk [tilespmem:v36+s2+$0x0], $0xffff  }
0x2af: {  	[tilespmem:s19+$0x40] =	vst v12;
	v14 =	vadd.f32 v14, v8;
	v12 =	vld.idx.msk [tilespmem:v37+s2+$0x0], $0xffff  }
0x2b0: {  	[tilespmem:s19+$0x50] =	vst v13;
	v13 =	vld.idx.msk [tilespmem:v38+s2+$0x0], $0xffff;
	v16 =	vadd.f32 v15, v8  }
0x2b1: {  	s20 =	simm.s32 $0x0;
	s21 =	simm.s32 $0x199A0;
	v15 =	vadd.f32 v17, v8;
	[tilespmem:s19+$0x60] =	vst v14;
	v14 =	vld.idx.msk [tilespmem:v39+s2+$0x0], $0xffff  }
.LBB2_11:
0x2b2: {  	v17 =	vld [tilespmem:s21+$0xF0];
	s20 =	sadd.s32 $0x20, s20;
	[tilespmem:s19+$0x70] =	vst v16;
	v9 =	vadd.f32 v9, v8  }
0x2b3: {  	v10 =	vadd.f32 v10, v8;
	v16 =	vld [tilespmem:s21+$0xFFFFFF10];
	p0 =	slt.u32 s20, $0xE0;
	[tilespmem:s19+$0x80] =	vst v15  }
0x2b4: {  	v15 =	vld [tilespmem:s21+$0xFFFFFF20];
	[tilespmem:s19+$0x90] =	vst v9;
	v9 =	vadd.f32 v11, v8  }
0x2b5: {  	v11 =	vld [tilespmem:s21+$0xFFFFFF30];
	[tilespmem:s19+$0xA0] =	vst v10;
	v10 =	vadd.f32 v12, v8  }
0x2b6: {  	v12 =	vld [tilespmem:s21+$0xFFFFFF40];
	[tilespmem:s19+$0xB0] =	vst v9;
	v9 =	vadd.f32 v13, v8  }
0x2b7: {  	v13 =	vld [tilespmem:s21+$0xFFFFFF50];
	[tilespmem:s19+$0xC0] =	vst v10;
	v10 =	vadd.f32 v14, v8  }
0x2b8: {  	v14 =	vld [tilespmem:s21+$0xFFFFFF60];
	[tilespmem:s19+$0xD0] =	vst v9  }
0x2b9: {  	v9 =	vld [tilespmem:s21+$0xFFFFFF70];
	[tilespmem:s19+$0xE0] =	vst v10  }
0x2ba: {  	v10 =	vld.idx.msk [tilespmem:v17+s2+$0x0], $0xffff  }
0x2bb: {  	v17 =	vld [tilespmem:s21+$0xFFFFFF80]  }
0x2bc: {  	v18 =	vld [tilespmem:s21+$0xFFFFFF90]  }
0x2bd: {  	v19 =	vld [tilespmem:s21+$0xFFFFFFA0]  }
0x2be: {  	v20 =	vld [tilespmem:s21+$0xFFFFFFB0]  }
0x2bf: {  	v21 =	vld [tilespmem:s21+$0xFFFFFFC0]  }
0x2c0: {  	v10 =	vadd.f32 v10, v8;
	v22 =	vld [tilespmem:s21+$0xFFFFFFD0]  }
0x2c1: {  	s19 =	sadd.s32 $0x200, s19;
	v23 =	vld [tilespmem:s21+$0xFFFFFFE0]  }
0x2c2: {  	v24 =	vld [tilespmem:s21+$0xFFFFFFF0];
	[tilespmem:s19+$0xF0] =	vst v10  }
0x2c3: {  	v10 =	vld [tilespmem:s21+$0x0]  }
0x2c4: {  	v25 =	vld [tilespmem:s21+$0x10]  }
0x2c5: {  	v26 =	vld [tilespmem:s21+$0x20]  }
0x2c6: {  	v27 =	vld [tilespmem:s21+$0x30]  }
0x2c7: {  	v28 =	vld [tilespmem:s21+$0x40]  }
0x2c8: {  	v29 =	vld [tilespmem:s21+$0x50]  }
0x2c9: {  	v30 =	vld [tilespmem:s21+$0x60]  }
0x2ca: {  	v31 =	vld [tilespmem:s21+$0x70]  }
0x2cb: {  	v32 =	vld [tilespmem:s21+$0x80]  }
0x2cc: {  	v33 =	vld [tilespmem:s21+$0x90]  }
0x2cd: {  	v34 =	vld [tilespmem:s21+$0xA0]  }
0x2ce: {  	v35 =	vld [tilespmem:s21+$0xB0]  }
0x2cf: {  	v36 =	vld [tilespmem:s21+$0xC0]  }
0x2d0: {  	v37 =	vld [tilespmem:s21+$0xD0]  }
0x2d1: {  	v38 =	vld [tilespmem:s21+$0xE0]  }
0x2d2: {  	v39 =	vld [tilespmem:s21+$0xFFFFFF00]  }
0x2d3: {  	v16 =	vld.idx.msk [tilespmem:v16+s2+$0x0], $0xffff  }
0x2d4: {  	v15 =	vld.idx.msk [tilespmem:v15+s2+$0x0], $0xffff  }
0x2d5: {  	v11 =	vld.idx.msk [tilespmem:v11+s2+$0x0], $0xffff  }
0x2d6: {  	v12 =	vld.idx.msk [tilespmem:v12+s2+$0x0], $0xffff  }
0x2d7: {  	v13 =	vld.idx.msk [tilespmem:v13+s2+$0x0], $0xffff  }
0x2d8: {  	v14 =	vld.idx.msk [tilespmem:v14+s2+$0x0], $0xffff  }
0x2d9: {  	v16 =	vadd.f32 v16, v8;
	v9 =	vld.idx.msk [tilespmem:v9+s2+$0x0], $0xffff  }
0x2da: {  	v15 =	vadd.f32 v15, v8;
	v39 =	vld.idx.msk [tilespmem:v39+s2+$0x0], $0xffff  }
0x2db: {  	v11 =	vadd.f32 v11, v8;
	[tilespmem:s19+$0xFFFFFF10] =	vst v16;
	v16 =	vld.idx.msk [tilespmem:v17+s2+$0x0], $0xffff  }
0x2dc: {  	v12 =	vadd.f32 v12, v8;
	[tilespmem:s19+$0xFFFFFF20] =	vst v15;
	v15 =	vld.idx.msk [tilespmem:v18+s2+$0x0], $0xffff  }
0x2dd: {  	[tilespmem:s19+$0xFFFFFF30] =	vst v11;
	v11 =	vadd.f32 v13, v8;
	v13 =	vld.idx.msk [tilespmem:v19+s2+$0x0], $0xffff  }
0x2de: {  	[tilespmem:s19+$0xFFFFFF40] =	vst v12;
	v12 =	vadd.f32 v14, v8;
	v14 =	vld.idx.msk [tilespmem:v20+s2+$0x0], $0xffff  }
0x2df: {  	v9 =	vadd.f32 v9, v8;
	[tilespmem:s19+$0xFFFFFF50] =	vst v11;
	v11 =	vld.idx.msk [tilespmem:v21+s2+$0x0], $0xffff  }
0x2e0: {  	v17 =	vadd.f32 v39, v8;
	[tilespmem:s19+$0xFFFFFF60] =	vst v12;
	v12 =	vld.idx.msk [tilespmem:v22+s2+$0x0], $0xffff  }
0x2e1: {  	[tilespmem:s19+$0xFFFFFF70] =	vst v9;
	v9 =	vadd.f32 v16, v8;
	v16 =	vld.idx.msk [tilespmem:v23+s2+$0x0], $0xffff  }
0x2e2: {  	v15 =	vadd.f32 v15, v8;
	[tilespmem:s19+$0xFFFFFF00] =	vst v17;
	v17 =	vld.idx.msk [tilespmem:v24+s2+$0x0], $0xffff  }
0x2e3: {  	[tilespmem:s19+$0xFFFFFF80] =	vst v9;
	v9 =	vadd.f32 v13, v8;
	v10 =	vld.idx.msk [tilespmem:v10+s2+$0x0], $0xffff  }
0x2e4: {  	v13 =	vadd.f32 v14, v8;
	[tilespmem:s19+$0xFFFFFF90] =	vst v15;
	v14 =	vld.idx.msk [tilespmem:v25+s2+$0x0], $0xffff  }
0x2e5: {  	[tilespmem:s19+$0xFFFFFFA0] =	vst v9;
	v9 =	vadd.f32 v11, v8;
	v11 =	vld.idx.msk [tilespmem:v26+s2+$0x0], $0xffff  }
0x2e6: {  	v12 =	vadd.f32 v12, v8;
	[tilespmem:s19+$0xFFFFFFB0] =	vst v13;
	v13 =	vld.idx.msk [tilespmem:v27+s2+$0x0], $0xffff  }
0x2e7: {  	[tilespmem:s19+$0xFFFFFFC0] =	vst v9;
	v9 =	vadd.f32 v16, v8;
	v15 =	vld.idx.msk [tilespmem:v28+s2+$0x0], $0xffff  }
0x2e8: {  	[tilespmem:s19+$0xFFFFFFD0] =	vst v12;
	v12 =	vadd.f32 v17, v8;
	v16 =	vld.idx.msk [tilespmem:v29+s2+$0x0], $0xffff  }
0x2e9: {  	[tilespmem:s19+$0xFFFFFFE0] =	vst v9;
	v9 =	vadd.f32 v10, v8;
	v17 =	vld.idx.msk [tilespmem:v30+s2+$0x0], $0xffff  }
0x2ea: {  	v10 =	vadd.f32 v14, v8;
	[tilespmem:s19+$0xFFFFFFF0] =	vst v12;
	v14 =	vld.idx.msk [tilespmem:v31+s2+$0x0], $0xffff  }
0x2eb: {  	v11 =	vadd.f32 v11, v8;
	[tilespmem:s19+$0x0] =	vst v9;
	v18 =	vld.idx.msk [tilespmem:v32+s2+$0x0], $0xffff  }
0x2ec: {  	v12 =	vadd.f32 v13, v8;
	[tilespmem:s19+$0x10] =	vst v10;
	v9 =	vld.idx.msk [tilespmem:v33+s2+$0x0], $0xffff  }
.Ltmp4:
0x2ed: {  	v13 =	vadd.f32 v15, v8;
	[tilespmem:s19+$0x20] =	vst v11;
	v10 =	vld.idx.msk [tilespmem:v34+s2+$0x0], $0xffff;
	(pc) =	sbr.rel @p0 .LBB2_11-.Ltmp4, $4  }
0x2ee: {  	v15 =	vadd.f32 v16, v8;
	[tilespmem:s19+$0x30] =	vst v12;
	v11 =	vld.idx.msk [tilespmem:v35+s2+$0x0], $0xffff  }
0x2ef: {  	v17 =	vadd.f32 v17, v8;
	[tilespmem:s19+$0x40] =	vst v13;
	v12 =	vld.idx.msk [tilespmem:v36+s2+$0x0], $0xffff  }
0x2f0: {  	v16 =	vadd.f32 v14, v8;
	[tilespmem:s19+$0x50] =	vst v15;
	v13 =	vld.idx.msk [tilespmem:v37+s2+$0x0], $0xffff  }
0x2f1: {  	s21 =	sadd.s32 $0x200, s21;
	v15 =	vadd.f32 v18, v8;
	[tilespmem:s19+$0x60] =	vst v17;
	v14 =	vld.idx.msk [tilespmem:v38+s2+$0x0], $0xffff  }
0x2f2: {  	[tilespmem:s19+$0x70] =	vst v16;
	v9 =	vadd.f32 v9, v8  }
0x2f3: {  	v10 =	vadd.f32 v10, v8;
	[tilespmem:s19+$0x80] =	vst v15  }
0x2f4: {  	[tilespmem:s19+$0x90] =	vst v9;
	v9 =	vadd.f32 v11, v8  }
0x2f5: {  	[tilespmem:s19+$0xA0] =	vst v10;
	v10 =	vadd.f32 v12, v8  }
0x2f6: {  	s18 =	sshll.u32 s18, $0x11;
	[tilespmem:s19+$0xB0] =	vst v9;
	v9 =	vadd.f32 v13, v8  }
0x2f7: {  	s18 =	sor.u32 s10, s18;
	[tilespmem:s19+$0xC0] =	vst v10;
	v8 =	vadd.f32 v14, v8  }
0x2f8: {  	s16 =	sadd.s32 $0x2, s16;
	s18 =	sshrl.u32 s18, $0x3;
	[tilespmem:s19+$0xD0] =	vst v9  }
0x2f9: {  	s18 =	sadd.s32 s6, s18;
	[tilespmem:s19+$0xE0] =	vst v8;
	s19 =	sshll.u32 s16, $0x5  }
0x2fa: {  	[hbm4b:s18+s2] =	stream.linear.scatter [tilespmem:s5], [sflag:$0x5], $0x1000, $0x38;
	[tilespmem:$0x1FFA0] =	vst v63  }
0x2fb: {  	s18 =	sor.u32 s19, s3  }
0x2fc: {  	s20 =	sadd.s32 $0x800, s17;
	v8 =	vmov s18  }
0x2fd: {  	[tilespmem:s29], [sflag:$0x2] =	stream.linear.gather [hbm4b:s20+s2], $0x1000, $0x38;
	[tilespmem:$0x1FFA0] =	vst v63  }
0x2fe: {  	_ =	swait.ge [sflag:s7], $0x1000  }
0x2ff: {  	[sflag:s7] =	ssyncset.done $0x0  }
0x300: {  	[sflag:s7] =	ssyncadd.s32 $0xFFFFF000  }
0x301: {  	v8 =	vld.idx.msk [tilespmem:v8+s26+$0x0], $0xffff;
	_ =	swait.ge [sflag:s13], $0x1000  }
0x302: {  	[sflag:s13] =	ssyncset.done $0x0  }
0x303: {  	s21 =	simm.s32 $0x1A7A0;
	[sflag:s13] =	ssyncadd.s32 $0xFFFFF000  }
0x304: {  	v9 =	vld [tilespmem:s21+$0xF0]  }
0x305: {  	v10 =	vld [tilespmem:s21+$0xFFFFFF10]  }
0x306: {  	v11 =	vld [tilespmem:s21+$0xFFFFFF20]  }
0x307: {  	v12 =	vld [tilespmem:s21+$0xFFFFFF30]  }
0x308: {  	v13 =	vld [tilespmem:s21+$0xFFFFFF40]  }
0x309: {  	v14 =	vld [tilespmem:s21+$0xFFFFFF50]  }
0x30a: {  	v15 =	vld [tilespmem:s21+$0xFFFFFF60]  }
0x30b: {  	v16 =	vld [tilespmem:s21+$0xFFFFFF70]  }
0x30c: {  	v17 =	vld [tilespmem:s21+$0xFFFFFF80]  }
0x30d: {  	v18 =	vld [tilespmem:s21+$0xFFFFFF90]  }
0x30e: {  	v19 =	vld [tilespmem:s21+$0xFFFFFFA0]  }
0x30f: {  	v20 =	vld [tilespmem:s21+$0xFFFFFFB0]  }
0x310: {  	v21 =	vld [tilespmem:s21+$0xFFFFFFC0]  }
0x311: {  	v22 =	vld [tilespmem:s21+$0xFFFFFFD0]  }
0x312: {  	v23 =	vld [tilespmem:s21+$0xFFFFFFE0]  }
0x313: {  	v24 =	vld [tilespmem:s21+$0xFFFFFFF0]  }
0x314: {  	v25 =	vld [tilespmem:s21+$0x0]  }
0x315: {  	v26 =	vld [tilespmem:s21+$0x10]  }
0x316: {  	v27 =	vld [tilespmem:s21+$0x20]  }
0x317: {  	v28 =	vld [tilespmem:s21+$0x30]  }
0x318: {  	v29 =	vld [tilespmem:s21+$0x40]  }
0x319: {  	v30 =	vld [tilespmem:s21+$0x50]  }
0x31a: {  	v31 =	vld [tilespmem:s21+$0x60]  }
0x31b: {  	v32 =	vld [tilespmem:s21+$0x70]  }
0x31c: {  	v33 =	vld [tilespmem:s21+$0x80]  }
0x31d: {  	v34 =	vld [tilespmem:s21+$0x90]  }
0x31e: {  	v35 =	vld [tilespmem:s21+$0xA0]  }
0x31f: {  	v36 =	vld [tilespmem:s21+$0xB0]  }
0x320: {  	v37 =	vld [tilespmem:s21+$0xC0]  }
0x321: {  	v38 =	vld [tilespmem:s21+$0xD0]  }
0x322: {  	v39 =	vld [tilespmem:s21+$0xE0]  }
0x323: {  	v40 =	vld [tilespmem:s21+$0xFFFFFF00]  }
0x324: {  	v9 =	vld.idx.msk [tilespmem:v9+s2+$0x0], $0xffff  }
0x325: {  	v10 =	vld.idx.msk [tilespmem:v10+s2+$0x0], $0xffff  }
0x326: {  	v11 =	vld.idx.msk [tilespmem:v11+s2+$0x0], $0xffff  }
0x327: {  	v12 =	vld.idx.msk [tilespmem:v12+s2+$0x0], $0xffff  }
0x328: {  	v13 =	vld.idx.msk [tilespmem:v13+s2+$0x0], $0xffff  }
0x329: {  	v14 =	vld.idx.msk [tilespmem:v14+s2+$0x0], $0xffff  }
0x32a: {  	v15 =	vld.idx.msk [tilespmem:v15+s2+$0x0], $0xffff;
	v9 =	vadd.f32 v9, v8  }
0x32b: {  	s18 =	simm.s32 $0x1D7A0;
	v16 =	vld.idx.msk [tilespmem:v16+s2+$0x0], $0xffff;
	v10 =	vadd.f32 v10, v8  }
0x32c: {  	v11 =	vadd.f32 v11, v8;
	[tilespmem:s18+$0xF0] =	vst v9;
	v9 =	vld.idx.msk [tilespmem:v40+s2+$0x0], $0xffff  }
0x32d: {  	[tilespmem:s18+$0xFFFFFF10] =	vst v10;
	v10 =	vadd.f32 v12, v8;
	v12 =	vld.idx.msk [tilespmem:v17+s2+$0x0], $0xffff  }
0x32e: {  	[tilespmem:s18+$0xFFFFFF20] =	vst v11;
	v11 =	vadd.f32 v13, v8;
	v13 =	vld.idx.msk [tilespmem:v18+s2+$0x0], $0xffff  }
0x32f: {  	v17 =	vld.idx.msk [tilespmem:v33+s2+$0x0], $0xffff;
	[tilespmem:s18+$0xFFFFFF30] =	vst v10;
	v10 =	vadd.f32 v14, v8  }
0x330: {  	v14 =	vld.idx.msk [tilespmem:v19+s2+$0x0], $0xffff;
	[tilespmem:s18+$0xFFFFFF40] =	vst v11;
	v11 =	vadd.f32 v15, v8  }
0x331: {  	v15 =	vld.idx.msk [tilespmem:v20+s2+$0x0], $0xffff;
	[tilespmem:s18+$0xFFFFFF50] =	vst v10;
	v10 =	vadd.f32 v16, v8  }
0x332: {  	v16 =	vld.idx.msk [tilespmem:v21+s2+$0x0], $0xffff;
	[tilespmem:s18+$0xFFFFFF60] =	vst v11;
	v9 =	vadd.f32 v9, v8  }
0x333: {  	v11 =	vld.idx.msk [tilespmem:v22+s2+$0x0], $0xffff;
	[tilespmem:s18+$0xFFFFFF70] =	vst v10;
	v10 =	vadd.f32 v12, v8  }
0x334: {  	v12 =	vld.idx.msk [tilespmem:v23+s2+$0x0], $0xffff;
	[tilespmem:s18+$0xFFFFFF00] =	vst v9;
	v9 =	vadd.f32 v13, v8  }
0x335: {  	v13 =	vld.idx.msk [tilespmem:v24+s2+$0x0], $0xffff;
	[tilespmem:s18+$0xFFFFFF80] =	vst v10;
	v10 =	vadd.f32 v14, v8  }
0x336: {  	v14 =	vld.idx.msk [tilespmem:v25+s2+$0x0], $0xffff;
	[tilespmem:s18+$0xFFFFFF90] =	vst v9;
	v9 =	vadd.f32 v15, v8  }
0x337: {  	v15 =	vld.idx.msk [tilespmem:v26+s2+$0x0], $0xffff;
	[tilespmem:s18+$0xFFFFFFA0] =	vst v10;
	v10 =	vadd.f32 v16, v8  }
0x338: {  	v16 =	vld.idx.msk [tilespmem:v27+s2+$0x0], $0xffff;
	[tilespmem:s18+$0xFFFFFFB0] =	vst v9;
	v9 =	vadd.f32 v11, v8  }
0x339: {  	v11 =	vld.idx.msk [tilespmem:v28+s2+$0x0], $0xffff;
	[tilespmem:s18+$0xFFFFFFC0] =	vst v10;
	v10 =	vadd.f32 v12, v8  }
0x33a: {  	v12 =	vld.idx.msk [tilespmem:v29+s2+$0x0], $0xffff;
	[tilespmem:s18+$0xFFFFFFD0] =	vst v9;
	v9 =	vadd.f32 v13, v8  }
0x33b: {  	v13 =	vld.idx.msk [tilespmem:v30+s2+$0x0], $0xffff;
	[tilespmem:s18+$0xFFFFFFE0] =	vst v10;
	v10 =	vadd.f32 v14, v8  }
0x33c: {  	v14 =	vld.idx.msk [tilespmem:v31+s2+$0x0], $0xffff;
	[tilespmem:s18+$0xFFFFFFF0] =	vst v9;
	v9 =	vadd.f32 v15, v8  }
0x33d: {  	v15 =	vld.idx.msk [tilespmem:v32+s2+$0x0], $0xffff;
	[tilespmem:s18+$0x0] =	vst v10;
	v10 =	vadd.f32 v16, v8  }
0x33e: {  	v11 =	vadd.f32 v11, v8;
	[tilespmem:s18+$0x10] =	vst v9;
	v9 =	vld.idx.msk [tilespmem:v34+s2+$0x0], $0xffff  }
0x33f: {  	v12 =	vadd.f32 v12, v8;
	[tilespmem:s18+$0x20] =	vst v10;
	v10 =	vld.idx.msk [tilespmem:v35+s2+$0x0], $0xffff  }
0x340: {  	[tilespmem:s18+$0x30] =	vst v11;
	v13 =	vadd.f32 v13, v8;
	v11 =	vld.idx.msk [tilespmem:v36+s2+$0x0], $0xffff  }
0x341: {  	[tilespmem:s18+$0x40] =	vst v12;
	v14 =	vadd.f32 v14, v8;
	v12 =	vld.idx.msk [tilespmem:v37+s2+$0x0], $0xffff  }
0x342: {  	[tilespmem:s18+$0x50] =	vst v13;
	v13 =	vld.idx.msk [tilespmem:v38+s2+$0x0], $0xffff;
	v16 =	vadd.f32 v15, v8  }
0x343: {  	s19 =	simm.s32 $0x0;
	s20 =	simm.s32 $0x1A9A0;
	v15 =	vadd.f32 v17, v8;
	[tilespmem:s18+$0x60] =	vst v14;
	v14 =	vld.idx.msk [tilespmem:v39+s2+$0x0], $0xffff  }
.LBB2_13:
0x344: {  	v17 =	vld [tilespmem:s20+$0xF0];
	s19 =	sadd.s32 $0x20, s19;
	[tilespmem:s18+$0x70] =	vst v16;
	v9 =	vadd.f32 v9, v8  }
0x345: {  	v10 =	vadd.f32 v10, v8;
	v16 =	vld [tilespmem:s20+$0xFFFFFF10];
	p0 =	slt.u32 s19, $0xE0;
	[tilespmem:s18+$0x80] =	vst v15  }
0x346: {  	v15 =	vld [tilespmem:s20+$0xFFFFFF20];
	[tilespmem:s18+$0x90] =	vst v9;
	v9 =	vadd.f32 v11, v8  }
0x347: {  	v11 =	vld [tilespmem:s20+$0xFFFFFF30];
	[tilespmem:s18+$0xA0] =	vst v10;
	v10 =	vadd.f32 v12, v8  }
0x348: {  	v12 =	vld [tilespmem:s20+$0xFFFFFF40];
	[tilespmem:s18+$0xB0] =	vst v9;
	v9 =	vadd.f32 v13, v8  }
0x349: {  	v13 =	vld [tilespmem:s20+$0xFFFFFF50];
	[tilespmem:s18+$0xC0] =	vst v10;
	v10 =	vadd.f32 v14, v8  }
0x34a: {  	v14 =	vld [tilespmem:s20+$0xFFFFFF60];
	[tilespmem:s18+$0xD0] =	vst v9  }
0x34b: {  	v9 =	vld [tilespmem:s20+$0xFFFFFF70];
	[tilespmem:s18+$0xE0] =	vst v10  }
0x34c: {  	v10 =	vld.idx.msk [tilespmem:v17+s2+$0x0], $0xffff  }
0x34d: {  	v17 =	vld [tilespmem:s20+$0xFFFFFF80]  }
0x34e: {  	v18 =	vld [tilespmem:s20+$0xFFFFFF90]  }
0x34f: {  	v19 =	vld [tilespmem:s20+$0xFFFFFFA0]  }
0x350: {  	v20 =	vld [tilespmem:s20+$0xFFFFFFB0]  }
0x351: {  	v21 =	vld [tilespmem:s20+$0xFFFFFFC0]  }
0x352: {  	v10 =	vadd.f32 v10, v8;
	v22 =	vld [tilespmem:s20+$0xFFFFFFD0]  }
0x353: {  	s18 =	sadd.s32 $0x200, s18;
	v23 =	vld [tilespmem:s20+$0xFFFFFFE0]  }
0x354: {  	v24 =	vld [tilespmem:s20+$0xFFFFFFF0];
	[tilespmem:s18+$0xF0] =	vst v10  }
0x355: {  	v10 =	vld [tilespmem:s20+$0x0]  }
0x356: {  	v25 =	vld [tilespmem:s20+$0x10]  }
0x357: {  	v26 =	vld [tilespmem:s20+$0x20]  }
0x358: {  	v27 =	vld [tilespmem:s20+$0x30]  }
0x359: {  	v28 =	vld [tilespmem:s20+$0x40]  }
0x35a: {  	v29 =	vld [tilespmem:s20+$0x50]  }
0x35b: {  	v30 =	vld [tilespmem:s20+$0x60]  }
0x35c: {  	v31 =	vld [tilespmem:s20+$0x70]  }
0x35d: {  	v32 =	vld [tilespmem:s20+$0x80]  }
0x35e: {  	v33 =	vld [tilespmem:s20+$0x90]  }
0x35f: {  	v34 =	vld [tilespmem:s20+$0xA0]  }
0x360: {  	v35 =	vld [tilespmem:s20+$0xB0]  }
0x361: {  	v36 =	vld [tilespmem:s20+$0xC0]  }
0x362: {  	v37 =	vld [tilespmem:s20+$0xD0]  }
0x363: {  	v38 =	vld [tilespmem:s20+$0xE0]  }
0x364: {  	v39 =	vld [tilespmem:s20+$0xFFFFFF00]  }
0x365: {  	v16 =	vld.idx.msk [tilespmem:v16+s2+$0x0], $0xffff  }
0x366: {  	v15 =	vld.idx.msk [tilespmem:v15+s2+$0x0], $0xffff  }
0x367: {  	v11 =	vld.idx.msk [tilespmem:v11+s2+$0x0], $0xffff  }
0x368: {  	v12 =	vld.idx.msk [tilespmem:v12+s2+$0x0], $0xffff  }
0x369: {  	v13 =	vld.idx.msk [tilespmem:v13+s2+$0x0], $0xffff  }
0x36a: {  	v14 =	vld.idx.msk [tilespmem:v14+s2+$0x0], $0xffff  }
0x36b: {  	v16 =	vadd.f32 v16, v8;
	v9 =	vld.idx.msk [tilespmem:v9+s2+$0x0], $0xffff  }
0x36c: {  	v15 =	vadd.f32 v15, v8;
	v39 =	vld.idx.msk [tilespmem:v39+s2+$0x0], $0xffff  }
0x36d: {  	v11 =	vadd.f32 v11, v8;
	[tilespmem:s18+$0xFFFFFF10] =	vst v16;
	v16 =	vld.idx.msk [tilespmem:v17+s2+$0x0], $0xffff  }
0x36e: {  	v12 =	vadd.f32 v12, v8;
	[tilespmem:s18+$0xFFFFFF20] =	vst v15;
	v15 =	vld.idx.msk [tilespmem:v18+s2+$0x0], $0xffff  }
0x36f: {  	[tilespmem:s18+$0xFFFFFF30] =	vst v11;
	v11 =	vadd.f32 v13, v8;
	v13 =	vld.idx.msk [tilespmem:v19+s2+$0x0], $0xffff  }
0x370: {  	[tilespmem:s18+$0xFFFFFF40] =	vst v12;
	v12 =	vadd.f32 v14, v8;
	v14 =	vld.idx.msk [tilespmem:v20+s2+$0x0], $0xffff  }
0x371: {  	v9 =	vadd.f32 v9, v8;
	[tilespmem:s18+$0xFFFFFF50] =	vst v11;
	v11 =	vld.idx.msk [tilespmem:v21+s2+$0x0], $0xffff  }
0x372: {  	v17 =	vadd.f32 v39, v8;
	[tilespmem:s18+$0xFFFFFF60] =	vst v12;
	v12 =	vld.idx.msk [tilespmem:v22+s2+$0x0], $0xffff  }
0x373: {  	[tilespmem:s18+$0xFFFFFF70] =	vst v9;
	v9 =	vadd.f32 v16, v8;
	v16 =	vld.idx.msk [tilespmem:v23+s2+$0x0], $0xffff  }
0x374: {  	v15 =	vadd.f32 v15, v8;
	[tilespmem:s18+$0xFFFFFF00] =	vst v17;
	v17 =	vld.idx.msk [tilespmem:v24+s2+$0x0], $0xffff  }
0x375: {  	[tilespmem:s18+$0xFFFFFF80] =	vst v9;
	v9 =	vadd.f32 v13, v8;
	v10 =	vld.idx.msk [tilespmem:v10+s2+$0x0], $0xffff  }
0x376: {  	v13 =	vadd.f32 v14, v8;
	[tilespmem:s18+$0xFFFFFF90] =	vst v15;
	v14 =	vld.idx.msk [tilespmem:v25+s2+$0x0], $0xffff  }
0x377: {  	[tilespmem:s18+$0xFFFFFFA0] =	vst v9;
	v9 =	vadd.f32 v11, v8;
	v11 =	vld.idx.msk [tilespmem:v26+s2+$0x0], $0xffff  }
0x378: {  	v12 =	vadd.f32 v12, v8;
	[tilespmem:s18+$0xFFFFFFB0] =	vst v13;
	v13 =	vld.idx.msk [tilespmem:v27+s2+$0x0], $0xffff  }
0x379: {  	[tilespmem:s18+$0xFFFFFFC0] =	vst v9;
	v9 =	vadd.f32 v16, v8;
	v15 =	vld.idx.msk [tilespmem:v28+s2+$0x0], $0xffff  }
0x37a: {  	[tilespmem:s18+$0xFFFFFFD0] =	vst v12;
	v12 =	vadd.f32 v17, v8;
	v16 =	vld.idx.msk [tilespmem:v29+s2+$0x0], $0xffff  }
0x37b: {  	[tilespmem:s18+$0xFFFFFFE0] =	vst v9;
	v9 =	vadd.f32 v10, v8;
	v17 =	vld.idx.msk [tilespmem:v30+s2+$0x0], $0xffff  }
0x37c: {  	v10 =	vadd.f32 v14, v8;
	[tilespmem:s18+$0xFFFFFFF0] =	vst v12;
	v14 =	vld.idx.msk [tilespmem:v31+s2+$0x0], $0xffff  }
0x37d: {  	v11 =	vadd.f32 v11, v8;
	[tilespmem:s18+$0x0] =	vst v9;
	v18 =	vld.idx.msk [tilespmem:v32+s2+$0x0], $0xffff  }
0x37e: {  	v12 =	vadd.f32 v13, v8;
	[tilespmem:s18+$0x10] =	vst v10;
	v9 =	vld.idx.msk [tilespmem:v33+s2+$0x0], $0xffff  }
.Ltmp5:
0x37f: {  	v13 =	vadd.f32 v15, v8;
	[tilespmem:s18+$0x20] =	vst v11;
	v10 =	vld.idx.msk [tilespmem:v34+s2+$0x0], $0xffff;
	(pc) =	sbr.rel @p0 .LBB2_13-.Ltmp5, $4  }
0x380: {  	v15 =	vadd.f32 v16, v8;
	[tilespmem:s18+$0x30] =	vst v12;
	v11 =	vld.idx.msk [tilespmem:v35+s2+$0x0], $0xffff  }
0x381: {  	v17 =	vadd.f32 v17, v8;
	[tilespmem:s18+$0x40] =	vst v13;
	v12 =	vld.idx.msk [tilespmem:v36+s2+$0x0], $0xffff  }
0x382: {  	v16 =	vadd.f32 v14, v8;
	[tilespmem:s18+$0x50] =	vst v15;
	v13 =	vld.idx.msk [tilespmem:v37+s2+$0x0], $0xffff  }
0x383: {  	s20 =	sadd.s32 $0x200, s20;
	v15 =	vadd.f32 v18, v8;
	[tilespmem:s18+$0x60] =	vst v17;
	v14 =	vld.idx.msk [tilespmem:v38+s2+$0x0], $0xffff  }
0x384: {  	[tilespmem:s18+$0x70] =	vst v16;
	v9 =	vadd.f32 v9, v8  }
0x385: {  	v10 =	vadd.f32 v10, v8;
	[tilespmem:s18+$0x80] =	vst v15  }
0x386: {  	v61 =	vadd.f32 v11, v8;
	[tilespmem:s18+$0x90] =	vst v9  }
0x387: {  	[tilespmem:s18+$0xA0] =	vst v10;
	v62 =	vadd.f32 v12, v8  }
0x388: {  	s16 =	sshll.u32 s16, $0x11;
	s15 =	sadd.s32 $0x1, s15;
	[tilespmem:s18+$0xB0] =	vst v61;
	v63 =	vadd.f32 v13, v8  }
0x389: {  	s16 =	sor.u32 s10, s16;
	p0 =	sne.s32 s15, $0x41;
	[tilespmem:s18+$0xC0] =	vst v62;
	v8 =	vadd.f32 v14, v8  }
.Ltmp6:
0x38a: {  	s16 =	sshrl.u32 s16, $0x3;
	[tilespmem:s18+$0xD0] =	vst v63;
	(pc) =	sbr.rel @p0 .LBB2_8-.Ltmp6, $4  }
0x38b: {  	s16 =	sadd.s32 s6, s16;
	[tilespmem:s18+$0xE0] =	vst v8  }
0x38c: {  	[hbm4b:s16+s2] =	stream.linear.scatter [tilespmem:s8], [sflag:$0x6], $0x1000, $0x38;
	[tilespmem:$0x1FFA0] =	vst v63  }
0x38d: {  	s21 =	sadd.s32 $0xA00, s17  }
0x38e: {  	[tilespmem:s30], [sflag:$0x3] =	stream.linear.gather [hbm4b:s21+s2], $0x1000, $0x38;
	[tilespmem:$0x1FFA0] =	vst v63  }
0x38f: {  	_ = 	snop  }
0x390: {  	_ =	swait.ge [sflag:s31], $0x1000  }
0x391: {  	[sflag:s31] =	ssyncset.done $0x0  }
0x392: {  	[sflag:s31] =	ssyncadd.s32 $0xFFFFF000  }
0x393: {  	v8 =	vld.idx.msk [tilespmem:v3+s26+$0x0], $0xffff;
	_ =	swait.ge [sflag:s9], $0x1000  }
0x394: {  	[sflag:s9] =	ssyncset.done $0x0  }
0x395: {  	s15 =	simm.s32 $0x187A0;
	[sflag:s9] =	ssyncadd.s32 $0xFFFFF000  }
0x396: {  	v9 =	vld [tilespmem:s15+$0xF0]  }
0x397: {  	v10 =	vld [tilespmem:s15+$0xFFFFFF10]  }
0x398: {  	v11 =	vld [tilespmem:s15+$0xFFFFFF20]  }
0x399: {  	v12 =	vld [tilespmem:s15+$0xFFFFFF30]  }
0x39a: {  	v13 =	vld [tilespmem:s15+$0xFFFFFF40]  }
0x39b: {  	v14 =	vld [tilespmem:s15+$0xFFFFFF50]  }
0x39c: {  	v15 =	vld [tilespmem:s15+$0xFFFFFF60]  }
0x39d: {  	v16 =	vld [tilespmem:s15+$0xFFFFFF70]  }
0x39e: {  	v17 =	vld [tilespmem:s15+$0xFFFFFF80]  }
0x39f: {  	v18 =	vld [tilespmem:s15+$0xFFFFFF90]  }
0x3a0: {  	v19 =	vld [tilespmem:s15+$0xFFFFFFA0]  }
0x3a1: {  	v20 =	vld [tilespmem:s15+$0xFFFFFFB0]  }
0x3a2: {  	v21 =	vld [tilespmem:s15+$0xFFFFFFC0]  }
0x3a3: {  	v22 =	vld [tilespmem:s15+$0xFFFFFFD0]  }
0x3a4: {  	v23 =	vld [tilespmem:s15+$0xFFFFFFE0]  }
0x3a5: {  	v24 =	vld [tilespmem:s15+$0xFFFFFFF0]  }
0x3a6: {  	v25 =	vld [tilespmem:s15+$0x0]  }
0x3a7: {  	v26 =	vld [tilespmem:s15+$0x10]  }
0x3a8: {  	v27 =	vld [tilespmem:s15+$0x20]  }
0x3a9: {  	v28 =	vld [tilespmem:s15+$0x30]  }
0x3aa: {  	v29 =	vld [tilespmem:s15+$0x40]  }
0x3ab: {  	v30 =	vld [tilespmem:s15+$0x50]  }
0x3ac: {  	v31 =	vld [tilespmem:s15+$0x60]  }
0x3ad: {  	v32 =	vld [tilespmem:s15+$0x70]  }
0x3ae: {  	v33 =	vld [tilespmem:s15+$0x80]  }
0x3af: {  	v34 =	vld [tilespmem:s15+$0x90]  }
0x3b0: {  	v35 =	vld [tilespmem:s15+$0xA0]  }
0x3b1: {  	v36 =	vld [tilespmem:s15+$0xB0]  }
0x3b2: {  	v37 =	vld [tilespmem:s15+$0xC0]  }
0x3b3: {  	v38 =	vld [tilespmem:s15+$0xD0]  }
0x3b4: {  	v39 =	vld [tilespmem:s15+$0xE0]  }
0x3b5: {  	v40 =	vld [tilespmem:s15+$0xFFFFFF00]  }
0x3b6: {  	v9 =	vld.idx.msk [tilespmem:v9+s2+$0x0], $0xffff  }
0x3b7: {  	v10 =	vld.idx.msk [tilespmem:v10+s2+$0x0], $0xffff  }
0x3b8: {  	v11 =	vld.idx.msk [tilespmem:v11+s2+$0x0], $0xffff  }
0x3b9: {  	v12 =	vld.idx.msk [tilespmem:v12+s2+$0x0], $0xffff  }
0x3ba: {  	v13 =	vld.idx.msk [tilespmem:v13+s2+$0x0], $0xffff  }
0x3bb: {  	v14 =	vld.idx.msk [tilespmem:v14+s2+$0x0], $0xffff  }
0x3bc: {  	v15 =	vld.idx.msk [tilespmem:v15+s2+$0x0], $0xffff;
	v9 =	vadd.f32 v9, v8  }
0x3bd: {  	s15 =	simm.s32 $0x1B7A0;
	v16 =	vld.idx.msk [tilespmem:v16+s2+$0x0], $0xffff;
	v10 =	vadd.f32 v10, v8  }
0x3be: {  	v11 =	vadd.f32 v11, v8;
	[tilespmem:s15+$0xF0] =	vst v9;
	v9 =	vld.idx.msk [tilespmem:v40+s2+$0x0], $0xffff  }
0x3bf: {  	[tilespmem:s15+$0xFFFFFF10] =	vst v10;
	v10 =	vadd.f32 v12, v8;
	v12 =	vld.idx.msk [tilespmem:v17+s2+$0x0], $0xffff  }
0x3c0: {  	[tilespmem:s15+$0xFFFFFF20] =	vst v11;
	v11 =	vadd.f32 v13, v8;
	v13 =	vld.idx.msk [tilespmem:v18+s2+$0x0], $0xffff  }
0x3c1: {  	v17 =	vld.idx.msk [tilespmem:v33+s2+$0x0], $0xffff;
	[tilespmem:s15+$0xFFFFFF30] =	vst v10;
	v10 =	vadd.f32 v14, v8  }
0x3c2: {  	v14 =	vld.idx.msk [tilespmem:v19+s2+$0x0], $0xffff;
	[tilespmem:s15+$0xFFFFFF40] =	vst v11;
	v11 =	vadd.f32 v15, v8  }
0x3c3: {  	v15 =	vld.idx.msk [tilespmem:v20+s2+$0x0], $0xffff;
	[tilespmem:s15+$0xFFFFFF50] =	vst v10;
	v10 =	vadd.f32 v16, v8  }
0x3c4: {  	v16 =	vld.idx.msk [tilespmem:v21+s2+$0x0], $0xffff;
	[tilespmem:s15+$0xFFFFFF60] =	vst v11;
	v9 =	vadd.f32 v9, v8  }
0x3c5: {  	v11 =	vld.idx.msk [tilespmem:v22+s2+$0x0], $0xffff;
	[tilespmem:s15+$0xFFFFFF70] =	vst v10;
	v10 =	vadd.f32 v12, v8  }
0x3c6: {  	v12 =	vld.idx.msk [tilespmem:v23+s2+$0x0], $0xffff;
	[tilespmem:s15+$0xFFFFFF00] =	vst v9;
	v9 =	vadd.f32 v13, v8  }
0x3c7: {  	v13 =	vld.idx.msk [tilespmem:v24+s2+$0x0], $0xffff;
	[tilespmem:s15+$0xFFFFFF80] =	vst v10;
	v10 =	vadd.f32 v14, v8  }
0x3c8: {  	v14 =	vld.idx.msk [tilespmem:v25+s2+$0x0], $0xffff;
	[tilespmem:s15+$0xFFFFFF90] =	vst v9;
	v9 =	vadd.f32 v15, v8  }
0x3c9: {  	v15 =	vld.idx.msk [tilespmem:v26+s2+$0x0], $0xffff;
	[tilespmem:s15+$0xFFFFFFA0] =	vst v10;
	v10 =	vadd.f32 v16, v8  }
0x3ca: {  	v16 =	vld.idx.msk [tilespmem:v27+s2+$0x0], $0xffff;
	[tilespmem:s15+$0xFFFFFFB0] =	vst v9;
	v9 =	vadd.f32 v11, v8  }
0x3cb: {  	v11 =	vld.idx.msk [tilespmem:v28+s2+$0x0], $0xffff;
	[tilespmem:s15+$0xFFFFFFC0] =	vst v10;
	v10 =	vadd.f32 v12, v8  }
0x3cc: {  	v12 =	vld.idx.msk [tilespmem:v29+s2+$0x0], $0xffff;
	[tilespmem:s15+$0xFFFFFFD0] =	vst v9;
	v9 =	vadd.f32 v13, v8  }
0x3cd: {  	v13 =	vld.idx.msk [tilespmem:v30+s2+$0x0], $0xffff;
	[tilespmem:s15+$0xFFFFFFE0] =	vst v10;
	v10 =	vadd.f32 v14, v8  }
0x3ce: {  	v14 =	vld.idx.msk [tilespmem:v31+s2+$0x0], $0xffff;
	[tilespmem:s15+$0xFFFFFFF0] =	vst v9;
	v9 =	vadd.f32 v15, v8  }
0x3cf: {  	v15 =	vld.idx.msk [tilespmem:v32+s2+$0x0], $0xffff;
	[tilespmem:s15+$0x0] =	vst v10;
	v10 =	vadd.f32 v16, v8  }
0x3d0: {  	v11 =	vadd.f32 v11, v8;
	[tilespmem:s15+$0x10] =	vst v9;
	v9 =	vld.idx.msk [tilespmem:v34+s2+$0x0], $0xffff  }
0x3d1: {  	v12 =	vadd.f32 v12, v8;
	[tilespmem:s15+$0x20] =	vst v10;
	v10 =	vld.idx.msk [tilespmem:v35+s2+$0x0], $0xffff  }
0x3d2: {  	[tilespmem:s15+$0x30] =	vst v11;
	v13 =	vadd.f32 v13, v8;
	v11 =	vld.idx.msk [tilespmem:v36+s2+$0x0], $0xffff  }
0x3d3: {  	[tilespmem:s15+$0x40] =	vst v12;
	v14 =	vadd.f32 v14, v8;
	v12 =	vld.idx.msk [tilespmem:v37+s2+$0x0], $0xffff  }
0x3d4: {  	[tilespmem:s15+$0x50] =	vst v13;
	v13 =	vld.idx.msk [tilespmem:v38+s2+$0x0], $0xffff;
	v16 =	vadd.f32 v15, v8  }
0x3d5: {  	s16 =	simm.s32 $0x0;
	s17 =	simm.s32 $0x189A0;
	v15 =	vadd.f32 v17, v8;
	[tilespmem:s15+$0x60] =	vst v14;
	v14 =	vld.idx.msk [tilespmem:v39+s2+$0x0], $0xffff  }
.LBB2_16:
0x3d6: {  	v17 =	vld [tilespmem:s17+$0xF0];
	s16 =	sadd.s32 $0x20, s16;
	[tilespmem:s15+$0x70] =	vst v16;
	v9 =	vadd.f32 v9, v8  }
0x3d7: {  	v10 =	vadd.f32 v10, v8;
	v16 =	vld [tilespmem:s17+$0xFFFFFF10];
	p0 =	slt.u32 s16, $0xE0;
	[tilespmem:s15+$0x80] =	vst v15  }
0x3d8: {  	v15 =	vld [tilespmem:s17+$0xFFFFFF20];
	[tilespmem:s15+$0x90] =	vst v9;
	v9 =	vadd.f32 v11, v8  }
0x3d9: {  	v11 =	vld [tilespmem:s17+$0xFFFFFF30];
	[tilespmem:s15+$0xA0] =	vst v10;
	v10 =	vadd.f32 v12, v8  }
0x3da: {  	v12 =	vld [tilespmem:s17+$0xFFFFFF40];
	[tilespmem:s15+$0xB0] =	vst v9;
	v9 =	vadd.f32 v13, v8  }
0x3db: {  	v13 =	vld [tilespmem:s17+$0xFFFFFF50];
	[tilespmem:s15+$0xC0] =	vst v10;
	v10 =	vadd.f32 v14, v8  }
0x3dc: {  	v14 =	vld [tilespmem:s17+$0xFFFFFF60];
	[tilespmem:s15+$0xD0] =	vst v9  }
0x3dd: {  	v9 =	vld [tilespmem:s17+$0xFFFFFF70];
	[tilespmem:s15+$0xE0] =	vst v10  }
0x3de: {  	v10 =	vld.idx.msk [tilespmem:v17+s2+$0x0], $0xffff  }
0x3df: {  	v17 =	vld [tilespmem:s17+$0xFFFFFF80]  }
0x3e0: {  	v18 =	vld [tilespmem:s17+$0xFFFFFF90]  }
0x3e1: {  	v19 =	vld [tilespmem:s17+$0xFFFFFFA0]  }
0x3e2: {  	v20 =	vld [tilespmem:s17+$0xFFFFFFB0]  }
0x3e3: {  	v21 =	vld [tilespmem:s17+$0xFFFFFFC0]  }
0x3e4: {  	v10 =	vadd.f32 v10, v8;
	v22 =	vld [tilespmem:s17+$0xFFFFFFD0]  }
0x3e5: {  	s15 =	sadd.s32 $0x200, s15;
	v23 =	vld [tilespmem:s17+$0xFFFFFFE0]  }
0x3e6: {  	v24 =	vld [tilespmem:s17+$0xFFFFFFF0];
	[tilespmem:s15+$0xF0] =	vst v10  }
0x3e7: {  	v10 =	vld [tilespmem:s17+$0x0]  }
0x3e8: {  	v25 =	vld [tilespmem:s17+$0x10]  }
0x3e9: {  	v26 =	vld [tilespmem:s17+$0x20]  }
0x3ea: {  	v27 =	vld [tilespmem:s17+$0x30]  }
0x3eb: {  	v28 =	vld [tilespmem:s17+$0x40]  }
0x3ec: {  	v29 =	vld [tilespmem:s17+$0x50]  }
0x3ed: {  	v30 =	vld [tilespmem:s17+$0x60]  }
0x3ee: {  	v31 =	vld [tilespmem:s17+$0x70]  }
0x3ef: {  	v32 =	vld [tilespmem:s17+$0x80]  }
0x3f0: {  	v33 =	vld [tilespmem:s17+$0x90]  }
0x3f1: {  	v34 =	vld [tilespmem:s17+$0xA0]  }
0x3f2: {  	v35 =	vld [tilespmem:s17+$0xB0]  }
0x3f3: {  	v36 =	vld [tilespmem:s17+$0xC0]  }
0x3f4: {  	v37 =	vld [tilespmem:s17+$0xD0]  }
0x3f5: {  	v38 =	vld [tilespmem:s17+$0xE0]  }
0x3f6: {  	v39 =	vld [tilespmem:s17+$0xFFFFFF00]  }
0x3f7: {  	v16 =	vld.idx.msk [tilespmem:v16+s2+$0x0], $0xffff  }
0x3f8: {  	v15 =	vld.idx.msk [tilespmem:v15+s2+$0x0], $0xffff  }
0x3f9: {  	v11 =	vld.idx.msk [tilespmem:v11+s2+$0x0], $0xffff  }
0x3fa: {  	v12 =	vld.idx.msk [tilespmem:v12+s2+$0x0], $0xffff  }
0x3fb: {  	v13 =	vld.idx.msk [tilespmem:v13+s2+$0x0], $0xffff  }
0x3fc: {  	v14 =	vld.idx.msk [tilespmem:v14+s2+$0x0], $0xffff  }
0x3fd: {  	v16 =	vadd.f32 v16, v8;
	v9 =	vld.idx.msk [tilespmem:v9+s2+$0x0], $0xffff  }
0x3fe: {  	v15 =	vadd.f32 v15, v8;
	v39 =	vld.idx.msk [tilespmem:v39+s2+$0x0], $0xffff  }
0x3ff: {  	v11 =	vadd.f32 v11, v8;
	[tilespmem:s15+$0xFFFFFF10] =	vst v16;
	v16 =	vld.idx.msk [tilespmem:v17+s2+$0x0], $0xffff  }
0x400: {  	v12 =	vadd.f32 v12, v8;
	[tilespmem:s15+$0xFFFFFF20] =	vst v15;
	v15 =	vld.idx.msk [tilespmem:v18+s2+$0x0], $0xffff  }
0x401: {  	[tilespmem:s15+$0xFFFFFF30] =	vst v11;
	v11 =	vadd.f32 v13, v8;
	v13 =	vld.idx.msk [tilespmem:v19+s2+$0x0], $0xffff  }
0x402: {  	[tilespmem:s15+$0xFFFFFF40] =	vst v12;
	v12 =	vadd.f32 v14, v8;
	v14 =	vld.idx.msk [tilespmem:v20+s2+$0x0], $0xffff  }
0x403: {  	v9 =	vadd.f32 v9, v8;
	[tilespmem:s15+$0xFFFFFF50] =	vst v11;
	v11 =	vld.idx.msk [tilespmem:v21+s2+$0x0], $0xffff  }
0x404: {  	v17 =	vadd.f32 v39, v8;
	[tilespmem:s15+$0xFFFFFF60] =	vst v12;
	v12 =	vld.idx.msk [tilespmem:v22+s2+$0x0], $0xffff  }
0x405: {  	[tilespmem:s15+$0xFFFFFF70] =	vst v9;
	v9 =	vadd.f32 v16, v8;
	v16 =	vld.idx.msk [tilespmem:v23+s2+$0x0], $0xffff  }
0x406: {  	v15 =	vadd.f32 v15, v8;
	[tilespmem:s15+$0xFFFFFF00] =	vst v17;
	v17 =	vld.idx.msk [tilespmem:v24+s2+$0x0], $0xffff  }
0x407: {  	[tilespmem:s15+$0xFFFFFF80] =	vst v9;
	v9 =	vadd.f32 v13, v8;
	v10 =	vld.idx.msk [tilespmem:v10+s2+$0x0], $0xffff  }
0x408: {  	v13 =	vadd.f32 v14, v8;
	[tilespmem:s15+$0xFFFFFF90] =	vst v15;
	v14 =	vld.idx.msk [tilespmem:v25+s2+$0x0], $0xffff  }
0x409: {  	[tilespmem:s15+$0xFFFFFFA0] =	vst v9;
	v9 =	vadd.f32 v11, v8;
	v11 =	vld.idx.msk [tilespmem:v26+s2+$0x0], $0xffff  }
0x40a: {  	v12 =	vadd.f32 v12, v8;
	[tilespmem:s15+$0xFFFFFFB0] =	vst v13;
	v13 =	vld.idx.msk [tilespmem:v27+s2+$0x0], $0xffff  }
0x40b: {  	[tilespmem:s15+$0xFFFFFFC0] =	vst v9;
	v9 =	vadd.f32 v16, v8;
	v15 =	vld.idx.msk [tilespmem:v28+s2+$0x0], $0xffff  }
0x40c: {  	[tilespmem:s15+$0xFFFFFFD0] =	vst v12;
	v12 =	vadd.f32 v17, v8;
	v16 =	vld.idx.msk [tilespmem:v29+s2+$0x0], $0xffff  }
0x40d: {  	[tilespmem:s15+$0xFFFFFFE0] =	vst v9;
	v9 =	vadd.f32 v10, v8;
	v17 =	vld.idx.msk [tilespmem:v30+s2+$0x0], $0xffff  }
0x40e: {  	v10 =	vadd.f32 v14, v8;
	[tilespmem:s15+$0xFFFFFFF0] =	vst v12;
	v14 =	vld.idx.msk [tilespmem:v31+s2+$0x0], $0xffff  }
0x40f: {  	v11 =	vadd.f32 v11, v8;
	[tilespmem:s15+$0x0] =	vst v9;
	v18 =	vld.idx.msk [tilespmem:v32+s2+$0x0], $0xffff  }
0x410: {  	v12 =	vadd.f32 v13, v8;
	[tilespmem:s15+$0x10] =	vst v10;
	v9 =	vld.idx.msk [tilespmem:v33+s2+$0x0], $0xffff  }
.Ltmp7:
0x411: {  	v13 =	vadd.f32 v15, v8;
	[tilespmem:s15+$0x20] =	vst v11;
	v10 =	vld.idx.msk [tilespmem:v34+s2+$0x0], $0xffff;
	(pc) =	sbr.rel @p0 .LBB2_16-.Ltmp7, $4  }
0x412: {  	v15 =	vadd.f32 v16, v8;
	[tilespmem:s15+$0x30] =	vst v12;
	v11 =	vld.idx.msk [tilespmem:v35+s2+$0x0], $0xffff  }
0x413: {  	v17 =	vadd.f32 v17, v8;
	[tilespmem:s15+$0x40] =	vst v13;
	v12 =	vld.idx.msk [tilespmem:v36+s2+$0x0], $0xffff  }
0x414: {  	v16 =	vadd.f32 v14, v8;
	[tilespmem:s15+$0x50] =	vst v15;
	v13 =	vld.idx.msk [tilespmem:v37+s2+$0x0], $0xffff  }
0x415: {  	s17 =	sadd.s32 $0x200, s17;
	v15 =	vadd.f32 v18, v8;
	[tilespmem:s15+$0x60] =	vst v17;
	v14 =	vld.idx.msk [tilespmem:v38+s2+$0x0], $0xffff  }
0x416: {  	[tilespmem:s15+$0x70] =	vst v16;
	v9 =	vadd.f32 v9, v8  }
0x417: {  	v10 =	vadd.f32 v10, v8;
	[tilespmem:s15+$0x80] =	vst v15  }
0x418: {  	[tilespmem:s15+$0x90] =	vst v9;
	v9 =	vadd.f32 v11, v8  }
0x419: {  	[tilespmem:s15+$0xA0] =	vst v10;
	v10 =	vadd.f32 v12, v8  }
0x41a: {  	[tilespmem:s15+$0xB0] =	vst v9;
	v9 =	vadd.f32 v13, v8  }
0x41b: {  	[tilespmem:s15+$0xC0] =	vst v10;
	v8 =	vadd.f32 v14, v8  }
0x41c: {  	[tilespmem:s15+$0xD0] =	vst v9  }
0x41d: {  	[tilespmem:s15+$0xE0] =	vst v8  }
0x41e: {  	s15 =	rddreg [dreg:$0xc]  }
0x41f: {  	[hbm4b:s15+s2] =	stream.linear.scatter [tilespmem:s0], [sflag:$0x4], $0x1000, $0x38;
	[tilespmem:$0x1FFA0] =	vst v63  }
0x420: {  	s20 =	rddreg [dreg:$0xd]  }
0x421: {  	[tilespmem:s28], [sflag:$0x1] =	stream.linear.gather [hbm4b:s20+s2], $0x1000, $0x38;
	[tilespmem:$0x1FFA0] =	vst v63  }
0x422: {  	_ =	swait.ge [sflag:s1], $0x1000  }
0x423: {  	[sflag:s1] =	ssyncset.done $0x0  }
0x424: {  	[sflag:s1] =	ssyncadd.s32 $0xFFFFF000  }
0x425: {  	v8 =	vld.idx.msk [tilespmem:v4+s26+$0x0], $0xffff;
	_ =	swait.ge [sflag:s12], $0x1000  }
0x426: {  	[sflag:s12] =	ssyncset.done $0x0  }
0x427: {  	s21 =	simm.s32 $0x197A0;
	[sflag:s12] =	ssyncadd.s32 $0xFFFFF000  }
0x428: {  	v9 =	vld [tilespmem:s21+$0xF0]  }
0x429: {  	v10 =	vld [tilespmem:s21+$0xFFFFFF10]  }
0x42a: {  	v11 =	vld [tilespmem:s21+$0xFFFFFF20]  }
0x42b: {  	v12 =	vld [tilespmem:s21+$0xFFFFFF30]  }
0x42c: {  	v13 =	vld [tilespmem:s21+$0xFFFFFF40]  }
0x42d: {  	v14 =	vld [tilespmem:s21+$0xFFFFFF50]  }
0x42e: {  	v15 =	vld [tilespmem:s21+$0xFFFFFF60]  }
0x42f: {  	v16 =	vld [tilespmem:s21+$0xFFFFFF70]  }
0x430: {  	v17 =	vld [tilespmem:s21+$0xFFFFFF80]  }
0x431: {  	v18 =	vld [tilespmem:s21+$0xFFFFFF90]  }
0x432: {  	v19 =	vld [tilespmem:s21+$0xFFFFFFA0]  }
0x433: {  	v20 =	vld [tilespmem:s21+$0xFFFFFFB0]  }
0x434: {  	v21 =	vld [tilespmem:s21+$0xFFFFFFC0]  }
0x435: {  	v22 =	vld [tilespmem:s21+$0xFFFFFFD0]  }
0x436: {  	v23 =	vld [tilespmem:s21+$0xFFFFFFE0]  }
0x437: {  	v24 =	vld [tilespmem:s21+$0xFFFFFFF0]  }
0x438: {  	v25 =	vld [tilespmem:s21+$0x0]  }
0x439: {  	v26 =	vld [tilespmem:s21+$0x10]  }
0x43a: {  	v27 =	vld [tilespmem:s21+$0x20]  }
0x43b: {  	v28 =	vld [tilespmem:s21+$0x30]  }
0x43c: {  	v29 =	vld [tilespmem:s21+$0x40]  }
0x43d: {  	v30 =	vld [tilespmem:s21+$0x50]  }
0x43e: {  	v31 =	vld [tilespmem:s21+$0x60]  }
0x43f: {  	v32 =	vld [tilespmem:s21+$0x70]  }
0x440: {  	v33 =	vld [tilespmem:s21+$0x80]  }
0x441: {  	v34 =	vld [tilespmem:s21+$0x90]  }
0x442: {  	v35 =	vld [tilespmem:s21+$0xA0]  }
0x443: {  	v36 =	vld [tilespmem:s21+$0xB0]  }
0x444: {  	v37 =	vld [tilespmem:s21+$0xC0]  }
0x445: {  	v38 =	vld [tilespmem:s21+$0xD0]  }
0x446: {  	v39 =	vld [tilespmem:s21+$0xE0]  }
0x447: {  	v40 =	vld [tilespmem:s21+$0xFFFFFF00]  }
0x448: {  	v9 =	vld.idx.msk [tilespmem:v9+s2+$0x0], $0xffff  }
0x449: {  	v10 =	vld.idx.msk [tilespmem:v10+s2+$0x0], $0xffff  }
0x44a: {  	v11 =	vld.idx.msk [tilespmem:v11+s2+$0x0], $0xffff  }
0x44b: {  	v12 =	vld.idx.msk [tilespmem:v12+s2+$0x0], $0xffff  }
0x44c: {  	v13 =	vld.idx.msk [tilespmem:v13+s2+$0x0], $0xffff  }
0x44d: {  	v14 =	vld.idx.msk [tilespmem:v14+s2+$0x0], $0xffff  }
0x44e: {  	v15 =	vld.idx.msk [tilespmem:v15+s2+$0x0], $0xffff;
	v9 =	vadd.f32 v9, v8  }
0x44f: {  	s15 =	simm.s32 $0x1C7A0;
	v16 =	vld.idx.msk [tilespmem:v16+s2+$0x0], $0xffff;
	v10 =	vadd.f32 v10, v8  }
0x450: {  	v11 =	vadd.f32 v11, v8;
	[tilespmem:s15+$0xF0] =	vst v9;
	v9 =	vld.idx.msk [tilespmem:v40+s2+$0x0], $0xffff  }
0x451: {  	[tilespmem:s15+$0xFFFFFF10] =	vst v10;
	v10 =	vadd.f32 v12, v8;
	v12 =	vld.idx.msk [tilespmem:v17+s2+$0x0], $0xffff  }
0x452: {  	[tilespmem:s15+$0xFFFFFF20] =	vst v11;
	v11 =	vadd.f32 v13, v8;
	v13 =	vld.idx.msk [tilespmem:v18+s2+$0x0], $0xffff  }
0x453: {  	v17 =	vld.idx.msk [tilespmem:v33+s2+$0x0], $0xffff;
	[tilespmem:s15+$0xFFFFFF30] =	vst v10;
	v10 =	vadd.f32 v14, v8  }
0x454: {  	v14 =	vld.idx.msk [tilespmem:v19+s2+$0x0], $0xffff;
	[tilespmem:s15+$0xFFFFFF40] =	vst v11;
	v11 =	vadd.f32 v15, v8  }
0x455: {  	v15 =	vld.idx.msk [tilespmem:v20+s2+$0x0], $0xffff;
	[tilespmem:s15+$0xFFFFFF50] =	vst v10;
	v10 =	vadd.f32 v16, v8  }
0x456: {  	v16 =	vld.idx.msk [tilespmem:v21+s2+$0x0], $0xffff;
	[tilespmem:s15+$0xFFFFFF60] =	vst v11;
	v9 =	vadd.f32 v9, v8  }
0x457: {  	v11 =	vld.idx.msk [tilespmem:v22+s2+$0x0], $0xffff;
	[tilespmem:s15+$0xFFFFFF70] =	vst v10;
	v10 =	vadd.f32 v12, v8  }
0x458: {  	v12 =	vld.idx.msk [tilespmem:v23+s2+$0x0], $0xffff;
	[tilespmem:s15+$0xFFFFFF00] =	vst v9;
	v9 =	vadd.f32 v13, v8  }
0x459: {  	v13 =	vld.idx.msk [tilespmem:v24+s2+$0x0], $0xffff;
	[tilespmem:s15+$0xFFFFFF80] =	vst v10;
	v10 =	vadd.f32 v14, v8  }
0x45a: {  	v14 =	vld.idx.msk [tilespmem:v25+s2+$0x0], $0xffff;
	[tilespmem:s15+$0xFFFFFF90] =	vst v9;
	v9 =	vadd.f32 v15, v8  }
0x45b: {  	v15 =	vld.idx.msk [tilespmem:v26+s2+$0x0], $0xffff;
	[tilespmem:s15+$0xFFFFFFA0] =	vst v10;
	v10 =	vadd.f32 v16, v8  }
0x45c: {  	v16 =	vld.idx.msk [tilespmem:v27+s2+$0x0], $0xffff;
	[tilespmem:s15+$0xFFFFFFB0] =	vst v9;
	v9 =	vadd.f32 v11, v8  }
0x45d: {  	v11 =	vld.idx.msk [tilespmem:v28+s2+$0x0], $0xffff;
	[tilespmem:s15+$0xFFFFFFC0] =	vst v10;
	v10 =	vadd.f32 v12, v8  }
0x45e: {  	v12 =	vld.idx.msk [tilespmem:v29+s2+$0x0], $0xffff;
	[tilespmem:s15+$0xFFFFFFD0] =	vst v9;
	v9 =	vadd.f32 v13, v8  }
0x45f: {  	v13 =	vld.idx.msk [tilespmem:v30+s2+$0x0], $0xffff;
	[tilespmem:s15+$0xFFFFFFE0] =	vst v10;
	v10 =	vadd.f32 v14, v8  }
0x460: {  	v14 =	vld.idx.msk [tilespmem:v31+s2+$0x0], $0xffff;
	[tilespmem:s15+$0xFFFFFFF0] =	vst v9;
	v9 =	vadd.f32 v15, v8  }
0x461: {  	v15 =	vld.idx.msk [tilespmem:v32+s2+$0x0], $0xffff;
	[tilespmem:s15+$0x0] =	vst v10;
	v10 =	vadd.f32 v16, v8  }
0x462: {  	v11 =	vadd.f32 v11, v8;
	[tilespmem:s15+$0x10] =	vst v9;
	v9 =	vld.idx.msk [tilespmem:v34+s2+$0x0], $0xffff  }
0x463: {  	v12 =	vadd.f32 v12, v8;
	[tilespmem:s15+$0x20] =	vst v10;
	v10 =	vld.idx.msk [tilespmem:v35+s2+$0x0], $0xffff  }
0x464: {  	[tilespmem:s15+$0x30] =	vst v11;
	v13 =	vadd.f32 v13, v8;
	v11 =	vld.idx.msk [tilespmem:v36+s2+$0x0], $0xffff  }
0x465: {  	[tilespmem:s15+$0x40] =	vst v12;
	v14 =	vadd.f32 v14, v8;
	v12 =	vld.idx.msk [tilespmem:v37+s2+$0x0], $0xffff  }
0x466: {  	[tilespmem:s15+$0x50] =	vst v13;
	v13 =	vld.idx.msk [tilespmem:v38+s2+$0x0], $0xffff;
	v16 =	vadd.f32 v15, v8  }
0x467: {  	s16 =	simm.s32 $0x0;
	s17 =	simm.s32 $0x199A0;
	v15 =	vadd.f32 v17, v8;
	[tilespmem:s15+$0x60] =	vst v14;
	v14 =	vld.idx.msk [tilespmem:v39+s2+$0x0], $0xffff  }
.LBB2_18:
0x468: {  	v17 =	vld [tilespmem:s17+$0xF0];
	s16 =	sadd.s32 $0x20, s16;
	[tilespmem:s15+$0x70] =	vst v16;
	v9 =	vadd.f32 v9, v8  }
0x469: {  	v10 =	vadd.f32 v10, v8;
	v16 =	vld [tilespmem:s17+$0xFFFFFF10];
	p0 =	slt.u32 s16, $0xE0;
	[tilespmem:s15+$0x80] =	vst v15  }
0x46a: {  	v15 =	vld [tilespmem:s17+$0xFFFFFF20];
	[tilespmem:s15+$0x90] =	vst v9;
	v9 =	vadd.f32 v11, v8  }
0x46b: {  	v11 =	vld [tilespmem:s17+$0xFFFFFF30];
	[tilespmem:s15+$0xA0] =	vst v10;
	v10 =	vadd.f32 v12, v8  }
0x46c: {  	v12 =	vld [tilespmem:s17+$0xFFFFFF40];
	[tilespmem:s15+$0xB0] =	vst v9;
	v9 =	vadd.f32 v13, v8  }
0x46d: {  	v13 =	vld [tilespmem:s17+$0xFFFFFF50];
	[tilespmem:s15+$0xC0] =	vst v10;
	v10 =	vadd.f32 v14, v8  }
0x46e: {  	v14 =	vld [tilespmem:s17+$0xFFFFFF60];
	[tilespmem:s15+$0xD0] =	vst v9  }
0x46f: {  	v9 =	vld [tilespmem:s17+$0xFFFFFF70];
	[tilespmem:s15+$0xE0] =	vst v10  }
0x470: {  	v10 =	vld.idx.msk [tilespmem:v17+s2+$0x0], $0xffff  }
0x471: {  	v17 =	vld [tilespmem:s17+$0xFFFFFF80]  }
0x472: {  	v18 =	vld [tilespmem:s17+$0xFFFFFF90]  }
0x473: {  	v19 =	vld [tilespmem:s17+$0xFFFFFFA0]  }
0x474: {  	v20 =	vld [tilespmem:s17+$0xFFFFFFB0]  }
0x475: {  	v21 =	vld [tilespmem:s17+$0xFFFFFFC0]  }
0x476: {  	v10 =	vadd.f32 v10, v8;
	v22 =	vld [tilespmem:s17+$0xFFFFFFD0]  }
0x477: {  	s15 =	sadd.s32 $0x200, s15;
	v23 =	vld [tilespmem:s17+$0xFFFFFFE0]  }
0x478: {  	v24 =	vld [tilespmem:s17+$0xFFFFFFF0];
	[tilespmem:s15+$0xF0] =	vst v10  }
0x479: {  	v10 =	vld [tilespmem:s17+$0x0]  }
0x47a: {  	v25 =	vld [tilespmem:s17+$0x10]  }
0x47b: {  	v26 =	vld [tilespmem:s17+$0x20]  }
0x47c: {  	v27 =	vld [tilespmem:s17+$0x30]  }
0x47d: {  	v28 =	vld [tilespmem:s17+$0x40]  }
0x47e: {  	v29 =	vld [tilespmem:s17+$0x50]  }
0x47f: {  	v30 =	vld [tilespmem:s17+$0x60]  }
0x480: {  	v31 =	vld [tilespmem:s17+$0x70]  }
0x481: {  	v32 =	vld [tilespmem:s17+$0x80]  }
0x482: {  	v33 =	vld [tilespmem:s17+$0x90]  }
0x483: {  	v34 =	vld [tilespmem:s17+$0xA0]  }
0x484: {  	v35 =	vld [tilespmem:s17+$0xB0]  }
0x485: {  	v36 =	vld [tilespmem:s17+$0xC0]  }
0x486: {  	v37 =	vld [tilespmem:s17+$0xD0]  }
0x487: {  	v38 =	vld [tilespmem:s17+$0xE0]  }
0x488: {  	v39 =	vld [tilespmem:s17+$0xFFFFFF00]  }
0x489: {  	v16 =	vld.idx.msk [tilespmem:v16+s2+$0x0], $0xffff  }
0x48a: {  	v15 =	vld.idx.msk [tilespmem:v15+s2+$0x0], $0xffff  }
0x48b: {  	v11 =	vld.idx.msk [tilespmem:v11+s2+$0x0], $0xffff  }
0x48c: {  	v12 =	vld.idx.msk [tilespmem:v12+s2+$0x0], $0xffff  }
0x48d: {  	v13 =	vld.idx.msk [tilespmem:v13+s2+$0x0], $0xffff  }
0x48e: {  	v14 =	vld.idx.msk [tilespmem:v14+s2+$0x0], $0xffff  }
0x48f: {  	v16 =	vadd.f32 v16, v8;
	v9 =	vld.idx.msk [tilespmem:v9+s2+$0x0], $0xffff  }
0x490: {  	v15 =	vadd.f32 v15, v8;
	v39 =	vld.idx.msk [tilespmem:v39+s2+$0x0], $0xffff  }
0x491: {  	v11 =	vadd.f32 v11, v8;
	[tilespmem:s15+$0xFFFFFF10] =	vst v16;
	v16 =	vld.idx.msk [tilespmem:v17+s2+$0x0], $0xffff  }
0x492: {  	v12 =	vadd.f32 v12, v8;
	[tilespmem:s15+$0xFFFFFF20] =	vst v15;
	v15 =	vld.idx.msk [tilespmem:v18+s2+$0x0], $0xffff  }
0x493: {  	[tilespmem:s15+$0xFFFFFF30] =	vst v11;
	v11 =	vadd.f32 v13, v8;
	v13 =	vld.idx.msk [tilespmem:v19+s2+$0x0], $0xffff  }
0x494: {  	[tilespmem:s15+$0xFFFFFF40] =	vst v12;
	v12 =	vadd.f32 v14, v8;
	v14 =	vld.idx.msk [tilespmem:v20+s2+$0x0], $0xffff  }
0x495: {  	v9 =	vadd.f32 v9, v8;
	[tilespmem:s15+$0xFFFFFF50] =	vst v11;
	v11 =	vld.idx.msk [tilespmem:v21+s2+$0x0], $0xffff  }
0x496: {  	v17 =	vadd.f32 v39, v8;
	[tilespmem:s15+$0xFFFFFF60] =	vst v12;
	v12 =	vld.idx.msk [tilespmem:v22+s2+$0x0], $0xffff  }
0x497: {  	[tilespmem:s15+$0xFFFFFF70] =	vst v9;
	v9 =	vadd.f32 v16, v8;
	v16 =	vld.idx.msk [tilespmem:v23+s2+$0x0], $0xffff  }
0x498: {  	v15 =	vadd.f32 v15, v8;
	[tilespmem:s15+$0xFFFFFF00] =	vst v17;
	v17 =	vld.idx.msk [tilespmem:v24+s2+$0x0], $0xffff  }
0x499: {  	[tilespmem:s15+$0xFFFFFF80] =	vst v9;
	v9 =	vadd.f32 v13, v8;
	v10 =	vld.idx.msk [tilespmem:v10+s2+$0x0], $0xffff  }
0x49a: {  	v13 =	vadd.f32 v14, v8;
	[tilespmem:s15+$0xFFFFFF90] =	vst v15;
	v14 =	vld.idx.msk [tilespmem:v25+s2+$0x0], $0xffff  }
0x49b: {  	[tilespmem:s15+$0xFFFFFFA0] =	vst v9;
	v9 =	vadd.f32 v11, v8;
	v11 =	vld.idx.msk [tilespmem:v26+s2+$0x0], $0xffff  }
0x49c: {  	v12 =	vadd.f32 v12, v8;
	[tilespmem:s15+$0xFFFFFFB0] =	vst v13;
	v13 =	vld.idx.msk [tilespmem:v27+s2+$0x0], $0xffff  }
0x49d: {  	[tilespmem:s15+$0xFFFFFFC0] =	vst v9;
	v9 =	vadd.f32 v16, v8;
	v15 =	vld.idx.msk [tilespmem:v28+s2+$0x0], $0xffff  }
0x49e: {  	[tilespmem:s15+$0xFFFFFFD0] =	vst v12;
	v12 =	vadd.f32 v17, v8;
	v16 =	vld.idx.msk [tilespmem:v29+s2+$0x0], $0xffff  }
0x49f: {  	[tilespmem:s15+$0xFFFFFFE0] =	vst v9;
	v9 =	vadd.f32 v10, v8;
	v17 =	vld.idx.msk [tilespmem:v30+s2+$0x0], $0xffff  }
0x4a0: {  	v10 =	vadd.f32 v14, v8;
	[tilespmem:s15+$0xFFFFFFF0] =	vst v12;
	v14 =	vld.idx.msk [tilespmem:v31+s2+$0x0], $0xffff  }
0x4a1: {  	v11 =	vadd.f32 v11, v8;
	[tilespmem:s15+$0x0] =	vst v9;
	v18 =	vld.idx.msk [tilespmem:v32+s2+$0x0], $0xffff  }
0x4a2: {  	v12 =	vadd.f32 v13, v8;
	[tilespmem:s15+$0x10] =	vst v10;
	v9 =	vld.idx.msk [tilespmem:v33+s2+$0x0], $0xffff  }
.Ltmp8:
0x4a3: {  	v13 =	vadd.f32 v15, v8;
	[tilespmem:s15+$0x20] =	vst v11;
	v10 =	vld.idx.msk [tilespmem:v34+s2+$0x0], $0xffff;
	(pc) =	sbr.rel @p0 .LBB2_18-.Ltmp8, $4  }
0x4a4: {  	v15 =	vadd.f32 v16, v8;
	[tilespmem:s15+$0x30] =	vst v12;
	v11 =	vld.idx.msk [tilespmem:v35+s2+$0x0], $0xffff  }
0x4a5: {  	v17 =	vadd.f32 v17, v8;
	[tilespmem:s15+$0x40] =	vst v13;
	v12 =	vld.idx.msk [tilespmem:v36+s2+$0x0], $0xffff  }
0x4a6: {  	v16 =	vadd.f32 v14, v8;
	[tilespmem:s15+$0x50] =	vst v15;
	v13 =	vld.idx.msk [tilespmem:v37+s2+$0x0], $0xffff  }
0x4a7: {  	s17 =	sadd.s32 $0x200, s17;
	v15 =	vadd.f32 v18, v8;
	[tilespmem:s15+$0x60] =	vst v17;
	v14 =	vld.idx.msk [tilespmem:v38+s2+$0x0], $0xffff  }
0x4a8: {  	[tilespmem:s15+$0x70] =	vst v16;
	v9 =	vadd.f32 v9, v8  }
0x4a9: {  	v10 =	vadd.f32 v10, v8;
	[tilespmem:s15+$0x80] =	vst v15  }
0x4aa: {  	[tilespmem:s15+$0x90] =	vst v9;
	v9 =	vadd.f32 v11, v8  }
0x4ab: {  	[tilespmem:s15+$0xA0] =	vst v10;
	v10 =	vadd.f32 v12, v8  }
0x4ac: {  	[tilespmem:s15+$0xB0] =	vst v9;
	v9 =	vadd.f32 v13, v8  }
0x4ad: {  	[tilespmem:s15+$0xC0] =	vst v10;
	v8 =	vadd.f32 v14, v8  }
0x4ae: {  	[tilespmem:s15+$0xD0] =	vst v9  }
0x4af: {  	[tilespmem:s15+$0xE0] =	vst v8  }
0x4b0: {  	s15 =	rddreg [dreg:$0xe]  }
0x4b1: {  	[hbm4b:s15+s2] =	stream.linear.scatter [tilespmem:s5], [sflag:$0x5], $0x1000, $0x38;
	[tilespmem:$0x1FFA0] =	vst v63  }
0x4b2: {  	s20 =	rddreg [dreg:$0xf]  }
0x4b3: {  	[tilespmem:s29], [sflag:$0x2] =	stream.linear.gather [hbm4b:s20+s2], $0x1000, $0x38;
	[tilespmem:$0x1FFA0] =	vst v63  }
0x4b4: {  	_ =	swait.ge [sflag:s7], $0x1000  }
0x4b5: {  	[sflag:s7] =	ssyncset.done $0x0  }
0x4b6: {  	[sflag:s7] =	ssyncadd.s32 $0xFFFFF000  }
0x4b7: {  	v8 =	vld.idx.msk [tilespmem:v5+s26+$0x0], $0xffff;
	_ =	swait.ge [sflag:s13], $0x1000  }
0x4b8: {  	[sflag:s13] =	ssyncset.done $0x0  }
0x4b9: {  	s21 =	simm.s32 $0x1A7A0;
	[sflag:s13] =	ssyncadd.s32 $0xFFFFF000  }
0x4ba: {  	v9 =	vld [tilespmem:s21+$0xF0]  }
0x4bb: {  	v10 =	vld [tilespmem:s21+$0xFFFFFF10]  }
0x4bc: {  	v11 =	vld [tilespmem:s21+$0xFFFFFF20]  }
0x4bd: {  	v12 =	vld [tilespmem:s21+$0xFFFFFF30]  }
0x4be: {  	v13 =	vld [tilespmem:s21+$0xFFFFFF40]  }
0x4bf: {  	v14 =	vld [tilespmem:s21+$0xFFFFFF50]  }
0x4c0: {  	v15 =	vld [tilespmem:s21+$0xFFFFFF60]  }
0x4c1: {  	v16 =	vld [tilespmem:s21+$0xFFFFFF70]  }
0x4c2: {  	v17 =	vld [tilespmem:s21+$0xFFFFFF80]  }
0x4c3: {  	v18 =	vld [tilespmem:s21+$0xFFFFFF90]  }
0x4c4: {  	v19 =	vld [tilespmem:s21+$0xFFFFFFA0]  }
0x4c5: {  	v20 =	vld [tilespmem:s21+$0xFFFFFFB0]  }
0x4c6: {  	v21 =	vld [tilespmem:s21+$0xFFFFFFC0]  }
0x4c7: {  	v22 =	vld [tilespmem:s21+$0xFFFFFFD0]  }
0x4c8: {  	v23 =	vld [tilespmem:s21+$0xFFFFFFE0]  }
0x4c9: {  	v24 =	vld [tilespmem:s21+$0xFFFFFFF0]  }
0x4ca: {  	v25 =	vld [tilespmem:s21+$0x0]  }
0x4cb: {  	v26 =	vld [tilespmem:s21+$0x10]  }
0x4cc: {  	v27 =	vld [tilespmem:s21+$0x20]  }
0x4cd: {  	v28 =	vld [tilespmem:s21+$0x30]  }
0x4ce: {  	v29 =	vld [tilespmem:s21+$0x40]  }
0x4cf: {  	v30 =	vld [tilespmem:s21+$0x50]  }
0x4d0: {  	v31 =	vld [tilespmem:s21+$0x60]  }
0x4d1: {  	v32 =	vld [tilespmem:s21+$0x70]  }
0x4d2: {  	v33 =	vld [tilespmem:s21+$0x80]  }
0x4d3: {  	v34 =	vld [tilespmem:s21+$0x90]  }
0x4d4: {  	v35 =	vld [tilespmem:s21+$0xA0]  }
0x4d5: {  	v36 =	vld [tilespmem:s21+$0xB0]  }
0x4d6: {  	v37 =	vld [tilespmem:s21+$0xC0]  }
0x4d7: {  	v38 =	vld [tilespmem:s21+$0xD0]  }
0x4d8: {  	v39 =	vld [tilespmem:s21+$0xE0]  }
0x4d9: {  	v40 =	vld [tilespmem:s21+$0xFFFFFF00]  }
0x4da: {  	v9 =	vld.idx.msk [tilespmem:v9+s2+$0x0], $0xffff  }
0x4db: {  	v10 =	vld.idx.msk [tilespmem:v10+s2+$0x0], $0xffff  }
0x4dc: {  	v11 =	vld.idx.msk [tilespmem:v11+s2+$0x0], $0xffff  }
0x4dd: {  	v12 =	vld.idx.msk [tilespmem:v12+s2+$0x0], $0xffff  }
0x4de: {  	v13 =	vld.idx.msk [tilespmem:v13+s2+$0x0], $0xffff  }
0x4df: {  	v14 =	vld.idx.msk [tilespmem:v14+s2+$0x0], $0xffff  }
0x4e0: {  	v15 =	vld.idx.msk [tilespmem:v15+s2+$0x0], $0xffff;
	v9 =	vadd.f32 v9, v8  }
0x4e1: {  	s15 =	simm.s32 $0x1D7A0;
	v16 =	vld.idx.msk [tilespmem:v16+s2+$0x0], $0xffff;
	v10 =	vadd.f32 v10, v8  }
0x4e2: {  	v11 =	vadd.f32 v11, v8;
	[tilespmem:s15+$0xF0] =	vst v9;
	v9 =	vld.idx.msk [tilespmem:v40+s2+$0x0], $0xffff  }
0x4e3: {  	[tilespmem:s15+$0xFFFFFF10] =	vst v10;
	v10 =	vadd.f32 v12, v8;
	v12 =	vld.idx.msk [tilespmem:v17+s2+$0x0], $0xffff  }
0x4e4: {  	[tilespmem:s15+$0xFFFFFF20] =	vst v11;
	v11 =	vadd.f32 v13, v8;
	v13 =	vld.idx.msk [tilespmem:v18+s2+$0x0], $0xffff  }
0x4e5: {  	v17 =	vld.idx.msk [tilespmem:v33+s2+$0x0], $0xffff;
	[tilespmem:s15+$0xFFFFFF30] =	vst v10;
	v10 =	vadd.f32 v14, v8  }
0x4e6: {  	v14 =	vld.idx.msk [tilespmem:v19+s2+$0x0], $0xffff;
	[tilespmem:s15+$0xFFFFFF40] =	vst v11;
	v11 =	vadd.f32 v15, v8  }
0x4e7: {  	v15 =	vld.idx.msk [tilespmem:v20+s2+$0x0], $0xffff;
	[tilespmem:s15+$0xFFFFFF50] =	vst v10;
	v10 =	vadd.f32 v16, v8  }
0x4e8: {  	v16 =	vld.idx.msk [tilespmem:v21+s2+$0x0], $0xffff;
	[tilespmem:s15+$0xFFFFFF60] =	vst v11;
	v9 =	vadd.f32 v9, v8  }
0x4e9: {  	v11 =	vld.idx.msk [tilespmem:v22+s2+$0x0], $0xffff;
	[tilespmem:s15+$0xFFFFFF70] =	vst v10;
	v10 =	vadd.f32 v12, v8  }
0x4ea: {  	v12 =	vld.idx.msk [tilespmem:v23+s2+$0x0], $0xffff;
	[tilespmem:s15+$0xFFFFFF00] =	vst v9;
	v9 =	vadd.f32 v13, v8  }
0x4eb: {  	v13 =	vld.idx.msk [tilespmem:v24+s2+$0x0], $0xffff;
	[tilespmem:s15+$0xFFFFFF80] =	vst v10;
	v10 =	vadd.f32 v14, v8  }
0x4ec: {  	v14 =	vld.idx.msk [tilespmem:v25+s2+$0x0], $0xffff;
	[tilespmem:s15+$0xFFFFFF90] =	vst v9;
	v9 =	vadd.f32 v15, v8  }
0x4ed: {  	v15 =	vld.idx.msk [tilespmem:v26+s2+$0x0], $0xffff;
	[tilespmem:s15+$0xFFFFFFA0] =	vst v10;
	v10 =	vadd.f32 v16, v8  }
0x4ee: {  	v16 =	vld.idx.msk [tilespmem:v27+s2+$0x0], $0xffff;
	[tilespmem:s15+$0xFFFFFFB0] =	vst v9;
	v9 =	vadd.f32 v11, v8  }
0x4ef: {  	v11 =	vld.idx.msk [tilespmem:v28+s2+$0x0], $0xffff;
	[tilespmem:s15+$0xFFFFFFC0] =	vst v10;
	v10 =	vadd.f32 v12, v8  }
0x4f0: {  	v12 =	vld.idx.msk [tilespmem:v29+s2+$0x0], $0xffff;
	[tilespmem:s15+$0xFFFFFFD0] =	vst v9;
	v9 =	vadd.f32 v13, v8  }
0x4f1: {  	v13 =	vld.idx.msk [tilespmem:v30+s2+$0x0], $0xffff;
	[tilespmem:s15+$0xFFFFFFE0] =	vst v10;
	v10 =	vadd.f32 v14, v8  }
0x4f2: {  	v14 =	vld.idx.msk [tilespmem:v31+s2+$0x0], $0xffff;
	[tilespmem:s15+$0xFFFFFFF0] =	vst v9;
	v9 =	vadd.f32 v15, v8  }
0x4f3: {  	v15 =	vld.idx.msk [tilespmem:v32+s2+$0x0], $0xffff;
	[tilespmem:s15+$0x0] =	vst v10;
	v10 =	vadd.f32 v16, v8  }
0x4f4: {  	v11 =	vadd.f32 v11, v8;
	[tilespmem:s15+$0x10] =	vst v9;
	v9 =	vld.idx.msk [tilespmem:v34+s2+$0x0], $0xffff  }
0x4f5: {  	v12 =	vadd.f32 v12, v8;
	[tilespmem:s15+$0x20] =	vst v10;
	v10 =	vld.idx.msk [tilespmem:v35+s2+$0x0], $0xffff  }
0x4f6: {  	[tilespmem:s15+$0x30] =	vst v11;
	v13 =	vadd.f32 v13, v8;
	v11 =	vld.idx.msk [tilespmem:v36+s2+$0x0], $0xffff  }
0x4f7: {  	[tilespmem:s15+$0x40] =	vst v12;
	v14 =	vadd.f32 v14, v8;
	v12 =	vld.idx.msk [tilespmem:v37+s2+$0x0], $0xffff  }
0x4f8: {  	[tilespmem:s15+$0x50] =	vst v13;
	v13 =	vld.idx.msk [tilespmem:v38+s2+$0x0], $0xffff;
	v16 =	vadd.f32 v15, v8  }
0x4f9: {  	s16 =	simm.s32 $0x0;
	s17 =	simm.s32 $0x1A9A0;
	v15 =	vadd.f32 v17, v8;
	[tilespmem:s15+$0x60] =	vst v14;
	v14 =	vld.idx.msk [tilespmem:v39+s2+$0x0], $0xffff  }
.LBB2_20:
0x4fa: {  	v17 =	vld [tilespmem:s17+$0xF0];
	s16 =	sadd.s32 $0x20, s16;
	[tilespmem:s15+$0x70] =	vst v16;
	v9 =	vadd.f32 v9, v8  }
0x4fb: {  	v10 =	vadd.f32 v10, v8;
	v16 =	vld [tilespmem:s17+$0xFFFFFF10];
	p0 =	slt.u32 s16, $0xE0;
	[tilespmem:s15+$0x80] =	vst v15  }
0x4fc: {  	v15 =	vld [tilespmem:s17+$0xFFFFFF20];
	[tilespmem:s15+$0x90] =	vst v9;
	v9 =	vadd.f32 v11, v8  }
0x4fd: {  	v11 =	vld [tilespmem:s17+$0xFFFFFF30];
	[tilespmem:s15+$0xA0] =	vst v10;
	v10 =	vadd.f32 v12, v8  }
0x4fe: {  	v12 =	vld [tilespmem:s17+$0xFFFFFF40];
	[tilespmem:s15+$0xB0] =	vst v9;
	v9 =	vadd.f32 v13, v8  }
0x4ff: {  	v13 =	vld [tilespmem:s17+$0xFFFFFF50];
	[tilespmem:s15+$0xC0] =	vst v10;
	v10 =	vadd.f32 v14, v8  }
0x500: {  	v14 =	vld [tilespmem:s17+$0xFFFFFF60];
	[tilespmem:s15+$0xD0] =	vst v9  }
0x501: {  	v9 =	vld [tilespmem:s17+$0xFFFFFF70];
	[tilespmem:s15+$0xE0] =	vst v10  }
0x502: {  	v10 =	vld.idx.msk [tilespmem:v17+s2+$0x0], $0xffff  }
0x503: {  	v17 =	vld [tilespmem:s17+$0xFFFFFF80]  }
0x504: {  	v18 =	vld [tilespmem:s17+$0xFFFFFF90]  }
0x505: {  	v19 =	vld [tilespmem:s17+$0xFFFFFFA0]  }
0x506: {  	v20 =	vld [tilespmem:s17+$0xFFFFFFB0]  }
0x507: {  	v21 =	vld [tilespmem:s17+$0xFFFFFFC0]  }
0x508: {  	v10 =	vadd.f32 v10, v8;
	v22 =	vld [tilespmem:s17+$0xFFFFFFD0]  }
0x509: {  	s15 =	sadd.s32 $0x200, s15;
	v23 =	vld [tilespmem:s17+$0xFFFFFFE0]  }
0x50a: {  	v24 =	vld [tilespmem:s17+$0xFFFFFFF0];
	[tilespmem:s15+$0xF0] =	vst v10  }
0x50b: {  	v10 =	vld [tilespmem:s17+$0x0]  }
0x50c: {  	v25 =	vld [tilespmem:s17+$0x10]  }
0x50d: {  	v26 =	vld [tilespmem:s17+$0x20]  }
0x50e: {  	v27 =	vld [tilespmem:s17+$0x30]  }
0x50f: {  	v28 =	vld [tilespmem:s17+$0x40]  }
0x510: {  	v29 =	vld [tilespmem:s17+$0x50]  }
0x511: {  	v30 =	vld [tilespmem:s17+$0x60]  }
0x512: {  	v31 =	vld [tilespmem:s17+$0x70]  }
0x513: {  	v32 =	vld [tilespmem:s17+$0x80]  }
0x514: {  	v33 =	vld [tilespmem:s17+$0x90]  }
0x515: {  	v34 =	vld [tilespmem:s17+$0xA0]  }
0x516: {  	v35 =	vld [tilespmem:s17+$0xB0]  }
0x517: {  	v36 =	vld [tilespmem:s17+$0xC0]  }
0x518: {  	v37 =	vld [tilespmem:s17+$0xD0]  }
0x519: {  	v38 =	vld [tilespmem:s17+$0xE0]  }
0x51a: {  	v39 =	vld [tilespmem:s17+$0xFFFFFF00]  }
0x51b: {  	v16 =	vld.idx.msk [tilespmem:v16+s2+$0x0], $0xffff  }
0x51c: {  	v15 =	vld.idx.msk [tilespmem:v15+s2+$0x0], $0xffff  }
0x51d: {  	v11 =	vld.idx.msk [tilespmem:v11+s2+$0x0], $0xffff  }
0x51e: {  	v12 =	vld.idx.msk [tilespmem:v12+s2+$0x0], $0xffff  }
0x51f: {  	v13 =	vld.idx.msk [tilespmem:v13+s2+$0x0], $0xffff  }
0x520: {  	v14 =	vld.idx.msk [tilespmem:v14+s2+$0x0], $0xffff  }
0x521: {  	v16 =	vadd.f32 v16, v8;
	v9 =	vld.idx.msk [tilespmem:v9+s2+$0x0], $0xffff  }
0x522: {  	v15 =	vadd.f32 v15, v8;
	v39 =	vld.idx.msk [tilespmem:v39+s2+$0x0], $0xffff  }
0x523: {  	v11 =	vadd.f32 v11, v8;
	[tilespmem:s15+$0xFFFFFF10] =	vst v16;
	v16 =	vld.idx.msk [tilespmem:v17+s2+$0x0], $0xffff  }
0x524: {  	v12 =	vadd.f32 v12, v8;
	[tilespmem:s15+$0xFFFFFF20] =	vst v15;
	v15 =	vld.idx.msk [tilespmem:v18+s2+$0x0], $0xffff  }
0x525: {  	[tilespmem:s15+$0xFFFFFF30] =	vst v11;
	v11 =	vadd.f32 v13, v8;
	v13 =	vld.idx.msk [tilespmem:v19+s2+$0x0], $0xffff  }
0x526: {  	[tilespmem:s15+$0xFFFFFF40] =	vst v12;
	v12 =	vadd.f32 v14, v8;
	v14 =	vld.idx.msk [tilespmem:v20+s2+$0x0], $0xffff  }
0x527: {  	v9 =	vadd.f32 v9, v8;
	[tilespmem:s15+$0xFFFFFF50] =	vst v11;
	v11 =	vld.idx.msk [tilespmem:v21+s2+$0x0], $0xffff  }
0x528: {  	v17 =	vadd.f32 v39, v8;
	[tilespmem:s15+$0xFFFFFF60] =	vst v12;
	v12 =	vld.idx.msk [tilespmem:v22+s2+$0x0], $0xffff  }
0x529: {  	[tilespmem:s15+$0xFFFFFF70] =	vst v9;
	v9 =	vadd.f32 v16, v8;
	v16 =	vld.idx.msk [tilespmem:v23+s2+$0x0], $0xffff  }
0x52a: {  	v15 =	vadd.f32 v15, v8;
	[tilespmem:s15+$0xFFFFFF00] =	vst v17;
	v17 =	vld.idx.msk [tilespmem:v24+s2+$0x0], $0xffff  }
0x52b: {  	[tilespmem:s15+$0xFFFFFF80] =	vst v9;
	v9 =	vadd.f32 v13, v8;
	v10 =	vld.idx.msk [tilespmem:v10+s2+$0x0], $0xffff  }
0x52c: {  	v13 =	vadd.f32 v14, v8;
	[tilespmem:s15+$0xFFFFFF90] =	vst v15;
	v14 =	vld.idx.msk [tilespmem:v25+s2+$0x0], $0xffff  }
0x52d: {  	[tilespmem:s15+$0xFFFFFFA0] =	vst v9;
	v9 =	vadd.f32 v11, v8;
	v11 =	vld.idx.msk [tilespmem:v26+s2+$0x0], $0xffff  }
0x52e: {  	v12 =	vadd.f32 v12, v8;
	[tilespmem:s15+$0xFFFFFFB0] =	vst v13;
	v13 =	vld.idx.msk [tilespmem:v27+s2+$0x0], $0xffff  }
0x52f: {  	[tilespmem:s15+$0xFFFFFFC0] =	vst v9;
	v9 =	vadd.f32 v16, v8;
	v15 =	vld.idx.msk [tilespmem:v28+s2+$0x0], $0xffff  }
0x530: {  	[tilespmem:s15+$0xFFFFFFD0] =	vst v12;
	v12 =	vadd.f32 v17, v8;
	v16 =	vld.idx.msk [tilespmem:v29+s2+$0x0], $0xffff  }
0x531: {  	[tilespmem:s15+$0xFFFFFFE0] =	vst v9;
	v9 =	vadd.f32 v10, v8;
	v17 =	vld.idx.msk [tilespmem:v30+s2+$0x0], $0xffff  }
0x532: {  	v10 =	vadd.f32 v14, v8;
	[tilespmem:s15+$0xFFFFFFF0] =	vst v12;
	v14 =	vld.idx.msk [tilespmem:v31+s2+$0x0], $0xffff  }
0x533: {  	v11 =	vadd.f32 v11, v8;
	[tilespmem:s15+$0x0] =	vst v9;
	v18 =	vld.idx.msk [tilespmem:v32+s2+$0x0], $0xffff  }
0x534: {  	v12 =	vadd.f32 v13, v8;
	[tilespmem:s15+$0x10] =	vst v10;
	v9 =	vld.idx.msk [tilespmem:v33+s2+$0x0], $0xffff  }
.Ltmp9:
0x535: {  	v13 =	vadd.f32 v15, v8;
	[tilespmem:s15+$0x20] =	vst v11;
	v10 =	vld.idx.msk [tilespmem:v34+s2+$0x0], $0xffff;
	(pc) =	sbr.rel @p0 .LBB2_20-.Ltmp9, $4  }
0x536: {  	v15 =	vadd.f32 v16, v8;
	[tilespmem:s15+$0x30] =	vst v12;
	v11 =	vld.idx.msk [tilespmem:v35+s2+$0x0], $0xffff  }
0x537: {  	v17 =	vadd.f32 v17, v8;
	[tilespmem:s15+$0x40] =	vst v13;
	v12 =	vld.idx.msk [tilespmem:v36+s2+$0x0], $0xffff  }
0x538: {  	v16 =	vadd.f32 v14, v8;
	[tilespmem:s15+$0x50] =	vst v15;
	v13 =	vld.idx.msk [tilespmem:v37+s2+$0x0], $0xffff  }
0x539: {  	s17 =	sadd.s32 $0x200, s17;
	v15 =	vadd.f32 v18, v8;
	[tilespmem:s15+$0x60] =	vst v17;
	v14 =	vld.idx.msk [tilespmem:v38+s2+$0x0], $0xffff  }
0x53a: {  	[tilespmem:s15+$0x70] =	vst v16;
	v9 =	vadd.f32 v9, v8  }
0x53b: {  	v10 =	vadd.f32 v10, v8;
	[tilespmem:s15+$0x80] =	vst v15  }
0x53c: {  	[tilespmem:s15+$0x90] =	vst v9;
	v9 =	vadd.f32 v11, v8  }
0x53d: {  	[tilespmem:s15+$0xA0] =	vst v10;
	v10 =	vadd.f32 v12, v8  }
0x53e: {  	[tilespmem:s15+$0xB0] =	vst v9;
	v9 =	vadd.f32 v13, v8  }
0x53f: {  	[tilespmem:s15+$0xC0] =	vst v10;
	v8 =	vadd.f32 v14, v8  }
0x540: {  	[tilespmem:s15+$0xD0] =	vst v9  }
0x541: {  	[tilespmem:s15+$0xE0] =	vst v8  }
0x542: {  	s15 =	rddreg [dreg:$0x10]  }
0x543: {  	[hbm4b:s15+s2] =	stream.linear.scatter [tilespmem:s8], [sflag:$0x6], $0x1000, $0x38;
	[tilespmem:$0x1FFA0] =	vst v63  }
0x544: {  	_ =	swait.ge [sflag:s31], $0x1000  }
0x545: {  	[sflag:s31] =	ssyncset.done $0x0  }
0x546: {  	[sflag:s31] =	ssyncadd.s32 $0xFFFFF000  }
0x547: {  	v8 =	vld.idx.msk [tilespmem:v6+s26+$0x0], $0xffff;
	_ =	swait.ge [sflag:s9], $0x1000  }
0x548: {  	[sflag:s9] =	ssyncset.done $0x0  }
0x549: {  	s21 =	simm.s32 $0x187A0;
	[sflag:s9] =	ssyncadd.s32 $0xFFFFF000  }
0x54a: {  	v9 =	vld [tilespmem:s21+$0xF0]  }
0x54b: {  	v10 =	vld [tilespmem:s21+$0xFFFFFF10]  }
0x54c: {  	v11 =	vld [tilespmem:s21+$0xFFFFFF20]  }
0x54d: {  	v12 =	vld [tilespmem:s21+$0xFFFFFF30]  }
0x54e: {  	v13 =	vld [tilespmem:s21+$0xFFFFFF40]  }
0x54f: {  	v14 =	vld [tilespmem:s21+$0xFFFFFF50]  }
0x550: {  	v15 =	vld [tilespmem:s21+$0xFFFFFF60]  }
0x551: {  	v16 =	vld [tilespmem:s21+$0xFFFFFF70]  }
0x552: {  	v17 =	vld [tilespmem:s21+$0xFFFFFF80]  }
0x553: {  	v18 =	vld [tilespmem:s21+$0xFFFFFF90]  }
0x554: {  	v19 =	vld [tilespmem:s21+$0xFFFFFFA0]  }
0x555: {  	v20 =	vld [tilespmem:s21+$0xFFFFFFB0]  }
0x556: {  	v21 =	vld [tilespmem:s21+$0xFFFFFFC0]  }
0x557: {  	v22 =	vld [tilespmem:s21+$0xFFFFFFD0]  }
0x558: {  	v23 =	vld [tilespmem:s21+$0xFFFFFFE0]  }
0x559: {  	v24 =	vld [tilespmem:s21+$0xFFFFFFF0]  }
0x55a: {  	v25 =	vld [tilespmem:s21+$0x0]  }
0x55b: {  	v26 =	vld [tilespmem:s21+$0x10]  }
0x55c: {  	v27 =	vld [tilespmem:s21+$0x20]  }
0x55d: {  	v28 =	vld [tilespmem:s21+$0x30]  }
0x55e: {  	v29 =	vld [tilespmem:s21+$0x40]  }
0x55f: {  	v30 =	vld [tilespmem:s21+$0x50]  }
0x560: {  	v31 =	vld [tilespmem:s21+$0x60]  }
0x561: {  	v32 =	vld [tilespmem:s21+$0x70]  }
0x562: {  	v33 =	vld [tilespmem:s21+$0x80]  }
0x563: {  	v34 =	vld [tilespmem:s21+$0x90]  }
0x564: {  	v35 =	vld [tilespmem:s21+$0xA0]  }
0x565: {  	v36 =	vld [tilespmem:s21+$0xB0]  }
0x566: {  	v37 =	vld [tilespmem:s21+$0xC0]  }
0x567: {  	v38 =	vld [tilespmem:s21+$0xD0]  }
0x568: {  	v39 =	vld [tilespmem:s21+$0xE0]  }
0x569: {  	v40 =	vld [tilespmem:s21+$0xFFFFFF00]  }
0x56a: {  	v9 =	vld.idx.msk [tilespmem:v9+s2+$0x0], $0xffff  }
0x56b: {  	v10 =	vld.idx.msk [tilespmem:v10+s2+$0x0], $0xffff  }
0x56c: {  	v11 =	vld.idx.msk [tilespmem:v11+s2+$0x0], $0xffff  }
0x56d: {  	v12 =	vld.idx.msk [tilespmem:v12+s2+$0x0], $0xffff  }
0x56e: {  	v13 =	vld.idx.msk [tilespmem:v13+s2+$0x0], $0xffff  }
0x56f: {  	v14 =	vld.idx.msk [tilespmem:v14+s2+$0x0], $0xffff  }
0x570: {  	v15 =	vld.idx.msk [tilespmem:v15+s2+$0x0], $0xffff;
	v9 =	vadd.f32 v9, v8  }
0x571: {  	s15 =	simm.s32 $0x1B7A0;
	v16 =	vld.idx.msk [tilespmem:v16+s2+$0x0], $0xffff;
	v10 =	vadd.f32 v10, v8  }
0x572: {  	v11 =	vadd.f32 v11, v8;
	[tilespmem:s15+$0xF0] =	vst v9;
	v9 =	vld.idx.msk [tilespmem:v40+s2+$0x0], $0xffff  }
0x573: {  	[tilespmem:s15+$0xFFFFFF10] =	vst v10;
	v10 =	vadd.f32 v12, v8;
	v12 =	vld.idx.msk [tilespmem:v17+s2+$0x0], $0xffff  }
0x574: {  	[tilespmem:s15+$0xFFFFFF20] =	vst v11;
	v11 =	vadd.f32 v13, v8;
	v13 =	vld.idx.msk [tilespmem:v18+s2+$0x0], $0xffff  }
0x575: {  	v17 =	vld.idx.msk [tilespmem:v33+s2+$0x0], $0xffff;
	[tilespmem:s15+$0xFFFFFF30] =	vst v10;
	v10 =	vadd.f32 v14, v8  }
0x576: {  	v14 =	vld.idx.msk [tilespmem:v19+s2+$0x0], $0xffff;
	[tilespmem:s15+$0xFFFFFF40] =	vst v11;
	v11 =	vadd.f32 v15, v8  }
0x577: {  	v15 =	vld.idx.msk [tilespmem:v20+s2+$0x0], $0xffff;
	[tilespmem:s15+$0xFFFFFF50] =	vst v10;
	v10 =	vadd.f32 v16, v8  }
0x578: {  	v16 =	vld.idx.msk [tilespmem:v21+s2+$0x0], $0xffff;
	[tilespmem:s15+$0xFFFFFF60] =	vst v11;
	v9 =	vadd.f32 v9, v8  }
0x579: {  	v11 =	vld.idx.msk [tilespmem:v22+s2+$0x0], $0xffff;
	[tilespmem:s15+$0xFFFFFF70] =	vst v10;
	v10 =	vadd.f32 v12, v8  }
0x57a: {  	v12 =	vld.idx.msk [tilespmem:v23+s2+$0x0], $0xffff;
	[tilespmem:s15+$0xFFFFFF00] =	vst v9;
	v9 =	vadd.f32 v13, v8  }
0x57b: {  	v13 =	vld.idx.msk [tilespmem:v24+s2+$0x0], $0xffff;
	[tilespmem:s15+$0xFFFFFF80] =	vst v10;
	v10 =	vadd.f32 v14, v8  }
0x57c: {  	v14 =	vld.idx.msk [tilespmem:v25+s2+$0x0], $0xffff;
	[tilespmem:s15+$0xFFFFFF90] =	vst v9;
	v9 =	vadd.f32 v15, v8  }
0x57d: {  	v15 =	vld.idx.msk [tilespmem:v26+s2+$0x0], $0xffff;
	[tilespmem:s15+$0xFFFFFFA0] =	vst v10;
	v10 =	vadd.f32 v16, v8  }
0x57e: {  	v16 =	vld.idx.msk [tilespmem:v27+s2+$0x0], $0xffff;
	[tilespmem:s15+$0xFFFFFFB0] =	vst v9;
	v9 =	vadd.f32 v11, v8  }
0x57f: {  	v11 =	vld.idx.msk [tilespmem:v28+s2+$0x0], $0xffff;
	[tilespmem:s15+$0xFFFFFFC0] =	vst v10;
	v10 =	vadd.f32 v12, v8  }
0x580: {  	v12 =	vld.idx.msk [tilespmem:v29+s2+$0x0], $0xffff;
	[tilespmem:s15+$0xFFFFFFD0] =	vst v9;
	v9 =	vadd.f32 v13, v8  }
0x581: {  	v13 =	vld.idx.msk [tilespmem:v30+s2+$0x0], $0xffff;
	[tilespmem:s15+$0xFFFFFFE0] =	vst v10;
	v10 =	vadd.f32 v14, v8  }
0x582: {  	v14 =	vld.idx.msk [tilespmem:v31+s2+$0x0], $0xffff;
	[tilespmem:s15+$0xFFFFFFF0] =	vst v9;
	v9 =	vadd.f32 v15, v8  }
0x583: {  	v15 =	vld.idx.msk [tilespmem:v32+s2+$0x0], $0xffff;
	[tilespmem:s15+$0x0] =	vst v10;
	v10 =	vadd.f32 v16, v8  }
0x584: {  	v11 =	vadd.f32 v11, v8;
	[tilespmem:s15+$0x10] =	vst v9;
	v9 =	vld.idx.msk [tilespmem:v34+s2+$0x0], $0xffff  }
0x585: {  	v12 =	vadd.f32 v12, v8;
	[tilespmem:s15+$0x20] =	vst v10;
	v10 =	vld.idx.msk [tilespmem:v35+s2+$0x0], $0xffff  }
0x586: {  	[tilespmem:s15+$0x30] =	vst v11;
	v13 =	vadd.f32 v13, v8;
	v11 =	vld.idx.msk [tilespmem:v36+s2+$0x0], $0xffff  }
0x587: {  	[tilespmem:s15+$0x40] =	vst v12;
	v14 =	vadd.f32 v14, v8;
	v12 =	vld.idx.msk [tilespmem:v37+s2+$0x0], $0xffff  }
0x588: {  	[tilespmem:s15+$0x50] =	vst v13;
	v13 =	vld.idx.msk [tilespmem:v38+s2+$0x0], $0xffff;
	v16 =	vadd.f32 v15, v8  }
0x589: {  	s16 =	simm.s32 $0x0;
	s17 =	simm.s32 $0x189A0;
	v15 =	vadd.f32 v17, v8;
	[tilespmem:s15+$0x60] =	vst v14;
	v14 =	vld.idx.msk [tilespmem:v39+s2+$0x0], $0xffff  }
.LBB2_22:
0x58a: {  	v17 =	vld [tilespmem:s17+$0xF0];
	s16 =	sadd.s32 $0x20, s16;
	[tilespmem:s15+$0x70] =	vst v16;
	v9 =	vadd.f32 v9, v8  }
0x58b: {  	v10 =	vadd.f32 v10, v8;
	v16 =	vld [tilespmem:s17+$0xFFFFFF10];
	p0 =	slt.u32 s16, $0xE0;
	[tilespmem:s15+$0x80] =	vst v15  }
0x58c: {  	v15 =	vld [tilespmem:s17+$0xFFFFFF20];
	[tilespmem:s15+$0x90] =	vst v9;
	v9 =	vadd.f32 v11, v8  }
0x58d: {  	v11 =	vld [tilespmem:s17+$0xFFFFFF30];
	[tilespmem:s15+$0xA0] =	vst v10;
	v10 =	vadd.f32 v12, v8  }
0x58e: {  	v12 =	vld [tilespmem:s17+$0xFFFFFF40];
	[tilespmem:s15+$0xB0] =	vst v9;
	v9 =	vadd.f32 v13, v8  }
0x58f: {  	v13 =	vld [tilespmem:s17+$0xFFFFFF50];
	[tilespmem:s15+$0xC0] =	vst v10;
	v10 =	vadd.f32 v14, v8  }
0x590: {  	v14 =	vld [tilespmem:s17+$0xFFFFFF60];
	[tilespmem:s15+$0xD0] =	vst v9  }
0x591: {  	v9 =	vld [tilespmem:s17+$0xFFFFFF70];
	[tilespmem:s15+$0xE0] =	vst v10  }
0x592: {  	v10 =	vld.idx.msk [tilespmem:v17+s2+$0x0], $0xffff  }
0x593: {  	v17 =	vld [tilespmem:s17+$0xFFFFFF80]  }
0x594: {  	v18 =	vld [tilespmem:s17+$0xFFFFFF90]  }
0x595: {  	v19 =	vld [tilespmem:s17+$0xFFFFFFA0]  }
0x596: {  	v20 =	vld [tilespmem:s17+$0xFFFFFFB0]  }
0x597: {  	v21 =	vld [tilespmem:s17+$0xFFFFFFC0]  }
0x598: {  	v10 =	vadd.f32 v10, v8;
	v22 =	vld [tilespmem:s17+$0xFFFFFFD0]  }
0x599: {  	s15 =	sadd.s32 $0x200, s15;
	v23 =	vld [tilespmem:s17+$0xFFFFFFE0]  }
0x59a: {  	v24 =	vld [tilespmem:s17+$0xFFFFFFF0];
	[tilespmem:s15+$0xF0] =	vst v10  }
0x59b: {  	v10 =	vld [tilespmem:s17+$0x0]  }
0x59c: {  	v25 =	vld [tilespmem:s17+$0x10]  }
0x59d: {  	v26 =	vld [tilespmem:s17+$0x20]  }
0x59e: {  	v27 =	vld [tilespmem:s17+$0x30]  }
0x59f: {  	v28 =	vld [tilespmem:s17+$0x40]  }
0x5a0: {  	v29 =	vld [tilespmem:s17+$0x50]  }
0x5a1: {  	v30 =	vld [tilespmem:s17+$0x60]  }
0x5a2: {  	v31 =	vld [tilespmem:s17+$0x70]  }
0x5a3: {  	v32 =	vld [tilespmem:s17+$0x80]  }
0x5a4: {  	v33 =	vld [tilespmem:s17+$0x90]  }
0x5a5: {  	v34 =	vld [tilespmem:s17+$0xA0]  }
0x5a6: {  	v35 =	vld [tilespmem:s17+$0xB0]  }
0x5a7: {  	v36 =	vld [tilespmem:s17+$0xC0]  }
0x5a8: {  	v37 =	vld [tilespmem:s17+$0xD0]  }
0x5a9: {  	v38 =	vld [tilespmem:s17+$0xE0]  }
0x5aa: {  	v39 =	vld [tilespmem:s17+$0xFFFFFF00]  }
0x5ab: {  	v16 =	vld.idx.msk [tilespmem:v16+s2+$0x0], $0xffff  }
0x5ac: {  	v15 =	vld.idx.msk [tilespmem:v15+s2+$0x0], $0xffff  }
0x5ad: {  	v11 =	vld.idx.msk [tilespmem:v11+s2+$0x0], $0xffff  }
0x5ae: {  	v12 =	vld.idx.msk [tilespmem:v12+s2+$0x0], $0xffff  }
0x5af: {  	v13 =	vld.idx.msk [tilespmem:v13+s2+$0x0], $0xffff  }
0x5b0: {  	v14 =	vld.idx.msk [tilespmem:v14+s2+$0x0], $0xffff  }
0x5b1: {  	v16 =	vadd.f32 v16, v8;
	v9 =	vld.idx.msk [tilespmem:v9+s2+$0x0], $0xffff  }
0x5b2: {  	v15 =	vadd.f32 v15, v8;
	v39 =	vld.idx.msk [tilespmem:v39+s2+$0x0], $0xffff  }
0x5b3: {  	v11 =	vadd.f32 v11, v8;
	[tilespmem:s15+$0xFFFFFF10] =	vst v16;
	v16 =	vld.idx.msk [tilespmem:v17+s2+$0x0], $0xffff  }
0x5b4: {  	v12 =	vadd.f32 v12, v8;
	[tilespmem:s15+$0xFFFFFF20] =	vst v15;
	v15 =	vld.idx.msk [tilespmem:v18+s2+$0x0], $0xffff  }
0x5b5: {  	[tilespmem:s15+$0xFFFFFF30] =	vst v11;
	v11 =	vadd.f32 v13, v8;
	v13 =	vld.idx.msk [tilespmem:v19+s2+$0x0], $0xffff  }
0x5b6: {  	[tilespmem:s15+$0xFFFFFF40] =	vst v12;
	v12 =	vadd.f32 v14, v8;
	v14 =	vld.idx.msk [tilespmem:v20+s2+$0x0], $0xffff  }
0x5b7: {  	v9 =	vadd.f32 v9, v8;
	[tilespmem:s15+$0xFFFFFF50] =	vst v11;
	v11 =	vld.idx.msk [tilespmem:v21+s2+$0x0], $0xffff  }
0x5b8: {  	v17 =	vadd.f32 v39, v8;
	[tilespmem:s15+$0xFFFFFF60] =	vst v12;
	v12 =	vld.idx.msk [tilespmem:v22+s2+$0x0], $0xffff  }
0x5b9: {  	[tilespmem:s15+$0xFFFFFF70] =	vst v9;
	v9 =	vadd.f32 v16, v8;
	v16 =	vld.idx.msk [tilespmem:v23+s2+$0x0], $0xffff  }
0x5ba: {  	v15 =	vadd.f32 v15, v8;
	[tilespmem:s15+$0xFFFFFF00] =	vst v17;
	v17 =	vld.idx.msk [tilespmem:v24+s2+$0x0], $0xffff  }
0x5bb: {  	[tilespmem:s15+$0xFFFFFF80] =	vst v9;
	v9 =	vadd.f32 v13, v8;
	v10 =	vld.idx.msk [tilespmem:v10+s2+$0x0], $0xffff  }
0x5bc: {  	v13 =	vadd.f32 v14, v8;
	[tilespmem:s15+$0xFFFFFF90] =	vst v15;
	v14 =	vld.idx.msk [tilespmem:v25+s2+$0x0], $0xffff  }
0x5bd: {  	[tilespmem:s15+$0xFFFFFFA0] =	vst v9;
	v9 =	vadd.f32 v11, v8;
	v11 =	vld.idx.msk [tilespmem:v26+s2+$0x0], $0xffff  }
0x5be: {  	v12 =	vadd.f32 v12, v8;
	[tilespmem:s15+$0xFFFFFFB0] =	vst v13;
	v13 =	vld.idx.msk [tilespmem:v27+s2+$0x0], $0xffff  }
0x5bf: {  	[tilespmem:s15+$0xFFFFFFC0] =	vst v9;
	v9 =	vadd.f32 v16, v8;
	v15 =	vld.idx.msk [tilespmem:v28+s2+$0x0], $0xffff  }
0x5c0: {  	[tilespmem:s15+$0xFFFFFFD0] =	vst v12;
	v12 =	vadd.f32 v17, v8;
	v16 =	vld.idx.msk [tilespmem:v29+s2+$0x0], $0xffff  }
0x5c1: {  	[tilespmem:s15+$0xFFFFFFE0] =	vst v9;
	v9 =	vadd.f32 v10, v8;
	v17 =	vld.idx.msk [tilespmem:v30+s2+$0x0], $0xffff  }
0x5c2: {  	v10 =	vadd.f32 v14, v8;
	[tilespmem:s15+$0xFFFFFFF0] =	vst v12;
	v14 =	vld.idx.msk [tilespmem:v31+s2+$0x0], $0xffff  }
0x5c3: {  	v11 =	vadd.f32 v11, v8;
	[tilespmem:s15+$0x0] =	vst v9;
	v18 =	vld.idx.msk [tilespmem:v32+s2+$0x0], $0xffff  }
0x5c4: {  	v12 =	vadd.f32 v13, v8;
	[tilespmem:s15+$0x10] =	vst v10;
	v9 =	vld.idx.msk [tilespmem:v33+s2+$0x0], $0xffff  }
.Ltmp10:
0x5c5: {  	v13 =	vadd.f32 v15, v8;
	[tilespmem:s15+$0x20] =	vst v11;
	v10 =	vld.idx.msk [tilespmem:v34+s2+$0x0], $0xffff;
	(pc) =	sbr.rel @p0 .LBB2_22-.Ltmp10, $4  }
0x5c6: {  	v15 =	vadd.f32 v16, v8;
	[tilespmem:s15+$0x30] =	vst v12;
	v11 =	vld.idx.msk [tilespmem:v35+s2+$0x0], $0xffff  }
0x5c7: {  	v17 =	vadd.f32 v17, v8;
	[tilespmem:s15+$0x40] =	vst v13;
	v12 =	vld.idx.msk [tilespmem:v36+s2+$0x0], $0xffff  }
0x5c8: {  	v16 =	vadd.f32 v14, v8;
	[tilespmem:s15+$0x50] =	vst v15;
	v13 =	vld.idx.msk [tilespmem:v37+s2+$0x0], $0xffff  }
0x5c9: {  	s17 =	sadd.s32 $0x200, s17;
	v15 =	vadd.f32 v18, v8;
	[tilespmem:s15+$0x60] =	vst v17;
	v14 =	vld.idx.msk [tilespmem:v38+s2+$0x0], $0xffff  }
0x5ca: {  	[tilespmem:s15+$0x70] =	vst v16;
	v9 =	vadd.f32 v9, v8  }
0x5cb: {  	v10 =	vadd.f32 v10, v8;
	[tilespmem:s15+$0x80] =	vst v15  }
0x5cc: {  	[tilespmem:s15+$0x90] =	vst v9;
	v9 =	vadd.f32 v11, v8  }
0x5cd: {  	[tilespmem:s15+$0xA0] =	vst v10;
	v10 =	vadd.f32 v12, v8  }
0x5ce: {  	[tilespmem:s15+$0xB0] =	vst v9;
	v9 =	vadd.f32 v13, v8  }
0x5cf: {  	[tilespmem:s15+$0xC0] =	vst v10;
	v8 =	vadd.f32 v14, v8  }
0x5d0: {  	[tilespmem:s15+$0xD0] =	vst v9  }
0x5d1: {  	[tilespmem:s15+$0xE0] =	vst v8  }
0x5d2: {  	[hbm4b:s22+s2] =	stream.linear.scatter [tilespmem:s0], [sflag:$0x4], $0x1000, $0x38;
	[tilespmem:$0x1FFA0] =	vst v63  }
0x5d3: {  	_ =	swait.ge [sflag:s1], $0x1000  }
0x5d4: {  	[sflag:s1] =	ssyncset.done $0x0  }
0x5d5: {  	[sflag:s1] =	ssyncadd.s32 $0xFFFFF000  }
0x5d6: {  	v8 =	vld.idx.msk [tilespmem:v7+s26+$0x0], $0xffff;
	_ =	swait.ge [sflag:s12], $0x1000  }
0x5d7: {  	[sflag:s12] =	ssyncset.done $0x0  }
0x5d8: {  	s21 =	simm.s32 $0x197A0;
	[sflag:s12] =	ssyncadd.s32 $0xFFFFF000  }
0x5d9: {  	v9 =	vld [tilespmem:s21+$0xF0]  }
0x5da: {  	v10 =	vld [tilespmem:s21+$0xFFFFFF10]  }
0x5db: {  	v11 =	vld [tilespmem:s21+$0xFFFFFF20]  }
0x5dc: {  	v12 =	vld [tilespmem:s21+$0xFFFFFF30]  }
0x5dd: {  	v13 =	vld [tilespmem:s21+$0xFFFFFF40]  }
0x5de: {  	v14 =	vld [tilespmem:s21+$0xFFFFFF50]  }
0x5df: {  	v15 =	vld [tilespmem:s21+$0xFFFFFF60]  }
0x5e0: {  	v16 =	vld [tilespmem:s21+$0xFFFFFF70]  }
0x5e1: {  	v17 =	vld [tilespmem:s21+$0xFFFFFF80]  }
0x5e2: {  	v18 =	vld [tilespmem:s21+$0xFFFFFF90]  }
0x5e3: {  	v19 =	vld [tilespmem:s21+$0xFFFFFFA0]  }
0x5e4: {  	v20 =	vld [tilespmem:s21+$0xFFFFFFB0]  }
0x5e5: {  	v21 =	vld [tilespmem:s21+$0xFFFFFFC0]  }
0x5e6: {  	v22 =	vld [tilespmem:s21+$0xFFFFFFD0]  }
0x5e7: {  	v23 =	vld [tilespmem:s21+$0xFFFFFFE0]  }
0x5e8: {  	v24 =	vld [tilespmem:s21+$0xFFFFFFF0]  }
0x5e9: {  	v25 =	vld [tilespmem:s21+$0x0]  }
0x5ea: {  	v26 =	vld [tilespmem:s21+$0x10]  }
0x5eb: {  	v27 =	vld [tilespmem:s21+$0x20]  }
0x5ec: {  	v28 =	vld [tilespmem:s21+$0x30]  }
0x5ed: {  	v29 =	vld [tilespmem:s21+$0x40]  }
0x5ee: {  	v30 =	vld [tilespmem:s21+$0x50]  }
0x5ef: {  	v31 =	vld [tilespmem:s21+$0x60]  }
0x5f0: {  	v32 =	vld [tilespmem:s21+$0x70]  }
0x5f1: {  	v33 =	vld [tilespmem:s21+$0x80]  }
0x5f2: {  	v34 =	vld [tilespmem:s21+$0x90]  }
0x5f3: {  	v35 =	vld [tilespmem:s21+$0xA0]  }
0x5f4: {  	v36 =	vld [tilespmem:s21+$0xB0]  }
0x5f5: {  	v37 =	vld [tilespmem:s21+$0xC0]  }
0x5f6: {  	v38 =	vld [tilespmem:s21+$0xD0]  }
0x5f7: {  	v39 =	vld [tilespmem:s21+$0xE0]  }
0x5f8: {  	v40 =	vld [tilespmem:s21+$0xFFFFFF00]  }
0x5f9: {  	v9 =	vld.idx.msk [tilespmem:v9+s2+$0x0], $0xffff  }
0x5fa: {  	v10 =	vld.idx.msk [tilespmem:v10+s2+$0x0], $0xffff  }
0x5fb: {  	v11 =	vld.idx.msk [tilespmem:v11+s2+$0x0], $0xffff  }
0x5fc: {  	v12 =	vld.idx.msk [tilespmem:v12+s2+$0x0], $0xffff  }
0x5fd: {  	v13 =	vld.idx.msk [tilespmem:v13+s2+$0x0], $0xffff  }
0x5fe: {  	v14 =	vld.idx.msk [tilespmem:v14+s2+$0x0], $0xffff  }
0x5ff: {  	v15 =	vld.idx.msk [tilespmem:v15+s2+$0x0], $0xffff;
	v9 =	vadd.f32 v9, v8  }
0x600: {  	s15 =	simm.s32 $0x1C7A0;
	v16 =	vld.idx.msk [tilespmem:v16+s2+$0x0], $0xffff;
	v10 =	vadd.f32 v10, v8  }
0x601: {  	v11 =	vadd.f32 v11, v8;
	[tilespmem:s15+$0xF0] =	vst v9;
	v9 =	vld.idx.msk [tilespmem:v40+s2+$0x0], $0xffff  }
0x602: {  	[tilespmem:s15+$0xFFFFFF10] =	vst v10;
	v10 =	vadd.f32 v12, v8;
	v12 =	vld.idx.msk [tilespmem:v17+s2+$0x0], $0xffff  }
0x603: {  	[tilespmem:s15+$0xFFFFFF20] =	vst v11;
	v11 =	vadd.f32 v13, v8;
	v13 =	vld.idx.msk [tilespmem:v18+s2+$0x0], $0xffff  }
0x604: {  	v17 =	vld.idx.msk [tilespmem:v33+s2+$0x0], $0xffff;
	[tilespmem:s15+$0xFFFFFF30] =	vst v10;
	v10 =	vadd.f32 v14, v8  }
0x605: {  	v14 =	vld.idx.msk [tilespmem:v19+s2+$0x0], $0xffff;
	[tilespmem:s15+$0xFFFFFF40] =	vst v11;
	v11 =	vadd.f32 v15, v8  }
0x606: {  	v15 =	vld.idx.msk [tilespmem:v20+s2+$0x0], $0xffff;
	[tilespmem:s15+$0xFFFFFF50] =	vst v10;
	v10 =	vadd.f32 v16, v8  }
0x607: {  	v16 =	vld.idx.msk [tilespmem:v21+s2+$0x0], $0xffff;
	[tilespmem:s15+$0xFFFFFF60] =	vst v11;
	v9 =	vadd.f32 v9, v8  }
0x608: {  	v11 =	vld.idx.msk [tilespmem:v22+s2+$0x0], $0xffff;
	[tilespmem:s15+$0xFFFFFF70] =	vst v10;
	v10 =	vadd.f32 v12, v8  }
0x609: {  	v12 =	vld.idx.msk [tilespmem:v23+s2+$0x0], $0xffff;
	[tilespmem:s15+$0xFFFFFF00] =	vst v9;
	v9 =	vadd.f32 v13, v8  }
0x60a: {  	v13 =	vld.idx.msk [tilespmem:v24+s2+$0x0], $0xffff;
	[tilespmem:s15+$0xFFFFFF80] =	vst v10;
	v10 =	vadd.f32 v14, v8  }
0x60b: {  	v14 =	vld.idx.msk [tilespmem:v25+s2+$0x0], $0xffff;
	[tilespmem:s15+$0xFFFFFF90] =	vst v9;
	v9 =	vadd.f32 v15, v8  }
0x60c: {  	v15 =	vld.idx.msk [tilespmem:v26+s2+$0x0], $0xffff;
	[tilespmem:s15+$0xFFFFFFA0] =	vst v10;
	v10 =	vadd.f32 v16, v8  }
0x60d: {  	v16 =	vld.idx.msk [tilespmem:v27+s2+$0x0], $0xffff;
	[tilespmem:s15+$0xFFFFFFB0] =	vst v9;
	v9 =	vadd.f32 v11, v8  }
0x60e: {  	v11 =	vld.idx.msk [tilespmem:v28+s2+$0x0], $0xffff;
	[tilespmem:s15+$0xFFFFFFC0] =	vst v10;
	v10 =	vadd.f32 v12, v8  }
0x60f: {  	v12 =	vld.idx.msk [tilespmem:v29+s2+$0x0], $0xffff;
	[tilespmem:s15+$0xFFFFFFD0] =	vst v9;
	v9 =	vadd.f32 v13, v8  }
0x610: {  	v13 =	vld.idx.msk [tilespmem:v30+s2+$0x0], $0xffff;
	[tilespmem:s15+$0xFFFFFFE0] =	vst v10;
	v10 =	vadd.f32 v14, v8  }
0x611: {  	v14 =	vld.idx.msk [tilespmem:v31+s2+$0x0], $0xffff;
	[tilespmem:s15+$0xFFFFFFF0] =	vst v9;
	v9 =	vadd.f32 v15, v8  }
0x612: {  	v15 =	vld.idx.msk [tilespmem:v32+s2+$0x0], $0xffff;
	[tilespmem:s15+$0x0] =	vst v10;
	v10 =	vadd.f32 v16, v8  }
0x613: {  	v11 =	vadd.f32 v11, v8;
	[tilespmem:s15+$0x10] =	vst v9;
	v9 =	vld.idx.msk [tilespmem:v34+s2+$0x0], $0xffff  }
0x614: {  	v12 =	vadd.f32 v12, v8;
	[tilespmem:s15+$0x20] =	vst v10;
	v10 =	vld.idx.msk [tilespmem:v35+s2+$0x0], $0xffff  }
0x615: {  	[tilespmem:s15+$0x30] =	vst v11;
	v13 =	vadd.f32 v13, v8;
	v11 =	vld.idx.msk [tilespmem:v36+s2+$0x0], $0xffff  }
0x616: {  	[tilespmem:s15+$0x40] =	vst v12;
	v14 =	vadd.f32 v14, v8;
	v12 =	vld.idx.msk [tilespmem:v37+s2+$0x0], $0xffff  }
0x617: {  	[tilespmem:s15+$0x50] =	vst v13;
	v13 =	vld.idx.msk [tilespmem:v38+s2+$0x0], $0xffff;
	v16 =	vadd.f32 v15, v8  }
0x618: {  	s16 =	simm.s32 $0x0;
	s17 =	simm.s32 $0x199A0;
	v15 =	vadd.f32 v17, v8;
	[tilespmem:s15+$0x60] =	vst v14;
	v14 =	vld.idx.msk [tilespmem:v39+s2+$0x0], $0xffff  }
.LBB2_24:
0x619: {  	v17 =	vld [tilespmem:s17+$0xF0];
	s16 =	sadd.s32 $0x20, s16;
	[tilespmem:s15+$0x70] =	vst v16;
	v9 =	vadd.f32 v9, v8  }
0x61a: {  	v10 =	vadd.f32 v10, v8;
	v16 =	vld [tilespmem:s17+$0xFFFFFF10];
	p0 =	slt.u32 s16, $0xE0;
	[tilespmem:s15+$0x80] =	vst v15  }
0x61b: {  	v15 =	vld [tilespmem:s17+$0xFFFFFF20];
	[tilespmem:s15+$0x90] =	vst v9;
	v9 =	vadd.f32 v11, v8  }
0x61c: {  	v11 =	vld [tilespmem:s17+$0xFFFFFF30];
	[tilespmem:s15+$0xA0] =	vst v10;
	v10 =	vadd.f32 v12, v8  }
0x61d: {  	v12 =	vld [tilespmem:s17+$0xFFFFFF40];
	[tilespmem:s15+$0xB0] =	vst v9;
	v9 =	vadd.f32 v13, v8  }
0x61e: {  	v13 =	vld [tilespmem:s17+$0xFFFFFF50];
	[tilespmem:s15+$0xC0] =	vst v10;
	v10 =	vadd.f32 v14, v8  }
0x61f: {  	v14 =	vld [tilespmem:s17+$0xFFFFFF60];
	[tilespmem:s15+$0xD0] =	vst v9  }
0x620: {  	v9 =	vld [tilespmem:s17+$0xFFFFFF70];
	[tilespmem:s15+$0xE0] =	vst v10  }
0x621: {  	v10 =	vld.idx.msk [tilespmem:v17+s2+$0x0], $0xffff  }
0x622: {  	v17 =	vld [tilespmem:s17+$0xFFFFFF80]  }
0x623: {  	v18 =	vld [tilespmem:s17+$0xFFFFFF90]  }
0x624: {  	v19 =	vld [tilespmem:s17+$0xFFFFFFA0]  }
0x625: {  	v20 =	vld [tilespmem:s17+$0xFFFFFFB0]  }
0x626: {  	v21 =	vld [tilespmem:s17+$0xFFFFFFC0]  }
0x627: {  	v10 =	vadd.f32 v10, v8;
	v22 =	vld [tilespmem:s17+$0xFFFFFFD0]  }
0x628: {  	s15 =	sadd.s32 $0x200, s15;
	v23 =	vld [tilespmem:s17+$0xFFFFFFE0]  }
0x629: {  	v24 =	vld [tilespmem:s17+$0xFFFFFFF0];
	[tilespmem:s15+$0xF0] =	vst v10  }
0x62a: {  	v10 =	vld [tilespmem:s17+$0x0]  }
0x62b: {  	v25 =	vld [tilespmem:s17+$0x10]  }
0x62c: {  	v26 =	vld [tilespmem:s17+$0x20]  }
0x62d: {  	v27 =	vld [tilespmem:s17+$0x30]  }
0x62e: {  	v28 =	vld [tilespmem:s17+$0x40]  }
0x62f: {  	v29 =	vld [tilespmem:s17+$0x50]  }
0x630: {  	v30 =	vld [tilespmem:s17+$0x60]  }
0x631: {  	v31 =	vld [tilespmem:s17+$0x70]  }
0x632: {  	v32 =	vld [tilespmem:s17+$0x80]  }
0x633: {  	v33 =	vld [tilespmem:s17+$0x90]  }
0x634: {  	v34 =	vld [tilespmem:s17+$0xA0]  }
0x635: {  	v35 =	vld [tilespmem:s17+$0xB0]  }
0x636: {  	v36 =	vld [tilespmem:s17+$0xC0]  }
0x637: {  	v37 =	vld [tilespmem:s17+$0xD0]  }
0x638: {  	v38 =	vld [tilespmem:s17+$0xE0]  }
0x639: {  	v39 =	vld [tilespmem:s17+$0xFFFFFF00]  }
0x63a: {  	v16 =	vld.idx.msk [tilespmem:v16+s2+$0x0], $0xffff  }
0x63b: {  	v15 =	vld.idx.msk [tilespmem:v15+s2+$0x0], $0xffff  }
0x63c: {  	v11 =	vld.idx.msk [tilespmem:v11+s2+$0x0], $0xffff  }
0x63d: {  	v12 =	vld.idx.msk [tilespmem:v12+s2+$0x0], $0xffff  }
0x63e: {  	v13 =	vld.idx.msk [tilespmem:v13+s2+$0x0], $0xffff  }
0x63f: {  	v14 =	vld.idx.msk [tilespmem:v14+s2+$0x0], $0xffff  }
0x640: {  	v16 =	vadd.f32 v16, v8;
	v9 =	vld.idx.msk [tilespmem:v9+s2+$0x0], $0xffff  }
0x641: {  	v15 =	vadd.f32 v15, v8;
	v39 =	vld.idx.msk [tilespmem:v39+s2+$0x0], $0xffff  }
0x642: {  	v11 =	vadd.f32 v11, v8;
	[tilespmem:s15+$0xFFFFFF10] =	vst v16;
	v16 =	vld.idx.msk [tilespmem:v17+s2+$0x0], $0xffff  }
0x643: {  	v12 =	vadd.f32 v12, v8;
	[tilespmem:s15+$0xFFFFFF20] =	vst v15;
	v15 =	vld.idx.msk [tilespmem:v18+s2+$0x0], $0xffff  }
0x644: {  	[tilespmem:s15+$0xFFFFFF30] =	vst v11;
	v11 =	vadd.f32 v13, v8;
	v13 =	vld.idx.msk [tilespmem:v19+s2+$0x0], $0xffff  }
0x645: {  	[tilespmem:s15+$0xFFFFFF40] =	vst v12;
	v12 =	vadd.f32 v14, v8;
	v14 =	vld.idx.msk [tilespmem:v20+s2+$0x0], $0xffff  }
0x646: {  	v9 =	vadd.f32 v9, v8;
	[tilespmem:s15+$0xFFFFFF50] =	vst v11;
	v11 =	vld.idx.msk [tilespmem:v21+s2+$0x0], $0xffff  }
0x647: {  	v17 =	vadd.f32 v39, v8;
	[tilespmem:s15+$0xFFFFFF60] =	vst v12;
	v12 =	vld.idx.msk [tilespmem:v22+s2+$0x0], $0xffff  }
0x648: {  	[tilespmem:s15+$0xFFFFFF70] =	vst v9;
	v9 =	vadd.f32 v16, v8;
	v16 =	vld.idx.msk [tilespmem:v23+s2+$0x0], $0xffff  }
0x649: {  	v15 =	vadd.f32 v15, v8;
	[tilespmem:s15+$0xFFFFFF00] =	vst v17;
	v17 =	vld.idx.msk [tilespmem:v24+s2+$0x0], $0xffff  }
0x64a: {  	[tilespmem:s15+$0xFFFFFF80] =	vst v9;
	v9 =	vadd.f32 v13, v8;
	v10 =	vld.idx.msk [tilespmem:v10+s2+$0x0], $0xffff  }
0x64b: {  	v13 =	vadd.f32 v14, v8;
	[tilespmem:s15+$0xFFFFFF90] =	vst v15;
	v14 =	vld.idx.msk [tilespmem:v25+s2+$0x0], $0xffff  }
0x64c: {  	[tilespmem:s15+$0xFFFFFFA0] =	vst v9;
	v9 =	vadd.f32 v11, v8;
	v11 =	vld.idx.msk [tilespmem:v26+s2+$0x0], $0xffff  }
0x64d: {  	v12 =	vadd.f32 v12, v8;
	[tilespmem:s15+$0xFFFFFFB0] =	vst v13;
	v13 =	vld.idx.msk [tilespmem:v27+s2+$0x0], $0xffff  }
0x64e: {  	[tilespmem:s15+$0xFFFFFFC0] =	vst v9;
	v9 =	vadd.f32 v16, v8;
	v15 =	vld.idx.msk [tilespmem:v28+s2+$0x0], $0xffff  }
0x64f: {  	[tilespmem:s15+$0xFFFFFFD0] =	vst v12;
	v12 =	vadd.f32 v17, v8;
	v16 =	vld.idx.msk [tilespmem:v29+s2+$0x0], $0xffff  }
0x650: {  	[tilespmem:s15+$0xFFFFFFE0] =	vst v9;
	v9 =	vadd.f32 v10, v8;
	v17 =	vld.idx.msk [tilespmem:v30+s2+$0x0], $0xffff  }
0x651: {  	v10 =	vadd.f32 v14, v8;
	[tilespmem:s15+$0xFFFFFFF0] =	vst v12;
	v14 =	vld.idx.msk [tilespmem:v31+s2+$0x0], $0xffff  }
0x652: {  	v11 =	vadd.f32 v11, v8;
	[tilespmem:s15+$0x0] =	vst v9;
	v18 =	vld.idx.msk [tilespmem:v32+s2+$0x0], $0xffff  }
0x653: {  	v12 =	vadd.f32 v13, v8;
	[tilespmem:s15+$0x10] =	vst v10;
	v9 =	vld.idx.msk [tilespmem:v33+s2+$0x0], $0xffff  }
.Ltmp11:
0x654: {  	v13 =	vadd.f32 v15, v8;
	[tilespmem:s15+$0x20] =	vst v11;
	v10 =	vld.idx.msk [tilespmem:v34+s2+$0x0], $0xffff;
	(pc) =	sbr.rel @p0 .LBB2_24-.Ltmp11, $4  }
0x655: {  	v15 =	vadd.f32 v16, v8;
	[tilespmem:s15+$0x30] =	vst v12;
	v11 =	vld.idx.msk [tilespmem:v35+s2+$0x0], $0xffff  }
0x656: {  	v17 =	vadd.f32 v17, v8;
	[tilespmem:s15+$0x40] =	vst v13;
	v12 =	vld.idx.msk [tilespmem:v36+s2+$0x0], $0xffff  }
0x657: {  	v16 =	vadd.f32 v14, v8;
	[tilespmem:s15+$0x50] =	vst v15;
	v13 =	vld.idx.msk [tilespmem:v37+s2+$0x0], $0xffff  }
0x658: {  	s17 =	sadd.s32 $0x200, s17;
	v15 =	vadd.f32 v18, v8;
	[tilespmem:s15+$0x60] =	vst v17;
	v14 =	vld.idx.msk [tilespmem:v38+s2+$0x0], $0xffff  }
0x659: {  	[tilespmem:s15+$0x70] =	vst v16;
	v9 =	vadd.f32 v9, v8  }
0x65a: {  	v10 =	vadd.f32 v10, v8;
	[tilespmem:s15+$0x80] =	vst v15  }
0x65b: {  	v61 =	vadd.f32 v11, v8;
	[tilespmem:s15+$0x90] =	vst v9  }
0x65c: {  	[tilespmem:s15+$0xA0] =	vst v10;
	v62 =	vadd.f32 v12, v8  }
0x65d: {  	[tilespmem:s15+$0xB0] =	vst v61;
	v63 =	vadd.f32 v13, v8  }
0x65e: {  	[tilespmem:s15+$0xC0] =	vst v62;
	v8 =	vadd.f32 v14, v8  }
0x65f: {  	[tilespmem:s15+$0xD0] =	vst v63  }
0x660: {  	[tilespmem:s15+$0xE0] =	vst v8  }
0x661: {  	[hbm4b:s23+s2] =	stream.linear.scatter [tilespmem:s5], [sflag:$0x5], $0x1000, $0x38;
	[tilespmem:$0x1FFA0] =	vst v63  }
0x662: {  	_ =	swait.ge [sflag:s13], $0x1000  }
0x663: {  	[sflag:s13] =	ssyncset.done $0x0  }
0x664: {  	s14 =	sadd.s32 $0x1, s14;
	[sflag:s13] =	ssyncadd.s32 $0xFFFFF000  }
0x665: {  	p0 =	sne.s32 s14, s24;
	_ =	swait.ge [sflag:s9], $0x1000  }
.Ltmp12:
0x666: {  	[sflag:s9] =	ssyncset.done $0x0;
	(pc) =	sbr.rel @p0 .LBB2_1-.Ltmp12, $4  }
0x667: {  	[sflag:s9] =	ssyncadd.s32 $0xFFFFF000  }
0x668: {  	_ =	swait.ge [sflag:s12], $0x1000  }
0x669: {  	[sflag:s12] =	ssyncset.done $0x0  }
0x66a: {  	[sflag:s12] =	ssyncadd.s32 $0xFFFFF000  }
0x66b: {  	_ =	sfence.sel $0x180000  }
0x66c: {  	[bflag:$0x0] =	sbarrier.arrive $0xFFFF  }
0x66d: {  	_ =	strace $0x90000047  }
0x66e: {  	s0 =	stileid.u32;
	[bflag:$0x2] =	sbarrier.arrive $0xFFFF  }
0x66f: {  	p0 =	sne.s32 s0, $0x0;
	s0 =	rddreg [dreg:$0x2]  }
0x670: {  	s0 =	sadd.s32 @!p0 $0x100000, s0  }
0x671: {  	[sflag:s0] =	ssyncadd.tile.s32 @!p0 $0x1;
	_ =	shalt  }
.Lfunc_end2:
_tile_overlayer_lowered:
.L_overlay_start_2:
0x672: {  	(tag) =	ssettag $0x2  }
0x673: {  	s0 =	rddreg [dreg:$0x0];
	s2 =	stileid.u32  }
0x674: {  	s1 =	rddreg [dreg:$0x1];
	p0 =	sne.s32 s2, $0x0  }
0x675: {  	s3 =	rddreg [dreg:$0x2];
	[bflag:$0x3] =	sbarrier.arrive $0xFFFF;
	s2 =	simm.s32 @!p0 $0x1C07  }
0x676: {  	[timem:s3], [sflag:s2] =	dma.local @!p0 [hbm:s0], s1  }
0x677: {  	s0 =	simm.s32 @!p0 $0x7  }
0x678: {  	_ =	swait.ge @!p0 [sflag:s0], s1  }
0x679: {  	s1 =	ssub.s32 @!p0 $0x0, s1;
	[sflag:s0] =	ssyncset.done @!p0 $0x0  }
0x67a: {  	[sflag:s0] =	ssyncadd.s32 @!p0 s1  }
0x67b: {  	[bflag:$0x3] =	sbarrier.arrive $0xFFFF  }
0x67c: {  	_ =	shalt  }

</sc_bundles>
